<compile_context>
chip_gen: v7x
topology: tpu7x:2x2x1
jax: 0.10.2.dev20260603
libtpu: 0.0.44.dev20260713+nightly
codegen_flags: <defaults>
</compile_context>

<pallas_src>
import functools

import jax
import jax.numpy as jnp
from jax import lax
from jax.experimental import pallas as pl
from jax.experimental.pallas import tpu as pltpu
from jax.experimental.pallas import tpu_sc as plsc

_TAU = 10.0
_DT = 1.0
_THRESH = 0.5
_VMAX = 1.0
_ATOL = 1e-5
_RTOL = 1e-8

_EB_A = 6144
_EB_C = 6144
_PB = 128

_NC = 2
_NS = 16
_NW = _NC * _NS
_IR = 128


def _mesh():
    return plsc.VectorSubcoreMesh(
        core_axis_name="c", subcore_axis_name="s",
        num_cores=_NC, num_subcores=_NS)


def _sc_params():
    return pltpu.CompilerParams(needs_layout_passes=False,
                                use_tc_tiling_on_sc=False)


def _spikes_kernel(st_lo, sv_lo, l_lo, w_lo, st_hi, sv_hi, l_hi, w_hi,
                   spkt_ref):
    def spk(st_ref, sv_ref, l_ref, w_ref):
        st = st_ref[...]
        lvals = l_ref[0]
        arrived = jnp.abs(st - lvals) <= (_ATOL + _RTOL * jnp.abs(lvals))
        return jnp.where(arrived, sv_ref[...] * w_ref[0], 0.0)

    lo = spk(st_lo, sv_lo, l_lo, w_lo)
    hi = spk(st_hi, sv_hi, l_hi, w_hi)
    spkt_ref[...] = jnp.concatenate([lo.T, hi.T], axis=1)


def _make_sc_scatter(b, e, n, ce):
    eper = e // _NW
    nchunks = eper // ce
    assert nchunks % 2 == 0
    kr = ce // _IR
    zrows = n // _NS
    zc = 8
    assert zrows % zc == 0

    @functools.partial(
        pl.kernel, mesh=_mesh(),
        out_type=jax.ShapeDtypeStruct((_NC, n, b), jnp.float32),
        scratch_types=[
            pltpu.VMEM((2, kr, _IR, b), jnp.float32),
            pltpu.VMEM((2, kr, _IR), jnp.int32),
            pltpu.VMEM((zc, b), jnp.float32),
            pltpu.VMEM_SHARED((n, b), jnp.float32),
            pltpu.SemaphoreType.DMA,
            pltpu.SemaphoreType.DMA,
            pltpu.SemaphoreType.DMA,
            pltpu.SemaphoreType.DMA,
        ],
        compiler_params=_sc_params(),
    )
    def k(spkt_hbm, tgt3_hbm, isynt_hbm, val_v, idx_v, zbuf, shared,
          in0, in1, sc0, sc1):
        cid = lax.axis_index("c")
        sid = lax.axis_index("s")
        wid = sid * _NC + cid
        rb0 = (wid * eper) // _IR
        insems = (in0, in1)
        scsems = (sc0, sc1)

        for r in range(zc):
            for q in range(b // 16):
                zbuf[r, pl.ds(q * 16, 16)] = jnp.zeros((16,), jnp.float32)
        for z in range(zrows // zc):
            pltpu.sync_copy(
                zbuf, shared.at[pl.ds(sid * zrows + z * zc, zc)])
        plsc.subcore_barrier()

        def start_in(ci, p):
            pltpu.async_copy(spkt_hbm.at[pl.ds(rb0 + ci * kr, kr)],
                             val_v.at[p], insems[p])
            pltpu.async_copy(tgt3_hbm.at[pl.ds(rb0 + ci * kr, kr)],
                             idx_v.at[p], insems[p])

        def wait_in(p):
            pltpu.make_async_copy(spkt_hbm.at[pl.ds(0, kr)], val_v.at[p],
                                  insems[p]).wait()
            pltpu.make_async_copy(tgt3_hbm.at[pl.ds(0, kr)], idx_v.at[p],
                                  insems[p]).wait()

        def issue_scatter(p):
            for j in range(kr):
                pltpu.async_copy(val_v.at[p, j],
                                 shared.at[idx_v.at[p, j]], scsems[p],
                                 add=True)

        def drain_scatter(p):
            for j in range(kr):
                pltpu.make_async_copy(val_v.at[p, j],
                                      shared.at[idx_v.at[p, j]],
                                      scsems[p]).wait()

        start_in(0, 0)

        def pair_body(i, _):
            start_in(2 * i + 1, 1)
            wait_in(0)
            issue_scatter(0)
            drain_scatter(0)

            @pl.when(2 * i + 2 < nchunks)
            def _():
                start_in(2 * i + 2, 0)
            wait_in(1)
            issue_scatter(1)
            drain_scatter(1)
            return 0
        lax.fori_loop(0, nchunks // 2, pair_body, 0)

        plsc.subcore_barrier()

        @pl.when(sid == 0)
        def _():
            pltpu.sync_copy(shared, isynt_hbm.at[cid])

    return k


def _neuron_kernel(nh, no, tail_pad, isynt_ref, vm_ref, acc_ref, inp_ref,
                   phase_ref, vexct_ref, tail_ref):
    inject = (phase_ref[...] == 2).astype(jnp.float32)
    inp = inp_ref[...]
    b = inp.shape[0]
    i_syn = (isynt_ref[0] + isynt_ref[1]).T
    i_inj = jnp.concatenate(
        [inp * inject, jnp.zeros((b, no), jnp.float32)], axis=1)
    i_syn = i_syn + i_inj
    vm = vm_ref[...]
    vm1 = vm + (i_syn - vm) * (_DT / _TAU)
    v_exc = jnp.maximum(0.0, vm1 - _THRESH)
    fired = (v_exc > 0).astype(jnp.float32)
    vm2 = vm1 - vm1 * fired + 0.2 * fired
    acc1 = acc_ref[...] + vm1[:, -no:]
    spike_rate = jnp.mean(fired, axis=1, keepdims=True)
    input_norm = jnp.sqrt(jnp.sum(inp * inp, axis=1, keepdims=True)) * inject
    vexct_ref[...] = v_exc.T
    tail_ref[...] = jnp.concatenate(
        [vm2, acc1, inject, spike_rate, input_norm,
         jnp.zeros((b, tail_pad), jnp.float32)], axis=1)


def _make_sc_gather(b, e, n, ce):
    eper = e // _NW
    nchunks = eper // ce
    assert nchunks % 2 == 0
    kr = ce // _IR
    srows = n // _NS

    @functools.partial(
        pl.kernel, mesh=_mesh(),
        out_type=jax.ShapeDtypeStruct((e // _IR, _IR, b), jnp.float32),
        scratch_types=[
            pltpu.VMEM((2, kr, _IR, b), jnp.float32),
            pltpu.VMEM((2, kr, _IR), jnp.int32),
            pltpu.VMEM_SHARED((n, b), jnp.float32),
            pltpu.SemaphoreType.DMA,
            pltpu.SemaphoreType.DMA,
            pltpu.SemaphoreType.DMA,
            pltpu.SemaphoreType.DMA,
            pltpu.SemaphoreType.DMA,
            pltpu.SemaphoreType.DMA,
        ],
        compiler_params=_sc_params(),
    )
    def k(vexct_hbm, src3_hbm, gt_hbm, g_v, idx_v, shared,
          in0, in1, ga0, ga1, out0, out1):
        cid = lax.axis_index("c")
        sid = lax.axis_index("s")
        wid = sid * _NC + cid
        rb0 = (wid * eper) // _IR
        insems = (in0, in1)
        gasems = (ga0, ga1)
        outsems = (out0, out1)

        pltpu.sync_copy(vexct_hbm.at[pl.ds(sid * srows, srows)],
                        shared.at[pl.ds(sid * srows, srows)])
        plsc.subcore_barrier()

        def start_in(ci, p):
            pltpu.async_copy(src3_hbm.at[pl.ds(rb0 + ci * kr, kr)],
                             idx_v.at[p], insems[p])

        def wait_in(p):
            pltpu.make_async_copy(src3_hbm.at[pl.ds(0, kr)], idx_v.at[p],
                                  insems[p]).wait()

        def issue_gather(p):
            for j in range(kr):
                pltpu.async_copy(shared.at[idx_v.at[p, j]],
                                 g_v.at[p, j], gasems[p])

        def drain_gather(p):
            for j in range(kr):
                pltpu.make_async_copy(shared.at[idx_v.at[p, j]],
                                      g_v.at[p, j], gasems[p]).wait()

        def start_out(ci, p):
            pltpu.async_copy(g_v.at[p],
                             gt_hbm.at[pl.ds(rb0 + ci * kr, kr)],
                             outsems[p])

        def drain_out(p):
            pltpu.make_async_copy(g_v.at[p], gt_hbm.at[pl.ds(0, kr)],
                                  outsems[p]).wait()

        start_in(0, 0)

        def pair_body(i, _):
            start_in(2 * i + 1, 1)
            wait_in(0)

            @pl.when(i > 0)
            def _():
                drain_out(0)
            issue_gather(0)
            drain_gather(0)
            start_out(2 * i, 0)

            @pl.when(2 * i + 2 < nchunks)
            def _():
                start_in(2 * i + 2, 0)
            wait_in(1)

            @pl.when(i > 0)
            def _():
                drain_out(1)
            issue_gather(1)
            drain_gather(1)
            start_out(2 * i + 1, 1)
            return 0
        lax.fori_loop(0, nchunks // 2, pair_body, 0)
        drain_out(0)
        drain_out(1)

    return k


def _pass2_kernel(n_st_blocks, st_lo_ref, sv_lo_ref, l_lo_ref, st_hi_ref,
                  sv_hi_ref, l_hi_ref, gt_ref, tail_ref, out_ref,
                  stash_sthi, stash_svlo, stash_svhi):
    i = pl.program_id(0)
    last = 2 * n_st_blocks

    def half(st_ref, sv_ref, l_ref, g):
        st = st_ref[...]
        sv = sv_ref[...]
        lvals = l_ref[0]
        arrived = jnp.abs(st - lvals) <= (_ATOL + _RTOL * jnp.abs(lvals))
        stz = jnp.where(arrived, 0.0, st)
        svz = jnp.where(arrived, 0.0, sv)
        new = (g > 0) & (st == 0)
        st2 = stz + jnp.where(stz > 0, _DT * _VMAX, 0.0) \
                  + jnp.where(new, _DT * _VMAX, 0.0)
        sv2 = svz + jnp.where(new, g, 0.0)
        return st2, sv2

    @pl.when((i < last) & (i % 4 == 0))
    def _():
        b = st_lo_ref.shape[0]
        gt = gt_ref[...]
        st2_lo, sv2_lo = half(st_lo_ref, sv_lo_ref, l_lo_ref, gt[:, :b].T)
        st2_hi, sv2_hi = half(st_hi_ref, sv_hi_ref, l_hi_ref, gt[:, b:].T)
        out_ref[...] = st2_lo
        stash_sthi[...] = st2_hi
        stash_svlo[...] = sv2_lo
        stash_svhi[...] = sv2_hi

    @pl.when((i < last) & (i % 4 == 1))
    def _():
        out_ref[...] = stash_sthi[...]

    @pl.when((i < last) & (i % 4 == 2))
    def _():
        out_ref[...] = stash_svlo[...]

    @pl.when((i < last) & (i % 4 == 3))
    def _():
        out_ref[...] = stash_svhi[...]

    @pl.when(i == last)
    def _():
        out_ref[...] = tail_ref[...]


def _pack_idx(idx, e):
    return idx.reshape(2, e // _IR, _IR // 2).transpose(1, 2, 0).reshape(
        e // _IR, _IR)


def kernel(syn_travel, syn_value, vm, acc, input_current, L_e, W_e, phase,
           src, tgt):
    b, e = syn_travel.shape
    n = vm.shape[1]
    nh = input_current.shape[1]
    no = acc.shape[1]
    f32 = jnp.float32
    half = e // 2

    eba = _EB_A
    nblk_a = half // eba
    l3 = L_e.reshape(2 * nblk_a, 1, eba)
    w3 = W_e.reshape(2 * nblk_a, 1, eba)

    def lo2(i):
        return (0, i)

    def hi2(i):
        return (0, i + nblk_a)

    def lo3(i):
        return (i, 0, 0)

    def hi3(i):
        return (i + nblk_a, 0, 0)

    spikes_t = pl.pallas_call(
        _spikes_kernel,
        grid=(nblk_a,),
        in_specs=[
            pl.BlockSpec((b, eba), lo2),
            pl.BlockSpec((b, eba), lo2),
            pl.BlockSpec((1, 1, eba), lo3),
            pl.BlockSpec((1, 1, eba), lo3),
            pl.BlockSpec((b, eba), hi2),
            pl.BlockSpec((b, eba), hi2),
            pl.BlockSpec((1, 1, eba), hi3),
            pl.BlockSpec((1, 1, eba), hi3),
        ],
        out_specs=pl.BlockSpec((eba, _PB), lambda i: (i, 0)),
        out_shape=jax.ShapeDtypeStruct((half, _PB), f32),
    )(syn_travel, syn_value, l3, w3, syn_travel, syn_value, l3, w3)

    ce = 384
    isynt = _make_sc_scatter(b, e, n, ce)(
        spikes_t.reshape(e // _IR, _IR, b), _pack_idx(tgt, e))

    tail_cols = n + no + 3
    tail_pad = _EB_C - tail_cols
    vexct, tail = pl.pallas_call(
        functools.partial(_neuron_kernel, nh, no, tail_pad),
        out_shape=[
            jax.ShapeDtypeStruct((n, b), f32),
            jax.ShapeDtypeStruct((b, _EB_C), f32),
        ],
    )(isynt, vm, acc, input_current, phase.reshape(b, 1))

    gathered_t = _make_sc_gather(b, e, n, ce)(
        vexct, _pack_idx(src, e)).reshape(half, _PB)

    ebc = _EB_C
    nblk_c = e // ebc
    nhalf_c = nblk_c // 2
    out_cols = 2 * e + tail_cols
    l3c = L_e.reshape(nblk_c, 1, ebc)

    def q_of(i):
        return jnp.minimum(i // 4, nhalf_c - 1)

    def lo_map2(i):
        return (0, q_of(i))

    def hi_map2(i):
        return (0, nhalf_c + q_of(i))

    def lo_map3(i):
        return (q_of(i), 0, 0)

    def hi_map3(i):
        return (nhalf_c + q_of(i), 0, 0)

    def gt_map(i):
        return (q_of(i), 0)

    def out_map(i):
        return (0, jnp.where(i == 2 * nblk_c, 2 * nblk_c,
                             (i % 4) * nhalf_c + i // 4))

    out = pl.pallas_call(
        functools.partial(_pass2_kernel, nblk_c),
        grid=(2 * nblk_c + 1,),
        in_specs=[
            pl.BlockSpec((b, ebc), lo_map2),
            pl.BlockSpec((b, ebc), lo_map2),
            pl.BlockSpec((1, 1, ebc), lo_map3),
            pl.BlockSpec((b, ebc), hi_map2),
            pl.BlockSpec((b, ebc), hi_map2),
            pl.BlockSpec((1, 1, ebc), hi_map3),
            pl.BlockSpec((ebc, _PB), gt_map),
            pl.BlockSpec((b, _EB_C), lambda i: (0, 0)),
        ],
        out_specs=pl.BlockSpec((b, ebc), out_map),
        out_shape=jax.ShapeDtypeStruct((b, out_cols), f32),
        scratch_shapes=[pltpu.VMEM((b, ebc), f32),
                        pltpu.VMEM((b, ebc), f32),
                        pltpu.VMEM((b, ebc), f32)],
    )(syn_travel, syn_value, l3c, syn_travel, syn_value, l3c,
      gathered_t, tail)

    return out

# --- scband reference (transcript-rebuilt; emitter-appended) ---
"""Pipeline reference for scband-small-world-snn-85933705658577 (READ-ONLY COPY).

The authoritative reference and input builder live on the scoring server;
editing this copy changes nothing except your own understanding.
"""

import jax, jax.numpy as jnp
import numpy as np

B = 64
E = 172032
NH = 2048
NO = 128
N = NH + NO
TAU = 10.0
DT = 1.0
THRESH = 0.5
VMAX = 1.0


def setup_inputs(seed: int = 0) -> dict:
    key = jax.random.key(seed)
    ks = [jax.random.fold_in(key, i) for i in range(10)]
    return {
        "syn_travel": jax.random.uniform(ks[0], (B, E), dtype=jnp.float32),
        "syn_value": jax.random.normal(ks[1], (B, E), dtype=jnp.float32),
        "vm": jax.random.normal(ks[2], (B, N), dtype=jnp.float32),
        "acc": jax.random.normal(ks[3], (B, NO), dtype=jnp.float32),
        "input_current": jax.random.normal(ks[4], (B, NH), dtype=jnp.float32),
        "L_e": jax.random.uniform(ks[5], (E,), dtype=jnp.float32),
        "W_e": jax.random.normal(ks[6], (E,), dtype=jnp.float32),
        "phase": jax.random.randint(ks[7], (B,), 0, 3, dtype=jnp.int32),
        "src": jax.random.randint(ks[8], (E,), 0, N, dtype=jnp.int32),
        "tgt": jax.random.randint(ks[9], (E,), 0, N, dtype=jnp.int32),
    }


def reference(syn_travel, syn_value, vm, acc, input_current, L_e, W_e, phase, src, tgt):
    # SmallWorldSNN.micro_step with dropout_rate=0.0 (dropout branch is a no-op).
    arrived = jnp.isclose(syn_travel, L_e, atol=1e-05, rtol=1e-08)
    spikes = syn_value * arrived * W_e
    I_syn = jnp.zeros((vm.shape[0], N), dtype=vm.dtype)
    I_syn = I_syn.at[:, tgt].add(spikes)
    inject_mask = (phase == 2).astype(input_current.dtype)
    I_syn = I_syn.at[:, :NH].add(input_current * inject_mask[:, None])
    input_norm = jnp.linalg.norm(input_current, axis=1) * inject_mask
    vm1 = vm + (-vm + I_syn) * (DT / TAU)
    v_exc = jnp.maximum(0.0, vm1 - THRESH)
    fired = v_exc > 0
    idle = syn_travel == 0
    new_spikes = fired[:, src] & idle
    st = syn_travel * (~arrived)
    sv = syn_value * (~arrived)
    out_vm = vm1[:, -NO:]
    acc1 = acc + out_vm
    fired_float = fired.astype(vm1.dtype)
    vm2 = vm1 - vm1 * fired_float + 0.2 * fired_float
    st = st + (st > 0).astype(vm1.dtype) * DT * VMAX
    st = st + new_spikes.astype(vm1.dtype) * DT * VMAX
    sv = sv + new_spikes.astype(vm1.dtype) * v_exc[:, src]
    spike_rate = fired_float.mean(axis=1)
    # Pack new state (syn_travel, syn_value, vm, acc) and float stats into one array.
    out = jnp.concatenate(
        [st, sv, vm2, acc1, inject_mask[:, None], spike_rate[:, None], input_norm[:, None]],
        axis=1,
    )
    return out

if __name__ == "__main__":
    import jax
    _d = setup_inputs()
    print(jax.jit(kernel)(*tuple(_d.values())))

</pallas_src>

<mosaic_0001>
#map = affine_map<(d0, d1) -> (0, 0, 0)>
#map1 = affine_map<(d0, d1) -> (0, 0)>
module attributes {stable_mosaic.version = 14 : i64} {
  func.func @k(%arg0: i32, %arg1: i32, %arg2: memref<1344x128x64xf32, #tpu.memory_space<hbm>>, %arg3: memref<1344x128xi32, #tpu.memory_space<hbm>>, %arg4: memref<2x2176x64xf32, #tpu.memory_space<hbm>>, %arg5: memref<2x3x128x64xf32, #tpu.memory_space<vmem>>, %arg6: memref<2x3x128xi32, #tpu.memory_space<vmem>>, %arg7: memref<8x64xf32, #tpu.memory_space<vmem>>, %arg8: memref<2176x64xf32, #tpu.memory_space<vmem_shared>>, %arg9: memref<!tpu.dma_semaphore, #tpu.memory_space<semaphore_mem>>, %arg10: memref<!tpu.dma_semaphore, #tpu.memory_space<semaphore_mem>>, %arg11: memref<!tpu.dma_semaphore, #tpu.memory_space<semaphore_mem>>, %arg12: memref<!tpu.dma_semaphore, #tpu.memory_space<semaphore_mem>>) attributes {dimension_semantics = [#tpu.dimension_semantics<core_parallel>, #tpu.dimension_semantics<subcore_parallel>], iteration_bounds = array<i64: 2, 16>, scalar_prefetch = 0 : i64, scratch_operands = 8 : i64, tpu.core_type = #tpu.core_type<sc_vector_subcore>, window_params = [{transform_indices = #map}, {transform_indices = #map1}, {transform_indices = #map}]} {
    %mul3A = arith.constant 2 : i32
    %mul3A_0 = arith.muli %arg1, %mul3A : i32
    %add3A = arith.addi %mul3A_0, %arg0 : i32
    %mul3A_1 = arith.constant 5376 : i32
    %mul3A_2 = arith.muli %add3A, %mul3A_1 : i32
    %jit3A = arith.constant 128 : i32
    %div3A = arith.divsi %mul3A_2, %jit3A : i32
    %sign3A = arith.constant 0 : i32
    %sign3A_3 = arith.cmpi sgt, %mul3A_2, %sign3A : i32
    %sign3A_4 = arith.extui %sign3A_3 : i1 to i32
    %sign3A_5 = arith.constant 0 : i32
    %sign3A_6 = arith.cmpi slt, %mul3A_2, %sign3A_5 : i32
    %sign3A_7 = arith.extui %sign3A_6 : i1 to i32
    %sign3A_8 = arith.subi %sign3A_4, %sign3A_7 : i32
    %sign3A_9 = arith.constant 0 : i32
    %sign3A_10 = arith.cmpi sgt, %jit3A, %sign3A_9 : i32
    %sign3A_11 = arith.extui %sign3A_10 : i1 to i32
    %sign3A_12 = arith.constant 0 : i32
    %sign3A_13 = arith.cmpi slt, %jit3A, %sign3A_12 : i32
    %sign3A_14 = arith.extui %sign3A_13 : i1 to i32
    %sign3A_15 = arith.subi %sign3A_11, %sign3A_14 : i32
    %ne3A = arith.cmpi ne, %sign3A_8, %sign3A_15 : i32
    %rem3A = arith.remsi %mul3A_2, %jit3A : i32
    %ne3A_16 = arith.constant 0 : i32
    %ne3A_17 = arith.cmpi ne, %rem3A, %ne3A_16 : i32
    %and3A = arith.andi %ne3A, %ne3A_17 : i1
    %sub3A = arith.constant 1 : i32
    %sub3A_18 = arith.subi %div3A, %sub3A : i32
    %select_n3A = arith.select %and3A, %sub3A_18, %div3A : i32
    %broadcast_in_dim3A = arith.constant 0.000000e+00 : f32
    %broadcast_in_dim3A_19 = vector.broadcast %broadcast_in_dim3A : f32 to vector<16xf32>
    %swap3A = arith.constant 0 : i32
    %swap3A_20 = arith.index_cast %swap3A : i32 to index
    %swap3A_21 = arith.constant 0 : index
    %swap3A_22 = tpu.vector_load %arg7[%swap3A_20, %swap3A_21] {strides = array<i32>} : memref<8x64xf32, #tpu.memory_space<vmem>>, vector<16xf32>,
    tpu.vector_store %arg7[%swap3A_20, %swap3A_21], %broadcast_in_dim3A_19 {strides = array<i32>} : memref<8x64xf32, #tpu.memory_space<vmem>>, vector<16xf32>,
    %broadcast_in_dim3A_23 = arith.constant 0.000000e+00 : f32
    %broadcast_in_dim3A_24 = vector.broadcast %broadcast_in_dim3A_23 : f32 to vector<16xf32>
    %swap3A_25 = arith.constant 0 : i32
    %swap3A_26 = arith.index_cast %swap3A_25 : i32 to index
    %swap3A_27 = arith.constant 16 : index
    %swap3A_28 = tpu.vector_load %arg7[%swap3A_26, %swap3A_27] {strides = array<i32>} : memref<8x64xf32, #tpu.memory_space<vmem>>, vector<16xf32>,
    tpu.vector_store %arg7[%swap3A_26, %swap3A_27], %broadcast_in_dim3A_24 {strides = array<i32>} : memref<8x64xf32, #tpu.memory_space<vmem>>, vector<16xf32>,
    %broadcast_in_dim3A_29 = arith.constant 0.000000e+00 : f32
    %broadcast_in_dim3A_30 = vector.broadcast %broadcast_in_dim3A_29 : f32 to vector<16xf32>
    %swap3A_31 = arith.constant 0 : i32
    %swap3A_32 = arith.index_cast %swap3A_31 : i32 to index
    %swap3A_33 = arith.constant 32 : index
    %swap3A_34 = tpu.vector_load %arg7[%swap3A_32, %swap3A_33] {strides = array<i32>} : memref<8x64xf32, #tpu.memory_space<vmem>>, vector<16xf32>,
    tpu.vector_store %arg7[%swap3A_32, %swap3A_33], %broadcast_in_dim3A_30 {strides = array<i32>} : memref<8x64xf32, #tpu.memory_space<vmem>>, vector<16xf32>,
    %broadcast_in_dim3A_35 = arith.constant 0.000000e+00 : f32
    %broadcast_in_dim3A_36 = vector.broadcast %broadcast_in_dim3A_35 : f32 to vector<16xf32>
    %swap3A_37 = arith.constant 0 : i32
    %swap3A_38 = arith.index_cast %swap3A_37 : i32 to index
    %swap3A_39 = arith.constant 48 : index
    %swap3A_40 = tpu.vector_load %arg7[%swap3A_38, %swap3A_39] {strides = array<i32>} : memref<8x64xf32, #tpu.memory_space<vmem>>, vector<16xf32>,
    tpu.vector_store %arg7[%swap3A_38, %swap3A_39], %broadcast_in_dim3A_36 {strides = array<i32>} : memref<8x64xf32, #tpu.memory_space<vmem>>, vector<16xf32>,
    %broadcast_in_dim3A_41 = arith.constant 0.000000e+00 : f32
    %broadcast_in_dim3A_42 = vector.broadcast %broadcast_in_dim3A_41 : f32 to vector<16xf32>
    %swap3A_43 = arith.constant 1 : i32
    %swap3A_44 = arith.index_cast %swap3A_43 : i32 to index
    %swap3A_45 = arith.constant 0 : index
    %swap3A_46 = tpu.vector_load %arg7[%swap3A_44, %swap3A_45] {strides = array<i32>} : memref<8x64xf32, #tpu.memory_space<vmem>>, vector<16xf32>,
    tpu.vector_store %arg7[%swap3A_44, %swap3A_45], %broadcast_in_dim3A_42 {strides = array<i32>} : memref<8x64xf32, #tpu.memory_space<vmem>>, vector<16xf32>,
    %broadcast_in_dim3A_47 = arith.constant 0.000000e+00 : f32
    %broadcast_in_dim3A_48 = vector.broadcast %broadcast_in_dim3A_47 : f32 to vector<16xf32>
    %swap3A_49 = arith.constant 1 : i32
    %swap3A_50 = arith.index_cast %swap3A_49 : i32 to index
    %swap3A_51 = arith.constant 16 : index
    %swap3A_52 = tpu.vector_load %arg7[%swap3A_50, %swap3A_51] {strides = array<i32>} : memref<8x64xf32, #tpu.memory_space<vmem>>, vector<16xf32>,
    tpu.vector_store %arg7[%swap3A_50, %swap3A_51], %broadcast_in_dim3A_48 {strides = array<i32>} : memref<8x64xf32, #tpu.memory_space<vmem>>, vector<16xf32>,
    %broadcast_in_dim3A_53 = arith.constant 0.000000e+00 : f32
    %broadcast_in_dim3A_54 = vector.broadcast %broadcast_in_dim3A_53 : f32 to vector<16xf32>
    %swap3A_55 = arith.constant 1 : i32
    %swap3A_56 = arith.index_cast %swap3A_55 : i32 to index
    %swap3A_57 = arith.constant 32 : index
    %swap3A_58 = tpu.vector_load %arg7[%swap3A_56, %swap3A_57] {strides = array<i32>} : memref<8x64xf32, #tpu.memory_space<vmem>>, vector<16xf32>,
    tpu.vector_store %arg7[%swap3A_56, %swap3A_57], %broadcast_in_dim3A_54 {strides = array<i32>} : memref<8x64xf32, #tpu.memory_space<vmem>>, vector<16xf32>,
    %broadcast_in_dim3A_59 = arith.constant 0.000000e+00 : f32
    %broadcast_in_dim3A_60 = vector.broadcast %broadcast_in_dim3A_59 : f32 to vector<16xf32>
    %swap3A_61 = arith.constant 1 : i32
    %swap3A_62 = arith.index_cast %swap3A_61 : i32 to index
    %swap3A_63 = arith.constant 48 : index
    %swap3A_64 = tpu.vector_load %arg7[%swap3A_62, %swap3A_63] {strides = array<i32>} : memref<8x64xf32, #tpu.memory_space<vmem>>, vector<16xf32>,
    tpu.vector_store %arg7[%swap3A_62, %swap3A_63], %broadcast_in_dim3A_60 {strides = array<i32>} : memref<8x64xf32, #tpu.memory_space<vmem>>, vector<16xf32>,
    %broadcast_in_dim3A_65 = arith.constant 0.000000e+00 : f32
    %broadcast_in_dim3A_66 = vector.broadcast %broadcast_in_dim3A_65 : f32 to vector<16xf32>
    %swap3A_67 = arith.constant 2 : i32
    %swap3A_68 = arith.index_cast %swap3A_67 : i32 to index
    %swap3A_69 = arith.constant 0 : index
    %swap3A_70 = tpu.vector_load %arg7[%swap3A_68, %swap3A_69] {strides = array<i32>} : memref<8x64xf32, #tpu.memory_space<vmem>>, vector<16xf32>,
    tpu.vector_store %arg7[%swap3A_68, %swap3A_69], %broadcast_in_dim3A_66 {strides = array<i32>} : memref<8x64xf32, #tpu.memory_space<vmem>>, vector<16xf32>,
    %broadcast_in_dim3A_71 = arith.constant 0.000000e+00 : f32
    %broadcast_in_dim3A_72 = vector.broadcast %broadcast_in_dim3A_71 : f32 to vector<16xf32>
    %swap3A_73 = arith.constant 2 : i32
    %swap3A_74 = arith.index_cast %swap3A_73 : i32 to index
    %swap3A_75 = arith.constant 16 : index
    %swap3A_76 = tpu.vector_load %arg7[%swap3A_74, %swap3A_75] {strides = array<i32>} : memref<8x64xf32, #tpu.memory_space<vmem>>, vector<16xf32>,
    tpu.vector_store %arg7[%swap3A_74, %swap3A_75], %broadcast_in_dim3A_72 {strides = array<i32>} : memref<8x64xf32, #tpu.memory_space<vmem>>, vector<16xf32>,
    %broadcast_in_dim3A_77 = arith.constant 0.000000e+00 : f32
    %broadcast_in_dim3A_78 = vector.broadcast %broadcast_in_dim3A_77 : f32 to vector<16xf32>
    %swap3A_79 = arith.constant 2 : i32
    %swap3A_80 = arith.index_cast %swap3A_79 : i32 to index
    %swap3A_81 = arith.constant 32 : index
    %swap3A_82 = tpu.vector_load %arg7[%swap3A_80, %swap3A_81] {strides = array<i32>} : memref<8x64xf32, #tpu.memory_space<vmem>>, vector<16xf32>,
    tpu.vector_store %arg7[%swap3A_80, %swap3A_81], %broadcast_in_dim3A_78 {strides = array<i32>} : memref<8x64xf32, #tpu.memory_space<vmem>>, vector<16xf32>,
    %broadcast_in_dim3A_83 = arith.constant 0.000000e+00 : f32
    %broadcast_in_dim3A_84 = vector.broadcast %broadcast_in_dim3A_83 : f32 to vector<16xf32>
    %swap3A_85 = arith.constant 2 : i32
    %swap3A_86 = arith.index_cast %swap3A_85 : i32 to index
    %swap3A_87 = arith.constant 48 : index
    %swap3A_88 = tpu.vector_load %arg7[%swap3A_86, %swap3A_87] {strides = array<i32>} : memref<8x64xf32, #tpu.memory_space<vmem>>, vector<16xf32>,
    tpu.vector_store %arg7[%swap3A_86, %swap3A_87], %broadcast_in_dim3A_84 {strides = array<i32>} : memref<8x64xf32, #tpu.memory_space<vmem>>, vector<16xf32>,
    %broadcast_in_dim3A_89 = arith.constant 0.000000e+00 : f32
    %broadcast_in_dim3A_90 = vector.broadcast %broadcast_in_dim3A_89 : f32 to vector<16xf32>
    %swap3A_91 = arith.constant 3 : i32
    %swap3A_92 = arith.index_cast %swap3A_91 : i32 to index
    %swap3A_93 = arith.constant 0 : index
    %swap3A_94 = tpu.vector_load %arg7[%swap3A_92, %swap3A_93] {strides = array<i32>} : memref<8x64xf32, #tpu.memory_space<vmem>>, vector<16xf32>,
    tpu.vector_store %arg7[%swap3A_92, %swap3A_93], %broadcast_in_dim3A_90 {strides = array<i32>} : memref<8x64xf32, #tpu.memory_space<vmem>>, vector<16xf32>,
    %broadcast_in_dim3A_95 = arith.constant 0.000000e+00 : f32
    %broadcast_in_dim3A_96 = vector.broadcast %broadcast_in_dim3A_95 : f32 to vector<16xf32>
    %swap3A_97 = arith.constant 3 : i32
    %swap3A_98 = arith.index_cast %swap3A_97 : i32 to index
    %swap3A_99 = arith.constant 16 : index
    %swap3A_100 = tpu.vector_load %arg7[%swap3A_98, %swap3A_99] {strides = array<i32>} : memref<8x64xf32, #tpu.memory_space<vmem>>, vector<16xf32>,
    tpu.vector_store %arg7[%swap3A_98, %swap3A_99], %broadcast_in_dim3A_96 {strides = array<i32>} : memref<8x64xf32, #tpu.memory_space<vmem>>, vector<16xf32>,
    %broadcast_in_dim3A_101 = arith.constant 0.000000e+00 : f32
    %broadcast_in_dim3A_102 = vector.broadcast %broadcast_in_dim3A_101 : f32 to vector<16xf32>
    %swap3A_103 = arith.constant 3 : i32
    %swap3A_104 = arith.index_cast %swap3A_103 : i32 to index
    %swap3A_105 = arith.constant 32 : index
    %swap3A_106 = tpu.vector_load %arg7[%swap3A_104, %swap3A_105] {strides = array<i32>} : memref<8x64xf32, #tpu.memory_space<vmem>>, vector<16xf32>,
    tpu.vector_store %arg7[%swap3A_104, %swap3A_105], %broadcast_in_dim3A_102 {strides = array<i32>} : memref<8x64xf32, #tpu.memory_space<vmem>>, vector<16xf32>,
    %broadcast_in_dim3A_107 = arith.constant 0.000000e+00 : f32
    %broadcast_in_dim3A_108 = vector.broadcast %broadcast_in_dim3A_107 : f32 to vector<16xf32>
    %swap3A_109 = arith.constant 3 : i32
    %swap3A_110 = arith.index_cast %swap3A_109 : i32 to index
    %swap3A_111 = arith.constant 48 : index
    %swap3A_112 = tpu.vector_load %arg7[%swap3A_110, %swap3A_111] {strides = array<i32>} : memref<8x64xf32, #tpu.memory_space<vmem>>, vector<16xf32>,
    tpu.vector_store %arg7[%swap3A_110, %swap3A_111], %broadcast_in_dim3A_108 {strides = array<i32>} : memref<8x64xf32, #tpu.memory_space<vmem>>, vector<16xf32>,
    %broadcast_in_dim3A_113 = arith.constant 0.000000e+00 : f32
    %broadcast_in_dim3A_114 = vector.broadcast %broadcast_in_dim3A_113 : f32 to vector<16xf32>
    %swap3A_115 = arith.constant 4 : i32
    %swap3A_116 = arith.index_cast %swap3A_115 : i32 to index
    %swap3A_117 = arith.constant 0 : index
    %swap3A_118 = tpu.vector_load %arg7[%swap3A_116, %swap3A_117] {strides = array<i32>} : memref<8x64xf32, #tpu.memory_space<vmem>>, vector<16xf32>,
    tpu.vector_store %arg7[%swap3A_116, %swap3A_117], %broadcast_in_dim3A_114 {strides = array<i32>} : memref<8x64xf32, #tpu.memory_space<vmem>>, vector<16xf32>,
    %broadcast_in_dim3A_119 = arith.constant 0.000000e+00 : f32
    %broadcast_in_dim3A_120 = vector.broadcast %broadcast_in_dim3A_119 : f32 to vector<16xf32>
    %swap3A_121 = arith.constant 4 : i32
    %swap3A_122 = arith.index_cast %swap3A_121 : i32 to index
    %swap3A_123 = arith.constant 16 : index
    %swap3A_124 = tpu.vector_load %arg7[%swap3A_122, %swap3A_123] {strides = array<i32>} : memref<8x64xf32, #tpu.memory_space<vmem>>, vector<16xf32>,
    tpu.vector_store %arg7[%swap3A_122, %swap3A_123], %broadcast_in_dim3A_120 {strides = array<i32>} : memref<8x64xf32, #tpu.memory_space<vmem>>, vector<16xf32>,
    %broadcast_in_dim3A_125 = arith.constant 0.000000e+00 : f32
    %broadcast_in_dim3A_126 = vector.broadcast %broadcast_in_dim3A_125 : f32 to vector<16xf32>
    %swap3A_127 = arith.constant 4 : i32
    %swap3A_128 = arith.index_cast %swap3A_127 : i32 to index
    %swap3A_129 = arith.constant 32 : index
    %swap3A_130 = tpu.vector_load %arg7[%swap3A_128, %swap3A_129] {strides = array<i32>} : memref<8x64xf32, #tpu.memory_space<vmem>>, vector<16xf32>,
    tpu.vector_store %arg7[%swap3A_128, %swap3A_129], %broadcast_in_dim3A_126 {strides = array<i32>} : memref<8x64xf32, #tpu.memory_space<vmem>>, vector<16xf32>,
    %broadcast_in_dim3A_131 = arith.constant 0.000000e+00 : f32
    %broadcast_in_dim3A_132 = vector.broadcast %broadcast_in_dim3A_131 : f32 to vector<16xf32>
    %swap3A_133 = arith.constant 4 : i32
    %swap3A_134 = arith.index_cast %swap3A_133 : i32 to index
    %swap3A_135 = arith.constant 48 : index
    %swap3A_136 = tpu.vector_load %arg7[%swap3A_134, %swap3A_135] {strides = array<i32>} : memref<8x64xf32, #tpu.memory_space<vmem>>, vector<16xf32>,
    tpu.vector_store %arg7[%swap3A_134, %swap3A_135], %broadcast_in_dim3A_132 {strides = array<i32>} : memref<8x64xf32, #tpu.memory_space<vmem>>, vector<16xf32>,
    %broadcast_in_dim3A_137 = arith.constant 0.000000e+00 : f32
    %broadcast_in_dim3A_138 = vector.broadcast %broadcast_in_dim3A_137 : f32 to vector<16xf32>
    %swap3A_139 = arith.constant 5 : i32
    %swap3A_140 = arith.index_cast %swap3A_139 : i32 to index
    %swap3A_141 = arith.constant 0 : index
    %swap3A_142 = tpu.vector_load %arg7[%swap3A_140, %swap3A_141] {strides = array<i32>} : memref<8x64xf32, #tpu.memory_space<vmem>>, vector<16xf32>,
    tpu.vector_store %arg7[%swap3A_140, %swap3A_141], %broadcast_in_dim3A_138 {strides = array<i32>} : memref<8x64xf32, #tpu.memory_space<vmem>>, vector<16xf32>,
    %broadcast_in_dim3A_143 = arith.constant 0.000000e+00 : f32
    %broadcast_in_dim3A_144 = vector.broadcast %broadcast_in_dim3A_143 : f32 to vector<16xf32>
    %swap3A_145 = arith.constant 5 : i32
    %swap3A_146 = arith.index_cast %swap3A_145 : i32 to index
    %swap3A_147 = arith.constant 16 : index
    %swap3A_148 = tpu.vector_load %arg7[%swap3A_146, %swap3A_147] {strides = array<i32>} : memref<8x64xf32, #tpu.memory_space<vmem>>, vector<16xf32>,
    tpu.vector_store %arg7[%swap3A_146, %swap3A_147], %broadcast_in_dim3A_144 {strides = array<i32>} : memref<8x64xf32, #tpu.memory_space<vmem>>, vector<16xf32>,
    %broadcast_in_dim3A_149 = arith.constant 0.000000e+00 : f32
    %broadcast_in_dim3A_150 = vector.broadcast %broadcast_in_dim3A_149 : f32 to vector<16xf32>
    %swap3A_151 = arith.constant 5 : i32
    %swap3A_152 = arith.index_cast %swap3A_151 : i32 to index
    %swap3A_153 = arith.constant 32 : index
    %swap3A_154 = tpu.vector_load %arg7[%swap3A_152, %swap3A_153] {strides = array<i32>} : memref<8x64xf32, #tpu.memory_space<vmem>>, vector<16xf32>,
    tpu.vector_store %arg7[%swap3A_152, %swap3A_153], %broadcast_in_dim3A_150 {strides = array<i32>} : memref<8x64xf32, #tpu.memory_space<vmem>>, vector<16xf32>,
    %broadcast_in_dim3A_155 = arith.constant 0.000000e+00 : f32
    %broadcast_in_dim3A_156 = vector.broadcast %broadcast_in_dim3A_155 : f32 to vector<16xf32>
    %swap3A_157 = arith.constant 5 : i32
    %swap3A_158 = arith.index_cast %swap3A_157 : i32 to index
    %swap3A_159 = arith.constant 48 : index
    %swap3A_160 = tpu.vector_load %arg7[%swap3A_158, %swap3A_159] {strides = array<i32>} : memref<8x64xf32, #tpu.memory_space<vmem>>, vector<16xf32>,
    tpu.vector_store %arg7[%swap3A_158, %swap3A_159], %broadcast_in_dim3A_156 {strides = array<i32>} : memref<8x64xf32, #tpu.memory_space<vmem>>, vector<16xf32>,
    %broadcast_in_dim3A_161 = arith.constant 0.000000e+00 : f32
    %broadcast_in_dim3A_162 = vector.broadcast %broadcast_in_dim3A_161 : f32 to vector<16xf32>
    %swap3A_163 = arith.constant 6 : i32
    %swap3A_164 = arith.index_cast %swap3A_163 : i32 to index
    %swap3A_165 = arith.constant 0 : index
    %swap3A_166 = tpu.vector_load %arg7[%swap3A_164, %swap3A_165] {strides = array<i32>} : memref<8x64xf32, #tpu.memory_space<vmem>>, vector<16xf32>,
    tpu.vector_store %arg7[%swap3A_164, %swap3A_165], %broadcast_in_dim3A_162 {strides = array<i32>} : memref<8x64xf32, #tpu.memory_space<vmem>>, vector<16xf32>,
    %broadcast_in_dim3A_167 = arith.constant 0.000000e+00 : f32
    %broadcast_in_dim3A_168 = vector.broadcast %broadcast_in_dim3A_167 : f32 to vector<16xf32>
    %swap3A_169 = arith.constant 6 : i32
    %swap3A_170 = arith.index_cast %swap3A_169 : i32 to index
    %swap3A_171 = arith.constant 16 : index
    %swap3A_172 = tpu.vector_load %arg7[%swap3A_170, %swap3A_171] {strides = array<i32>} : memref<8x64xf32, #tpu.memory_space<vmem>>, vector<16xf32>,
    tpu.vector_store %arg7[%swap3A_170, %swap3A_171], %broadcast_in_dim3A_168 {strides = array<i32>} : memref<8x64xf32, #tpu.memory_space<vmem>>, vector<16xf32>,
    %broadcast_in_dim3A_173 = arith.constant 0.000000e+00 : f32
    %broadcast_in_dim3A_174 = vector.broadcast %broadcast_in_dim3A_173 : f32 to vector<16xf32>
    %swap3A_175 = arith.constant 6 : i32
    %swap3A_176 = arith.index_cast %swap3A_175 : i32 to index
    %swap3A_177 = arith.constant 32 : index
    %swap3A_178 = tpu.vector_load %arg7[%swap3A_176, %swap3A_177] {strides = array<i32>} : memref<8x64xf32, #tpu.memory_space<vmem>>, vector<16xf32>,
    tpu.vector_store %arg7[%swap3A_176, %swap3A_177], %broadcast_in_dim3A_174 {strides = array<i32>} : memref<8x64xf32, #tpu.memory_space<vmem>>, vector<16xf32>,
    %broadcast_in_dim3A_179 = arith.constant 0.000000e+00 : f32
    %broadcast_in_dim3A_180 = vector.broadcast %broadcast_in_dim3A_179 : f32 to vector<16xf32>
    %swap3A_181 = arith.constant 6 : i32
    %swap3A_182 = arith.index_cast %swap3A_181 : i32 to index
    %swap3A_183 = arith.constant 48 : index
    %swap3A_184 = tpu.vector_load %arg7[%swap3A_182, %swap3A_183] {strides = array<i32>} : memref<8x64xf32, #tpu.memory_space<vmem>>, vector<16xf32>,
    tpu.vector_store %arg7[%swap3A_182, %swap3A_183], %broadcast_in_dim3A_180 {strides = array<i32>} : memref<8x64xf32, #tpu.memory_space<vmem>>, vector<16xf32>,
    %broadcast_in_dim3A_185 = arith.constant 0.000000e+00 : f32
    %broadcast_in_dim3A_186 = vector.broadcast %broadcast_in_dim3A_185 : f32 to vector<16xf32>
    %swap3A_187 = arith.constant 7 : i32
    %swap3A_188 = arith.index_cast %swap3A_187 : i32 to index
    %swap3A_189 = arith.constant 0 : index
    %swap3A_190 = tpu.vector_load %arg7[%swap3A_188, %swap3A_189] {strides = array<i32>} : memref<8x64xf32, #tpu.memory_space<vmem>>, vector<16xf32>,
    tpu.vector_store %arg7[%swap3A_188, %swap3A_189], %broadcast_in_dim3A_186 {strides = array<i32>} : memref<8x64xf32, #tpu.memory_space<vmem>>, vector<16xf32>,
    %broadcast_in_dim3A_191 = arith.constant 0.000000e+00 : f32
    %broadcast_in_dim3A_192 = vector.broadcast %broadcast_in_dim3A_191 : f32 to vector<16xf32>
    %swap3A_193 = arith.constant 7 : i32
    %swap3A_194 = arith.index_cast %swap3A_193 : i32 to index
    %swap3A_195 = arith.constant 16 : index
    %swap3A_196 = tpu.vector_load %arg7[%swap3A_194, %swap3A_195] {strides = array<i32>} : memref<8x64xf32, #tpu.memory_space<vmem>>, vector<16xf32>,
    tpu.vector_store %arg7[%swap3A_194, %swap3A_195], %broadcast_in_dim3A_192 {strides = array<i32>} : memref<8x64xf32, #tpu.memory_space<vmem>>, vector<16xf32>,
    %broadcast_in_dim3A_197 = arith.constant 0.000000e+00 : f32
    %broadcast_in_dim3A_198 = vector.broadcast %broadcast_in_dim3A_197 : f32 to vector<16xf32>
    %swap3A_199 = arith.constant 7 : i32
    %swap3A_200 = arith.index_cast %swap3A_199 : i32 to index
    %swap3A_201 = arith.constant 32 : index
    %swap3A_202 = tpu.vector_load %arg7[%swap3A_200, %swap3A_201] {strides = array<i32>} : memref<8x64xf32, #tpu.memory_space<vmem>>, vector<16xf32>,
    tpu.vector_store %arg7[%swap3A_200, %swap3A_201], %broadcast_in_dim3A_198 {strides = array<i32>} : memref<8x64xf32, #tpu.memory_space<vmem>>, vector<16xf32>,
    %broadcast_in_dim3A_203 = arith.constant 0.000000e+00 : f32
    %broadcast_in_dim3A_204 = vector.broadcast %broadcast_in_dim3A_203 : f32 to vector<16xf32>
    %swap3A_205 = arith.constant 7 : i32
    %swap3A_206 = arith.index_cast %swap3A_205 : i32 to index
    %swap3A_207 = arith.constant 48 : index
    %swap3A_208 = tpu.vector_load %arg7[%swap3A_206, %swap3A_207] {strides = array<i32>} : memref<8x64xf32, #tpu.memory_space<vmem>>, vector<16xf32>,
    tpu.vector_store %arg7[%swap3A_206, %swap3A_207], %broadcast_in_dim3A_204 {strides = array<i32>} : memref<8x64xf32, #tpu.memory_space<vmem>>, vector<16xf32>,
    %mul3A_209 = arith.constant 136 : i32
    %mul3A_210 = arith.muli %arg1, %mul3A_209 : i32
    %add3A_211 = arith.constant 0 : i32
    %add3A_212 = arith.addi %mul3A_210, %add3A_211 : i32
    "tpu.region"() ({
      %run_scoped3A = tpu.sem_alloc : memref<!tpu.dma_semaphore, #tpu.memory_space<semaphore_mem>>
      %dma_start3A_319 = arith.constant 0 : i32
      %dma_start3A_320 = tpu.memref_slice %arg8[%add3A_212, %dma_start3A_319] : memref<2176x64xf32, #tpu.memory_space<vmem_shared>> -> memref<8x64xf32, #tpu.memory_space<vmem_shared>>
      %dma_start3A_321 = arith.constant 0 : i32
      %dma_start3A_322 = tpu.memref_slice %arg8[%add3A_212, %dma_start3A_321] : memref<2176x64xf32, #tpu.memory_space<vmem_shared>> -> memref<8x64xf32, #tpu.memory_space<vmem_shared>>
      tpu.enqueue_dma source(%arg7 : memref<8x64xf32, #tpu.memory_space<vmem>>) target(%dma_start3A_322 : memref<8x64xf32, #tpu.memory_space<vmem_shared>>) target_semaphore(%run_scoped3A : memref<!tpu.dma_semaphore, #tpu.memory_space<semaphore_mem>>)
      %dma_wait3A = arith.constant 0 : i32
      %dma_wait3A_323 = tpu.memref_slice %arg8[%add3A_212, %dma_wait3A] : memref<2176x64xf32, #tpu.memory_space<vmem_shared>> -> memref<8x64xf32, #tpu.memory_space<vmem_shared>>
      %dma_wait3A_324 = arith.constant 0 : i32
      %dma_wait3A_325 = tpu.memref_slice %arg8[%add3A_212, %dma_wait3A_324] : memref<2176x64xf32, #tpu.memory_space<vmem_shared>> -> memref<8x64xf32, #tpu.memory_space<vmem_shared>>
      tpu.wait_dma2 semaphore(%run_scoped3A : memref<!tpu.dma_semaphore, #tpu.memory_space<semaphore_mem>>) src(%arg7 : memref<8x64xf32, #tpu.memory_space<vmem>>) dst(%dma_wait3A_325 : memref<8x64xf32, #tpu.memory_space<vmem_shared>>)
      tpu.yield
    }) : () -> ()
    %mul3A_213 = arith.constant 136 : i32
    %mul3A_214 = arith.muli %arg1, %mul3A_213 : i32
    %add3A_215 = arith.constant 8 : i32
    %add3A_216 = arith.addi %mul3A_214, %add3A_215 : i32
    "tpu.region"() ({
      %run_scoped3A = tpu.sem_alloc : memref<!tpu.dma_semaphore, #tpu.memory_space<semaphore_mem>>
      %dma_start3A_319 = arith.constant 0 : i32
      %dma_start3A_320 = tpu.memref_slice %arg8[%add3A_216, %dma_start3A_319] : memref<2176x64xf32, #tpu.memory_space<vmem_shared>> -> memref<8x64xf32, #tpu.memory_space<vmem_shared>>
      %dma_start3A_321 = arith.constant 0 : i32
      %dma_start3A_322 = tpu.memref_slice %arg8[%add3A_216, %dma_start3A_321] : memref<2176x64xf32, #tpu.memory_space<vmem_shared>> -> memref<8x64xf32, #tpu.memory_space<vmem_shared>>
      tpu.enqueue_dma source(%arg7 : memref<8x64xf32, #tpu.memory_space<vmem>>) target(%dma_start3A_322 : memref<8x64xf32, #tpu.memory_space<vmem_shared>>) target_semaphore(%run_scoped3A : memref<!tpu.dma_semaphore, #tpu.memory_space<semaphore_mem>>)
      %dma_wait3A = arith.constant 0 : i32
      %dma_wait3A_323 = tpu.memref_slice %arg8[%add3A_216, %dma_wait3A] : memref<2176x64xf32, #tpu.memory_space<vmem_shared>> -> memref<8x64xf32, #tpu.memory_space<vmem_shared>>
      %dma_wait3A_324 = arith.constant 0 : i32
      %dma_wait3A_325 = tpu.memref_slice %arg8[%add3A_216, %dma_wait3A_324] : memref<2176x64xf32, #tpu.memory_space<vmem_shared>> -> memref<8x64xf32, #tpu.memory_space<vmem_shared>>
      tpu.wait_dma2 semaphore(%run_scoped3A : memref<!tpu.dma_semaphore, #tpu.memory_space<semaphore_mem>>) src(%arg7 : memref<8x64xf32, #tpu.memory_space<vmem>>) dst(%dma_wait3A_325 : memref<8x64xf32, #tpu.memory_space<vmem_shared>>)
      tpu.yield
    }) : () -> ()
    %mul3A_217 = arith.constant 136 : i32
    %mul3A_218 = arith.muli %arg1, %mul3A_217 : i32
    %add3A_219 = arith.constant 16 : i32
    %add3A_220 = arith.addi %mul3A_218, %add3A_219 : i32
    "tpu.region"() ({
      %run_scoped3A = tpu.sem_alloc : memref<!tpu.dma_semaphore, #tpu.memory_space<semaphore_mem>>
      %dma_start3A_319 = arith.constant 0 : i32
      %dma_start3A_320 = tpu.memref_slice %arg8[%add3A_220, %dma_start3A_319] : memref<2176x64xf32, #tpu.memory_space<vmem_shared>> -> memref<8x64xf32, #tpu.memory_space<vmem_shared>>
      %dma_start3A_321 = arith.constant 0 : i32
      %dma_start3A_322 = tpu.memref_slice %arg8[%add3A_220, %dma_start3A_321] : memref<2176x64xf32, #tpu.memory_space<vmem_shared>> -> memref<8x64xf32, #tpu.memory_space<vmem_shared>>
      tpu.enqueue_dma source(%arg7 : memref<8x64xf32, #tpu.memory_space<vmem>>) target(%dma_start3A_322 : memref<8x64xf32, #tpu.memory_space<vmem_shared>>) target_semaphore(%run_scoped3A : memref<!tpu.dma_semaphore, #tpu.memory_space<semaphore_mem>>)
      %dma_wait3A = arith.constant 0 : i32
      %dma_wait3A_323 = tpu.memref_slice %arg8[%add3A_220, %dma_wait3A] : memref<2176x64xf32, #tpu.memory_space<vmem_shared>> -> memref<8x64xf32, #tpu.memory_space<vmem_shared>>
      %dma_wait3A_324 = arith.constant 0 : i32
      %dma_wait3A_325 = tpu.memref_slice %arg8[%add3A_220, %dma_wait3A_324] : memref<2176x64xf32, #tpu.memory_space<vmem_shared>> -> memref<8x64xf32, #tpu.memory_space<vmem_shared>>
      tpu.wait_dma2 semaphore(%run_scoped3A : memref<!tpu.dma_semaphore, #tpu.memory_space<semaphore_mem>>) src(%arg7 : memref<8x64xf32, #tpu.memory_space<vmem>>) dst(%dma_wait3A_325 : memref<8x64xf32, #tpu.memory_space<vmem_shared>>)
      tpu.yield
    }) : () -> ()
    %mul3A_221 = arith.constant 136 : i32
    %mul3A_222 = arith.muli %arg1, %mul3A_221 : i32
    %add3A_223 = arith.constant 24 : i32
    %add3A_224 = arith.addi %mul3A_222, %add3A_223 : i32
    "tpu.region"() ({
      %run_scoped3A = tpu.sem_alloc : memref<!tpu.dma_semaphore, #tpu.memory_space<semaphore_mem>>
      %dma_start3A_319 = arith.constant 0 : i32
      %dma_start3A_320 = tpu.memref_slice %arg8[%add3A_224, %dma_start3A_319] : memref<2176x64xf32, #tpu.memory_space<vmem_shared>> -> memref<8x64xf32, #tpu.memory_space<vmem_shared>>
      %dma_start3A_321 = arith.constant 0 : i32
      %dma_start3A_322 = tpu.memref_slice %arg8[%add3A_224, %dma_start3A_321] : memref<2176x64xf32, #tpu.memory_space<vmem_shared>> -> memref<8x64xf32, #tpu.memory_space<vmem_shared>>
      tpu.enqueue_dma source(%arg7 : memref<8x64xf32, #tpu.memory_space<vmem>>) target(%dma_start3A_322 : memref<8x64xf32, #tpu.memory_space<vmem_shared>>) target_semaphore(%run_scoped3A : memref<!tpu.dma_semaphore, #tpu.memory_space<semaphore_mem>>)
      %dma_wait3A = arith.constant 0 : i32
      %dma_wait3A_323 = tpu.memref_slice %arg8[%add3A_224, %dma_wait3A] : memref<2176x64xf32, #tpu.memory_space<vmem_shared>> -> memref<8x64xf32, #tpu.memory_space<vmem_shared>>
      %dma_wait3A_324 = arith.constant 0 : i32
      %dma_wait3A_325 = tpu.memref_slice %arg8[%add3A_224, %dma_wait3A_324] : memref<2176x64xf32, #tpu.memory_space<vmem_shared>> -> memref<8x64xf32, #tpu.memory_space<vmem_shared>>
      tpu.wait_dma2 semaphore(%run_scoped3A : memref<!tpu.dma_semaphore, #tpu.memory_space<semaphore_mem>>) src(%arg7 : memref<8x64xf32, #tpu.memory_space<vmem>>) dst(%dma_wait3A_325 : memref<8x64xf32, #tpu.memory_space<vmem_shared>>)
      tpu.yield
    }) : () -> ()
    %mul3A_225 = arith.constant 136 : i32
    %mul3A_226 = arith.muli %arg1, %mul3A_225 : i32
    %add3A_227 = arith.constant 32 : i32
    %add3A_228 = arith.addi %mul3A_226, %add3A_227 : i32
    "tpu.region"() ({
      %run_scoped3A = tpu.sem_alloc : memref<!tpu.dma_semaphore, #tpu.memory_space<semaphore_mem>>
      %dma_start3A_319 = arith.constant 0 : i32
      %dma_start3A_320 = tpu.memref_slice %arg8[%add3A_228, %dma_start3A_319] : memref<2176x64xf32, #tpu.memory_space<vmem_shared>> -> memref<8x64xf32, #tpu.memory_space<vmem_shared>>
      %dma_start3A_321 = arith.constant 0 : i32
      %dma_start3A_322 = tpu.memref_slice %arg8[%add3A_228, %dma_start3A_321] : memref<2176x64xf32, #tpu.memory_space<vmem_shared>> -> memref<8x64xf32, #tpu.memory_space<vmem_shared>>
      tpu.enqueue_dma source(%arg7 : memref<8x64xf32, #tpu.memory_space<vmem>>) target(%dma_start3A_322 : memref<8x64xf32, #tpu.memory_space<vmem_shared>>) target_semaphore(%run_scoped3A : memref<!tpu.dma_semaphore, #tpu.memory_space<semaphore_mem>>)
      %dma_wait3A = arith.constant 0 : i32
      %dma_wait3A_323 = tpu.memref_slice %arg8[%add3A_228, %dma_wait3A] : memref<2176x64xf32, #tpu.memory_space<vmem_shared>> -> memref<8x64xf32, #tpu.memory_space<vmem_shared>>
      %dma_wait3A_324 = arith.constant 0 : i32
      %dma_wait3A_325 = tpu.memref_slice %arg8[%add3A_228, %dma_wait3A_324] : memref<2176x64xf32, #tpu.memory_space<vmem_shared>> -> memref<8x64xf32, #tpu.memory_space<vmem_shared>>
      tpu.wait_dma2 semaphore(%run_scoped3A : memref<!tpu.dma_semaphore, #tpu.memory_space<semaphore_mem>>) src(%arg7 : memref<8x64xf32, #tpu.memory_space<vmem>>) dst(%dma_wait3A_325 : memref<8x64xf32, #tpu.memory_space<vmem_shared>>)
      tpu.yield
    }) : () -> ()
    %mul3A_229 = arith.constant 136 : i32
    %mul3A_230 = arith.muli %arg1, %mul3A_229 : i32
    %add3A_231 = arith.constant 40 : i32
    %add3A_232 = arith.addi %mul3A_230, %add3A_231 : i32
    "tpu.region"() ({
      %run_scoped3A = tpu.sem_alloc : memref<!tpu.dma_semaphore, #tpu.memory_space<semaphore_mem>>
      %dma_start3A_319 = arith.constant 0 : i32
      %dma_start3A_320 = tpu.memref_slice %arg8[%add3A_232, %dma_start3A_319] : memref<2176x64xf32, #tpu.memory_space<vmem_shared>> -> memref<8x64xf32, #tpu.memory_space<vmem_shared>>
      %dma_start3A_321 = arith.constant 0 : i32
      %dma_start3A_322 = tpu.memref_slice %arg8[%add3A_232, %dma_start3A_321] : memref<2176x64xf32, #tpu.memory_space<vmem_shared>> -> memref<8x64xf32, #tpu.memory_space<vmem_shared>>
      tpu.enqueue_dma source(%arg7 : memref<8x64xf32, #tpu.memory_space<vmem>>) target(%dma_start3A_322 : memref<8x64xf32, #tpu.memory_space<vmem_shared>>) target_semaphore(%run_scoped3A : memref<!tpu.dma_semaphore, #tpu.memory_space<semaphore_mem>>)
      %dma_wait3A = arith.constant 0 : i32
      %dma_wait3A_323 = tpu.memref_slice %arg8[%add3A_232, %dma_wait3A] : memref<2176x64xf32, #tpu.memory_space<vmem_shared>> -> memref<8x64xf32, #tpu.memory_space<vmem_shared>>
      %dma_wait3A_324 = arith.constant 0 : i32
      %dma_wait3A_325 = tpu.memref_slice %arg8[%add3A_232, %dma_wait3A_324] : memref<2176x64xf32, #tpu.memory_space<vmem_shared>> -> memref<8x64xf32, #tpu.memory_space<vmem_shared>>
      tpu.wait_dma2 semaphore(%run_scoped3A : memref<!tpu.dma_semaphore, #tpu.memory_space<semaphore_mem>>) src(%arg7 : memref<8x64xf32, #tpu.memory_space<vmem>>) dst(%dma_wait3A_325 : memref<8x64xf32, #tpu.memory_space<vmem_shared>>)
      tpu.yield
    }) : () -> ()
    %mul3A_233 = arith.constant 136 : i32
    %mul3A_234 = arith.muli %arg1, %mul3A_233 : i32
    %add3A_235 = arith.constant 48 : i32
    %add3A_236 = arith.addi %mul3A_234, %add3A_235 : i32
    "tpu.region"() ({
      %run_scoped3A = tpu.sem_alloc : memref<!tpu.dma_semaphore, #tpu.memory_space<semaphore_mem>>
      %dma_start3A_319 = arith.constant 0 : i32
      %dma_start3A_320 = tpu.memref_slice %arg8[%add3A_236, %dma_start3A_319] : memref<2176x64xf32, #tpu.memory_space<vmem_shared>> -> memref<8x64xf32, #tpu.memory_space<vmem_shared>>
      %dma_start3A_321 = arith.constant 0 : i32
      %dma_start3A_322 = tpu.memref_slice %arg8[%add3A_236, %dma_start3A_321] : memref<2176x64xf32, #tpu.memory_space<vmem_shared>> -> memref<8x64xf32, #tpu.memory_space<vmem_shared>>
      tpu.enqueue_dma source(%arg7 : memref<8x64xf32, #tpu.memory_space<vmem>>) target(%dma_start3A_322 : memref<8x64xf32, #tpu.memory_space<vmem_shared>>) target_semaphore(%run_scoped3A : memref<!tpu.dma_semaphore, #tpu.memory_space<semaphore_mem>>)
      %dma_wait3A = arith.constant 0 : i32
      %dma_wait3A_323 = tpu.memref_slice %arg8[%add3A_236, %dma_wait3A] : memref<2176x64xf32, #tpu.memory_space<vmem_shared>> -> memref<8x64xf32, #tpu.memory_space<vmem_shared>>
      %dma_wait3A_324 = arith.constant 0 : i32
      %dma_wait3A_325 = tpu.memref_slice %arg8[%add3A_236, %dma_wait3A_324] : memref<2176x64xf32, #tpu.memory_space<vmem_shared>> -> memref<8x64xf32, #tpu.memory_space<vmem_shared>>
      tpu.wait_dma2 semaphore(%run_scoped3A : memref<!tpu.dma_semaphore, #tpu.memory_space<semaphore_mem>>) src(%arg7 : memref<8x64xf32, #tpu.memory_space<vmem>>) dst(%dma_wait3A_325 : memref<8x64xf32, #tpu.memory_space<vmem_shared>>)
      tpu.yield
    }) : () -> ()
    %mul3A_237 = arith.constant 136 : i32
    %mul3A_238 = arith.muli %arg1, %mul3A_237 : i32
    %add3A_239 = arith.constant 56 : i32
    %add3A_240 = arith.addi %mul3A_238, %add3A_239 : i32
    "tpu.region"() ({
      %run_scoped3A = tpu.sem_alloc : memref<!tpu.dma_semaphore, #tpu.memory_space<semaphore_mem>>
      %dma_start3A_319 = arith.constant 0 : i32
      %dma_start3A_320 = tpu.memref_slice %arg8[%add3A_240, %dma_start3A_319] : memref<2176x64xf32, #tpu.memory_space<vmem_shared>> -> memref<8x64xf32, #tpu.memory_space<vmem_shared>>
      %dma_start3A_321 = arith.constant 0 : i32
      %dma_start3A_322 = tpu.memref_slice %arg8[%add3A_240, %dma_start3A_321] : memref<2176x64xf32, #tpu.memory_space<vmem_shared>> -> memref<8x64xf32, #tpu.memory_space<vmem_shared>>
      tpu.enqueue_dma source(%arg7 : memref<8x64xf32, #tpu.memory_space<vmem>>) target(%dma_start3A_322 : memref<8x64xf32, #tpu.memory_space<vmem_shared>>) target_semaphore(%run_scoped3A : memref<!tpu.dma_semaphore, #tpu.memory_space<semaphore_mem>>)
      %dma_wait3A = arith.constant 0 : i32
      %dma_wait3A_323 = tpu.memref_slice %arg8[%add3A_240, %dma_wait3A] : memref<2176x64xf32, #tpu.memory_space<vmem_shared>> -> memref<8x64xf32, #tpu.memory_space<vmem_shared>>
      %dma_wait3A_324 = arith.constant 0 : i32
      %dma_wait3A_325 = tpu.memref_slice %arg8[%add3A_240, %dma_wait3A_324] : memref<2176x64xf32, #tpu.memory_space<vmem_shared>> -> memref<8x64xf32, #tpu.memory_space<vmem_shared>>
      tpu.wait_dma2 semaphore(%run_scoped3A : memref<!tpu.dma_semaphore, #tpu.memory_space<semaphore_mem>>) src(%arg7 : memref<8x64xf32, #tpu.memory_space<vmem>>) dst(%dma_wait3A_325 : memref<8x64xf32, #tpu.memory_space<vmem_shared>>)
      tpu.yield
    }) : () -> ()
    %mul3A_241 = arith.constant 136 : i32
    %mul3A_242 = arith.muli %arg1, %mul3A_241 : i32
    %add3A_243 = arith.constant 64 : i32
    %add3A_244 = arith.addi %mul3A_242, %add3A_243 : i32
    "tpu.region"() ({
      %run_scoped3A = tpu.sem_alloc : memref<!tpu.dma_semaphore, #tpu.memory_space<semaphore_mem>>
      %dma_start3A_319 = arith.constant 0 : i32
      %dma_start3A_320 = tpu.memref_slice %arg8[%add3A_244, %dma_start3A_319] : memref<2176x64xf32, #tpu.memory_space<vmem_shared>> -> memref<8x64xf32, #tpu.memory_space<vmem_shared>>
      %dma_start3A_321 = arith.constant 0 : i32
      %dma_start3A_322 = tpu.memref_slice %arg8[%add3A_244, %dma_start3A_321] : memref<2176x64xf32, #tpu.memory_space<vmem_shared>> -> memref<8x64xf32, #tpu.memory_space<vmem_shared>>
      tpu.enqueue_dma source(%arg7 : memref<8x64xf32, #tpu.memory_space<vmem>>) target(%dma_start3A_322 : memref<8x64xf32, #tpu.memory_space<vmem_shared>>) target_semaphore(%run_scoped3A : memref<!tpu.dma_semaphore, #tpu.memory_space<semaphore_mem>>)
      %dma_wait3A = arith.constant 0 : i32
      %dma_wait3A_323 = tpu.memref_slice %arg8[%add3A_244, %dma_wait3A] : memref<2176x64xf32, #tpu.memory_space<vmem_shared>> -> memref<8x64xf32, #tpu.memory_space<vmem_shared>>
      %dma_wait3A_324 = arith.constant 0 : i32
      %dma_wait3A_325 = tpu.memref_slice %arg8[%add3A_244, %dma_wait3A_324] : memref<2176x64xf32, #tpu.memory_space<vmem_shared>> -> memref<8x64xf32, #tpu.memory_space<vmem_shared>>
      tpu.wait_dma2 semaphore(%run_scoped3A : memref<!tpu.dma_semaphore, #tpu.memory_space<semaphore_mem>>) src(%arg7 : memref<8x64xf32, #tpu.memory_space<vmem>>) dst(%dma_wait3A_325 : memref<8x64xf32, #tpu.memory_space<vmem_shared>>)
      tpu.yield
    }) : () -> ()
    %mul3A_245 = arith.constant 136 : i32
    %mul3A_246 = arith.muli %arg1, %mul3A_245 : i32
    %add3A_247 = arith.constant 72 : i32
    %add3A_248 = arith.addi %mul3A_246, %add3A_247 : i32
    "tpu.region"() ({
      %run_scoped3A = tpu.sem_alloc : memref<!tpu.dma_semaphore, #tpu.memory_space<semaphore_mem>>
      %dma_start3A_319 = arith.constant 0 : i32
      %dma_start3A_320 = tpu.memref_slice %arg8[%add3A_248, %dma_start3A_319] : memref<2176x64xf32, #tpu.memory_space<vmem_shared>> -> memref<8x64xf32, #tpu.memory_space<vmem_shared>>
      %dma_start3A_321 = arith.constant 0 : i32
      %dma_start3A_322 = tpu.memref_slice %arg8[%add3A_248, %dma_start3A_321] : memref<2176x64xf32, #tpu.memory_space<vmem_shared>> -> memref<8x64xf32, #tpu.memory_space<vmem_shared>>
      tpu.enqueue_dma source(%arg7 : memref<8x64xf32, #tpu.memory_space<vmem>>) target(%dma_start3A_322 : memref<8x64xf32, #tpu.memory_space<vmem_shared>>) target_semaphore(%run_scoped3A : memref<!tpu.dma_semaphore, #tpu.memory_space<semaphore_mem>>)
      %dma_wait3A = arith.constant 0 : i32
      %dma_wait3A_323 = tpu.memref_slice %arg8[%add3A_248, %dma_wait3A] : memref<2176x64xf32, #tpu.memory_space<vmem_shared>> -> memref<8x64xf32, #tpu.memory_space<vmem_shared>>
      %dma_wait3A_324 = arith.constant 0 : i32
      %dma_wait3A_325 = tpu.memref_slice %arg8[%add3A_248, %dma_wait3A_324] : memref<2176x64xf32, #tpu.memory_space<vmem_shared>> -> memref<8x64xf32, #tpu.memory_space<vmem_shared>>
      tpu.wait_dma2 semaphore(%run_scoped3A : memref<!tpu.dma_semaphore, #tpu.memory_space<semaphore_mem>>) src(%arg7 : memref<8x64xf32, #tpu.memory_space<vmem>>) dst(%dma_wait3A_325 : memref<8x64xf32, #tpu.memory_space<vmem_shared>>)
      tpu.yield
    }) : () -> ()
    %mul3A_249 = arith.constant 136 : i32
    %mul3A_250 = arith.muli %arg1, %mul3A_249 : i32
    %add3A_251 = arith.constant 80 : i32
    %add3A_252 = arith.addi %mul3A_250, %add3A_251 : i32
    "tpu.region"() ({
      %run_scoped3A = tpu.sem_alloc : memref<!tpu.dma_semaphore, #tpu.memory_space<semaphore_mem>>
      %dma_start3A_319 = arith.constant 0 : i32
      %dma_start3A_320 = tpu.memref_slice %arg8[%add3A_252, %dma_start3A_319] : memref<2176x64xf32, #tpu.memory_space<vmem_shared>> -> memref<8x64xf32, #tpu.memory_space<vmem_shared>>
      %dma_start3A_321 = arith.constant 0 : i32
      %dma_start3A_322 = tpu.memref_slice %arg8[%add3A_252, %dma_start3A_321] : memref<2176x64xf32, #tpu.memory_space<vmem_shared>> -> memref<8x64xf32, #tpu.memory_space<vmem_shared>>
      tpu.enqueue_dma source(%arg7 : memref<8x64xf32, #tpu.memory_space<vmem>>) target(%dma_start3A_322 : memref<8x64xf32, #tpu.memory_space<vmem_shared>>) target_semaphore(%run_scoped3A : memref<!tpu.dma_semaphore, #tpu.memory_space<semaphore_mem>>)
      %dma_wait3A = arith.constant 0 : i32
      %dma_wait3A_323 = tpu.memref_slice %arg8[%add3A_252, %dma_wait3A] : memref<2176x64xf32, #tpu.memory_space<vmem_shared>> -> memref<8x64xf32, #tpu.memory_space<vmem_shared>>
      %dma_wait3A_324 = arith.constant 0 : i32
      %dma_wait3A_325 = tpu.memref_slice %arg8[%add3A_252, %dma_wait3A_324] : memref<2176x64xf32, #tpu.memory_space<vmem_shared>> -> memref<8x64xf32, #tpu.memory_space<vmem_shared>>
      tpu.wait_dma2 semaphore(%run_scoped3A : memref<!tpu.dma_semaphore, #tpu.memory_space<semaphore_mem>>) src(%arg7 : memref<8x64xf32, #tpu.memory_space<vmem>>) dst(%dma_wait3A_325 : memref<8x64xf32, #tpu.memory_space<vmem_shared>>)
      tpu.yield
    }) : () -> ()
    %mul3A_253 = arith.constant 136 : i32
    %mul3A_254 = arith.muli %arg1, %mul3A_253 : i32
    %add3A_255 = arith.constant 88 : i32
    %add3A_256 = arith.addi %mul3A_254, %add3A_255 : i32
    "tpu.region"() ({
      %run_scoped3A = tpu.sem_alloc : memref<!tpu.dma_semaphore, #tpu.memory_space<semaphore_mem>>
      %dma_start3A_319 = arith.constant 0 : i32
      %dma_start3A_320 = tpu.memref_slice %arg8[%add3A_256, %dma_start3A_319] : memref<2176x64xf32, #tpu.memory_space<vmem_shared>> -> memref<8x64xf32, #tpu.memory_space<vmem_shared>>
      %dma_start3A_321 = arith.constant 0 : i32
      %dma_start3A_322 = tpu.memref_slice %arg8[%add3A_256, %dma_start3A_321] : memref<2176x64xf32, #tpu.memory_space<vmem_shared>> -> memref<8x64xf32, #tpu.memory_space<vmem_shared>>
      tpu.enqueue_dma source(%arg7 : memref<8x64xf32, #tpu.memory_space<vmem>>) target(%dma_start3A_322 : memref<8x64xf32, #tpu.memory_space<vmem_shared>>) target_semaphore(%run_scoped3A : memref<!tpu.dma_semaphore, #tpu.memory_space<semaphore_mem>>)
      %dma_wait3A = arith.constant 0 : i32
      %dma_wait3A_323 = tpu.memref_slice %arg8[%add3A_256, %dma_wait3A] : memref<2176x64xf32, #tpu.memory_space<vmem_shared>> -> memref<8x64xf32, #tpu.memory_space<vmem_shared>>
      %dma_wait3A_324 = arith.constant 0 : i32
      %dma_wait3A_325 = tpu.memref_slice %arg8[%add3A_256, %dma_wait3A_324] : memref<2176x64xf32, #tpu.memory_space<vmem_shared>> -> memref<8x64xf32, #tpu.memory_space<vmem_shared>>
      tpu.wait_dma2 semaphore(%run_scoped3A : memref<!tpu.dma_semaphore, #tpu.memory_space<semaphore_mem>>) src(%arg7 : memref<8x64xf32, #tpu.memory_space<vmem>>) dst(%dma_wait3A_325 : memref<8x64xf32, #tpu.memory_space<vmem_shared>>)
      tpu.yield
    }) : () -> ()
    %mul3A_257 = arith.constant 136 : i32
    %mul3A_258 = arith.muli %arg1, %mul3A_257 : i32
    %add3A_259 = arith.constant 96 : i32
    %add3A_260 = arith.addi %mul3A_258, %add3A_259 : i32
    "tpu.region"() ({
      %run_scoped3A = tpu.sem_alloc : memref<!tpu.dma_semaphore, #tpu.memory_space<semaphore_mem>>
      %dma_start3A_319 = arith.constant 0 : i32
      %dma_start3A_320 = tpu.memref_slice %arg8[%add3A_260, %dma_start3A_319] : memref<2176x64xf32, #tpu.memory_space<vmem_shared>> -> memref<8x64xf32, #tpu.memory_space<vmem_shared>>
      %dma_start3A_321 = arith.constant 0 : i32
      %dma_start3A_322 = tpu.memref_slice %arg8[%add3A_260, %dma_start3A_321] : memref<2176x64xf32, #tpu.memory_space<vmem_shared>> -> memref<8x64xf32, #tpu.memory_space<vmem_shared>>
      tpu.enqueue_dma source(%arg7 : memref<8x64xf32, #tpu.memory_space<vmem>>) target(%dma_start3A_322 : memref<8x64xf32, #tpu.memory_space<vmem_shared>>) target_semaphore(%run_scoped3A : memref<!tpu.dma_semaphore, #tpu.memory_space<semaphore_mem>>)
      %dma_wait3A = arith.constant 0 : i32
      %dma_wait3A_323 = tpu.memref_slice %arg8[%add3A_260, %dma_wait3A] : memref<2176x64xf32, #tpu.memory_space<vmem_shared>> -> memref<8x64xf32, #tpu.memory_space<vmem_shared>>
      %dma_wait3A_324 = arith.constant 0 : i32
      %dma_wait3A_325 = tpu.memref_slice %arg8[%add3A_260, %dma_wait3A_324] : memref<2176x64xf32, #tpu.memory_space<vmem_shared>> -> memref<8x64xf32, #tpu.memory_space<vmem_shared>>
      tpu.wait_dma2 semaphore(%run_scoped3A : memref<!tpu.dma_semaphore, #tpu.memory_space<semaphore_mem>>) src(%arg7 : memref<8x64xf32, #tpu.memory_space<vmem>>) dst(%dma_wait3A_325 : memref<8x64xf32, #tpu.memory_space<vmem_shared>>)
      tpu.yield
    }) : () -> ()
    %mul3A_261 = arith.constant 136 : i32
    %mul3A_262 = arith.muli %arg1, %mul3A_261 : i32
    %add3A_263 = arith.constant 104 : i32
    %add3A_264 = arith.addi %mul3A_262, %add3A_263 : i32
    "tpu.region"() ({
      %run_scoped3A = tpu.sem_alloc : memref<!tpu.dma_semaphore, #tpu.memory_space<semaphore_mem>>
      %dma_start3A_319 = arith.constant 0 : i32
      %dma_start3A_320 = tpu.memref_slice %arg8[%add3A_264, %dma_start3A_319] : memref<2176x64xf32, #tpu.memory_space<vmem_shared>> -> memref<8x64xf32, #tpu.memory_space<vmem_shared>>
      %dma_start3A_321 = arith.constant 0 : i32
      %dma_start3A_322 = tpu.memref_slice %arg8[%add3A_264, %dma_start3A_321] : memref<2176x64xf32, #tpu.memory_space<vmem_shared>> -> memref<8x64xf32, #tpu.memory_space<vmem_shared>>
      tpu.enqueue_dma source(%arg7 : memref<8x64xf32, #tpu.memory_space<vmem>>) target(%dma_start3A_322 : memref<8x64xf32, #tpu.memory_space<vmem_shared>>) target_semaphore(%run_scoped3A : memref<!tpu.dma_semaphore, #tpu.memory_space<semaphore_mem>>)
      %dma_wait3A = arith.constant 0 : i32
      %dma_wait3A_323 = tpu.memref_slice %arg8[%add3A_264, %dma_wait3A] : memref<2176x64xf32, #tpu.memory_space<vmem_shared>> -> memref<8x64xf32, #tpu.memory_space<vmem_shared>>
      %dma_wait3A_324 = arith.constant 0 : i32
      %dma_wait3A_325 = tpu.memref_slice %arg8[%add3A_264, %dma_wait3A_324] : memref<2176x64xf32, #tpu.memory_space<vmem_shared>> -> memref<8x64xf32, #tpu.memory_space<vmem_shared>>
      tpu.wait_dma2 semaphore(%run_scoped3A : memref<!tpu.dma_semaphore, #tpu.memory_space<semaphore_mem>>) src(%arg7 : memref<8x64xf32, #tpu.memory_space<vmem>>) dst(%dma_wait3A_325 : memref<8x64xf32, #tpu.memory_space<vmem_shared>>)
      tpu.yield
    }) : () -> ()
    %mul3A_265 = arith.constant 136 : i32
    %mul3A_266 = arith.muli %arg1, %mul3A_265 : i32
    %add3A_267 = arith.constant 112 : i32
    %add3A_268 = arith.addi %mul3A_266, %add3A_267 : i32
    "tpu.region"() ({
      %run_scoped3A = tpu.sem_alloc : memref<!tpu.dma_semaphore, #tpu.memory_space<semaphore_mem>>
      %dma_start3A_319 = arith.constant 0 : i32
      %dma_start3A_320 = tpu.memref_slice %arg8[%add3A_268, %dma_start3A_319] : memref<2176x64xf32, #tpu.memory_space<vmem_shared>> -> memref<8x64xf32, #tpu.memory_space<vmem_shared>>
      %dma_start3A_321 = arith.constant 0 : i32
      %dma_start3A_322 = tpu.memref_slice %arg8[%add3A_268, %dma_start3A_321] : memref<2176x64xf32, #tpu.memory_space<vmem_shared>> -> memref<8x64xf32, #tpu.memory_space<vmem_shared>>
      tpu.enqueue_dma source(%arg7 : memref<8x64xf32, #tpu.memory_space<vmem>>) target(%dma_start3A_322 : memref<8x64xf32, #tpu.memory_space<vmem_shared>>) target_semaphore(%run_scoped3A : memref<!tpu.dma_semaphore, #tpu.memory_space<semaphore_mem>>)
      %dma_wait3A = arith.constant 0 : i32
      %dma_wait3A_323 = tpu.memref_slice %arg8[%add3A_268, %dma_wait3A] : memref<2176x64xf32, #tpu.memory_space<vmem_shared>> -> memref<8x64xf32, #tpu.memory_space<vmem_shared>>
      %dma_wait3A_324 = arith.constant 0 : i32
      %dma_wait3A_325 = tpu.memref_slice %arg8[%add3A_268, %dma_wait3A_324] : memref<2176x64xf32, #tpu.memory_space<vmem_shared>> -> memref<8x64xf32, #tpu.memory_space<vmem_shared>>
      tpu.wait_dma2 semaphore(%run_scoped3A : memref<!tpu.dma_semaphore, #tpu.memory_space<semaphore_mem>>) src(%arg7 : memref<8x64xf32, #tpu.memory_space<vmem>>) dst(%dma_wait3A_325 : memref<8x64xf32, #tpu.memory_space<vmem_shared>>)
      tpu.yield
    }) : () -> ()
    %mul3A_269 = arith.constant 136 : i32
    %mul3A_270 = arith.muli %arg1, %mul3A_269 : i32
    %add3A_271 = arith.constant 120 : i32
    %add3A_272 = arith.addi %mul3A_270, %add3A_271 : i32
    "tpu.region"() ({
      %run_scoped3A = tpu.sem_alloc : memref<!tpu.dma_semaphore, #tpu.memory_space<semaphore_mem>>
      %dma_start3A_319 = arith.constant 0 : i32
      %dma_start3A_320 = tpu.memref_slice %arg8[%add3A_272, %dma_start3A_319] : memref<2176x64xf32, #tpu.memory_space<vmem_shared>> -> memref<8x64xf32, #tpu.memory_space<vmem_shared>>
      %dma_start3A_321 = arith.constant 0 : i32
      %dma_start3A_322 = tpu.memref_slice %arg8[%add3A_272, %dma_start3A_321] : memref<2176x64xf32, #tpu.memory_space<vmem_shared>> -> memref<8x64xf32, #tpu.memory_space<vmem_shared>>
      tpu.enqueue_dma source(%arg7 : memref<8x64xf32, #tpu.memory_space<vmem>>) target(%dma_start3A_322 : memref<8x64xf32, #tpu.memory_space<vmem_shared>>) target_semaphore(%run_scoped3A : memref<!tpu.dma_semaphore, #tpu.memory_space<semaphore_mem>>)
      %dma_wait3A = arith.constant 0 : i32
      %dma_wait3A_323 = tpu.memref_slice %arg8[%add3A_272, %dma_wait3A] : memref<2176x64xf32, #tpu.memory_space<vmem_shared>> -> memref<8x64xf32, #tpu.memory_space<vmem_shared>>
      %dma_wait3A_324 = arith.constant 0 : i32
      %dma_wait3A_325 = tpu.memref_slice %arg8[%add3A_272, %dma_wait3A_324] : memref<2176x64xf32, #tpu.memory_space<vmem_shared>> -> memref<8x64xf32, #tpu.memory_space<vmem_shared>>
      tpu.wait_dma2 semaphore(%run_scoped3A : memref<!tpu.dma_semaphore, #tpu.memory_space<semaphore_mem>>) src(%arg7 : memref<8x64xf32, #tpu.memory_space<vmem>>) dst(%dma_wait3A_325 : memref<8x64xf32, #tpu.memory_space<vmem_shared>>)
      tpu.yield
    }) : () -> ()
    %mul3A_273 = arith.constant 136 : i32
    %mul3A_274 = arith.muli %arg1, %mul3A_273 : i32
    %add3A_275 = arith.constant 128 : i32
    %add3A_276 = arith.addi %mul3A_274, %add3A_275 : i32
    "tpu.region"() ({
      %run_scoped3A = tpu.sem_alloc : memref<!tpu.dma_semaphore, #tpu.memory_space<semaphore_mem>>
      %dma_start3A_319 = arith.constant 0 : i32
      %dma_start3A_320 = tpu.memref_slice %arg8[%add3A_276, %dma_start3A_319] : memref<2176x64xf32, #tpu.memory_space<vmem_shared>> -> memref<8x64xf32, #tpu.memory_space<vmem_shared>>
      %dma_start3A_321 = arith.constant 0 : i32
      %dma_start3A_322 = tpu.memref_slice %arg8[%add3A_276, %dma_start3A_321] : memref<2176x64xf32, #tpu.memory_space<vmem_shared>> -> memref<8x64xf32, #tpu.memory_space<vmem_shared>>
      tpu.enqueue_dma source(%arg7 : memref<8x64xf32, #tpu.memory_space<vmem>>) target(%dma_start3A_322 : memref<8x64xf32, #tpu.memory_space<vmem_shared>>) target_semaphore(%run_scoped3A : memref<!tpu.dma_semaphore, #tpu.memory_space<semaphore_mem>>)
      %dma_wait3A = arith.constant 0 : i32
      %dma_wait3A_323 = tpu.memref_slice %arg8[%add3A_276, %dma_wait3A] : memref<2176x64xf32, #tpu.memory_space<vmem_shared>> -> memref<8x64xf32, #tpu.memory_space<vmem_shared>>
      %dma_wait3A_324 = arith.constant 0 : i32
      %dma_wait3A_325 = tpu.memref_slice %arg8[%add3A_276, %dma_wait3A_324] : memref<2176x64xf32, #tpu.memory_space<vmem_shared>> -> memref<8x64xf32, #tpu.memory_space<vmem_shared>>
      tpu.wait_dma2 semaphore(%run_scoped3A : memref<!tpu.dma_semaphore, #tpu.memory_space<semaphore_mem>>) src(%arg7 : memref<8x64xf32, #tpu.memory_space<vmem>>) dst(%dma_wait3A_325 : memref<8x64xf32, #tpu.memory_space<vmem_shared>>)
      tpu.yield
    }) : () -> ()
    %barrier3A = arith.constant 0 : index
    tpu.barrier barrier_id(%barrier3A)
    %add3A_277 = arith.constant 0 : i32
    %add3A_278 = arith.addi %select_n3A, %add3A_277 : i32
    %dma_start3A = arith.constant 0 : i32
    %dma_start3A_279 = arith.constant 0 : i32
    %dma_start3A_280 = arith.constant 0 : i32
    %dma_start3A_281 = arith.constant 0 : i32
    %dma_start3A_282 = tpu.memref_slice %arg5[%dma_start3A, %dma_start3A_279, %dma_start3A_280, %dma_start3A_281] : memref<2x3x128x64xf32, #tpu.memory_space<vmem>> -> memref<1x3x128x64xf32, #tpu.memory_space<vmem>>
    %dma_start3A_283 = tpu.memref_squeeze %dma_start3A_282 : memref<1x3x128x64xf32, #tpu.memory_space<vmem>> -> memref<3x128x64xf32, #tpu.memory_space<vmem>>
    %dma_start3A_284 = arith.constant 0 : i32
    %dma_start3A_285 = arith.constant 0 : i32
    %dma_start3A_286 = tpu.memref_slice %arg2[%add3A_278, %dma_start3A_284, %dma_start3A_285] : memref<1344x128x64xf32, #tpu.memory_space<hbm>> -> memref<3x128x64xf32, #tpu.memory_space<hbm>>
    %dma_start3A_287 = arith.constant 0 : i32
    %dma_start3A_288 = arith.constant 0 : i32
    %dma_start3A_289 = arith.constant 0 : i32
    %dma_start3A_290 = tpu.memref_slice %arg5[%dma_start3A, %dma_start3A_287, %dma_start3A_288, %dma_start3A_289] : memref<2x3x128x64xf32, #tpu.memory_space<vmem>> -> memref<1x3x128x64xf32, #tpu.memory_space<vmem>>
    %dma_start3A_291 = tpu.memref_squeeze %dma_start3A_290 : memref<1x3x128x64xf32, #tpu.memory_space<vmem>> -> memref<3x128x64xf32, #tpu.memory_space<vmem>>
    %dma_start3A_292 = arith.constant 0 : i32
    %dma_start3A_293 = arith.constant 0 : i32
    %dma_start3A_294 = tpu.memref_slice %arg2[%add3A_278, %dma_start3A_292, %dma_start3A_293] : memref<1344x128x64xf32, #tpu.memory_space<hbm>> -> memref<3x128x64xf32, #tpu.memory_space<hbm>>
    tpu.enqueue_dma source(%dma_start3A_294 : memref<3x128x64xf32, #tpu.memory_space<hbm>>) target(%dma_start3A_291 : memref<3x128x64xf32, #tpu.memory_space<vmem>>) target_semaphore(%arg9 : memref<!tpu.dma_semaphore, #tpu.memory_space<semaphore_mem>>)
    %add3A_295 = arith.constant 0 : i32
    %add3A_296 = arith.addi %select_n3A, %add3A_295 : i32
    %dma_start3A_297 = arith.constant 0 : i32
    %dma_start3A_298 = arith.constant 0 : i32
    %dma_start3A_299 = arith.constant 0 : i32
    %dma_start3A_300 = tpu.memref_slice %arg6[%dma_start3A_297, %dma_start3A_298, %dma_start3A_299] : memref<2x3x128xi32, #tpu.memory_space<vmem>> -> memref<1x3x128xi32, #tpu.memory_space<vmem>>
    %dma_start3A_301 = tpu.memref_squeeze %dma_start3A_300 : memref<1x3x128xi32, #tpu.memory_space<vmem>> -> memref<3x128xi32, #tpu.memory_space<vmem>>
    %dma_start3A_302 = arith.constant 0 : i32
    %dma_start3A_303 = tpu.memref_slice %arg3[%add3A_296, %dma_start3A_302] : memref<1344x128xi32, #tpu.memory_space<hbm>> -> memref<3x128xi32, #tpu.memory_space<hbm>>
    %dma_start3A_304 = arith.constant 0 : i32
    %dma_start3A_305 = arith.constant 0 : i32
    %dma_start3A_306 = tpu.memref_slice %arg6[%dma_start3A_297, %dma_start3A_304, %dma_start3A_305] : memref<2x3x128xi32, #tpu.memory_space<vmem>> -> memref<1x3x128xi32, #tpu.memory_space<vmem>>
    %dma_start3A_307 = tpu.memref_squeeze %dma_start3A_306 : memref<1x3x128xi32, #tpu.memory_space<vmem>> -> memref<3x128xi32, #tpu.memory_space<vmem>>
    %dma_start3A_308 = arith.constant 0 : i32
    %dma_start3A_309 = tpu.memref_slice %arg3[%add3A_296, %dma_start3A_308] : memref<1344x128xi32, #tpu.memory_space<hbm>> -> memref<3x128xi32, #tpu.memory_space<hbm>>
    tpu.enqueue_dma source(%dma_start3A_309 : memref<3x128xi32, #tpu.memory_space<hbm>>) target(%dma_start3A_307 : memref<3x128xi32, #tpu.memory_space<vmem>>) target_semaphore(%arg9 : memref<!tpu.dma_semaphore, #tpu.memory_space<semaphore_mem>>)
    %scan3A = arith.constant 0 : i32
    %scan3A_310 = arith.constant 0 : i32
    %scan3A_311 = arith.constant 7 : i32
    %scan3A_312 = arith.addi %scan3A_310, %scan3A_311 : i32
    %scan3A_313 = arith.constant 1 : i32
    %scan3A_314 = scf.for %scan3A_319 = %scan3A_310 to %scan3A_312 step %scan3A_313 iter_args(%scan3A_320 = %scan3A) -> (i32)  : i32 {
      %mul3A_321 = arith.constant 2 : i32
      %mul3A_322 = arith.muli %mul3A_321, %scan3A_319 : i32
      %add3A_323 = arith.constant 1 : i32
      %add3A_324 = arith.addi %mul3A_322, %add3A_323 : i32
      %mul3A_325 = arith.constant 3 : i32
      %mul3A_326 = arith.muli %add3A_324, %mul3A_325 : i32
      %add3A_327 = arith.addi %select_n3A, %mul3A_326 : i32
      %dma_start3A_328 = arith.constant 1 : i32
      %dma_start3A_329 = arith.constant 0 : i32
      %dma_start3A_330 = arith.constant 0 : i32
      %dma_start3A_331 = arith.constant 0 : i32
      %dma_start3A_332 = tpu.memref_slice %arg5[%dma_start3A_328, %dma_start3A_329, %dma_start3A_330, %dma_start3A_331] : memref<2x3x128x64xf32, #tpu.memory_space<vmem>> -> memref<1x3x128x64xf32, #tpu.memory_space<vmem>>
      %dma_start3A_333 = tpu.memref_squeeze %dma_start3A_332 : memref<1x3x128x64xf32, #tpu.memory_space<vmem>> -> memref<3x128x64xf32, #tpu.memory_space<vmem>>
      %dma_start3A_334 = arith.constant 0 : i32
      %dma_start3A_335 = arith.constant 0 : i32
      %dma_start3A_336 = tpu.memref_slice %arg2[%add3A_327, %dma_start3A_334, %dma_start3A_335] : memref<1344x128x64xf32, #tpu.memory_space<hbm>> -> memref<3x128x64xf32, #tpu.memory_space<hbm>>
      %dma_start3A_337 = arith.constant 0 : i32
      %dma_start3A_338 = arith.constant 0 : i32
      %dma_start3A_339 = arith.constant 0 : i32
      %dma_start3A_340 = tpu.memref_slice %arg5[%dma_start3A_328, %dma_start3A_337, %dma_start3A_338, %dma_start3A_339] : memref<2x3x128x64xf32, #tpu.memory_space<vmem>> -> memref<1x3x128x64xf32, #tpu.memory_space<vmem>>
      %dma_start3A_341 = tpu.memref_squeeze %dma_start3A_340 : memref<1x3x128x64xf32, #tpu.memory_space<vmem>> -> memref<3x128x64xf32, #tpu.memory_space<vmem>>
      %dma_start3A_342 = arith.constant 0 : i32
      %dma_start3A_343 = arith.constant 0 : i32
      %dma_start3A_344 = tpu.memref_slice %arg2[%add3A_327, %dma_start3A_342, %dma_start3A_343] : memref<1344x128x64xf32, #tpu.memory_space<hbm>> -> memref<3x128x64xf32, #tpu.memory_space<hbm>>
      tpu.enqueue_dma source(%dma_start3A_344 : memref<3x128x64xf32, #tpu.memory_space<hbm>>) target(%dma_start3A_341 : memref<3x128x64xf32, #tpu.memory_space<vmem>>) target_semaphore(%arg10 : memref<!tpu.dma_semaphore, #tpu.memory_space<semaphore_mem>>)
      %mul3A_345 = arith.constant 3 : i32
      %mul3A_346 = arith.muli %add3A_324, %mul3A_345 : i32
      %add3A_347 = arith.addi %select_n3A, %mul3A_346 : i32
      %dma_start3A_348 = arith.constant 1 : i32
      %dma_start3A_349 = arith.constant 0 : i32
      %dma_start3A_350 = arith.constant 0 : i32
      %dma_start3A_351 = tpu.memref_slice %arg6[%dma_start3A_348, %dma_start3A_349, %dma_start3A_350] : memref<2x3x128xi32, #tpu.memory_space<vmem>> -> memref<1x3x128xi32, #tpu.memory_space<vmem>>
      %dma_start3A_352 = tpu.memref_squeeze %dma_start3A_351 : memref<1x3x128xi32, #tpu.memory_space<vmem>> -> memref<3x128xi32, #tpu.memory_space<vmem>>
      %dma_start3A_353 = arith.constant 0 : i32
      %dma_start3A_354 = tpu.memref_slice %arg3[%add3A_347, %dma_start3A_353] : memref<1344x128xi32, #tpu.memory_space<hbm>> -> memref<3x128xi32, #tpu.memory_space<hbm>>
      %dma_start3A_355 = arith.constant 0 : i32
      %dma_start3A_356 = arith.constant 0 : i32
      %dma_start3A_357 = tpu.memref_slice %arg6[%dma_start3A_348, %dma_start3A_355, %dma_start3A_356] : memref<2x3x128xi32, #tpu.memory_space<vmem>> -> memref<1x3x128xi32, #tpu.memory_space<vmem>>
      %dma_start3A_358 = tpu.memref_squeeze %dma_start3A_357 : memref<1x3x128xi32, #tpu.memory_space<vmem>> -> memref<3x128xi32, #tpu.memory_space<vmem>>
      %dma_start3A_359 = arith.constant 0 : i32
      %dma_start3A_360 = tpu.memref_slice %arg3[%add3A_347, %dma_start3A_359] : memref<1344x128xi32, #tpu.memory_space<hbm>> -> memref<3x128xi32, #tpu.memory_space<hbm>>
      tpu.enqueue_dma source(%dma_start3A_360 : memref<3x128xi32, #tpu.memory_space<hbm>>) target(%dma_start3A_358 : memref<3x128xi32, #tpu.memory_space<vmem>>) target_semaphore(%arg10 : memref<!tpu.dma_semaphore, #tpu.memory_space<semaphore_mem>>)
      %dma_wait3A = arith.constant 0 : i32
      %dma_wait3A_361 = arith.constant 0 : i32
      %dma_wait3A_362 = arith.constant 0 : i32
      %dma_wait3A_363 = arith.constant 0 : i32
      %dma_wait3A_364 = tpu.memref_slice %arg5[%dma_wait3A, %dma_wait3A_361, %dma_wait3A_362, %dma_wait3A_363] : memref<2x3x128x64xf32, #tpu.memory_space<vmem>> -> memref<1x3x128x64xf32, #tpu.memory_space<vmem>>
      %dma_wait3A_365 = tpu.memref_squeeze %dma_wait3A_364 : memref<1x3x128x64xf32, #tpu.memory_space<vmem>> -> memref<3x128x64xf32, #tpu.memory_space<vmem>>
      %dma_wait3A_366 = arith.constant 0 : i32
      %dma_wait3A_367 = arith.constant 0 : i32
      %dma_wait3A_368 = arith.constant 0 : i32
      %dma_wait3A_369 = tpu.memref_slice %arg2[%dma_wait3A_366, %dma_wait3A_367, %dma_wait3A_368] : memref<1344x128x64xf32, #tpu.memory_space<hbm>> -> memref<3x128x64xf32, #tpu.memory_space<hbm>>
      %dma_wait3A_370 = arith.constant 0 : i32
      %dma_wait3A_371 = arith.constant 0 : i32
      %dma_wait3A_372 = arith.constant 0 : i32
      %dma_wait3A_373 = tpu.memref_slice %arg5[%dma_wait3A, %dma_wait3A_370, %dma_wait3A_371, %dma_wait3A_372] : memref<2x3x128x64xf32, #tpu.memory_space<vmem>> -> memref<1x3x128x64xf32, #tpu.memory_space<vmem>>
      %dma_wait3A_374 = tpu.memref_squeeze %dma_wait3A_373 : memref<1x3x128x64xf32, #tpu.memory_space<vmem>> -> memref<3x128x64xf32, #tpu.memory_space<vmem>>
      %dma_wait3A_375 = arith.constant 0 : i32
      %dma_wait3A_376 = arith.constant 0 : i32
      %dma_wait3A_377 = arith.constant 0 : i32
      %dma_wait3A_378 = tpu.memref_slice %arg2[%dma_wait3A_375, %dma_wait3A_376, %dma_wait3A_377] : memref<1344x128x64xf32, #tpu.memory_space<hbm>> -> memref<3x128x64xf32, #tpu.memory_space<hbm>>
      tpu.wait_dma2 semaphore(%arg9 : memref<!tpu.dma_semaphore, #tpu.memory_space<semaphore_mem>>) src(%dma_wait3A_378 : memref<3x128x64xf32, #tpu.memory_space<hbm>>) dst(%dma_wait3A_374 : memref<3x128x64xf32, #tpu.memory_space<vmem>>)
      %dma_wait3A_379 = arith.constant 0 : i32
      %dma_wait3A_380 = arith.constant 0 : i32
      %dma_wait3A_381 = arith.constant 0 : i32
      %dma_wait3A_382 = tpu.memref_slice %arg6[%dma_wait3A_379, %dma_wait3A_380, %dma_wait3A_381] : memref<2x3x128xi32, #tpu.memory_space<vmem>> -> memref<1x3x128xi32, #tpu.memory_space<vmem>>
      %dma_wait3A_383 = tpu.memref_squeeze %dma_wait3A_382 : memref<1x3x128xi32, #tpu.memory_space<vmem>> -> memref<3x128xi32, #tpu.memory_space<vmem>>
      %dma_wait3A_384 = arith.constant 0 : i32
      %dma_wait3A_385 = arith.constant 0 : i32
      %dma_wait3A_386 = tpu.memref_slice %arg3[%dma_wait3A_384, %dma_wait3A_385] : memref<1344x128xi32, #tpu.memory_space<hbm>> -> memref<3x128xi32, #tpu.memory_space<hbm>>
      %dma_wait3A_387 = arith.constant 0 : i32
      %dma_wait3A_388 = arith.constant 0 : i32
      %dma_wait3A_389 = tpu.memref_slice %arg6[%dma_wait3A_379, %dma_wait3A_387, %dma_wait3A_388] : memref<2x3x128xi32, #tpu.memory_space<vmem>> -> memref<1x3x128xi32, #tpu.memory_space<vmem>>
      %dma_wait3A_390 = tpu.memref_squeeze %dma_wait3A_389 : memref<1x3x128xi32, #tpu.memory_space<vmem>> -> memref<3x128xi32, #tpu.memory_space<vmem>>
      %dma_wait3A_391 = arith.constant 0 : i32
      %dma_wait3A_392 = arith.constant 0 : i32
      %dma_wait3A_393 = tpu.memref_slice %arg3[%dma_wait3A_391, %dma_wait3A_392] : memref<1344x128xi32, #tpu.memory_space<hbm>> -> memref<3x128xi32, #tpu.memory_space<hbm>>
      tpu.wait_dma2 semaphore(%arg9 : memref<!tpu.dma_semaphore, #tpu.memory_space<semaphore_mem>>) src(%dma_wait3A_393 : memref<3x128xi32, #tpu.memory_space<hbm>>) dst(%dma_wait3A_390 : memref<3x128xi32, #tpu.memory_space<vmem>>)
      %dma_start3A_394 = arith.constant 0 : i32
      %dma_start3A_395 = arith.constant 0 : i32
      %dma_start3A_396 = arith.constant 0 : i32
      %dma_start3A_397 = arith.constant 0 : i32
      %dma_start3A_398 = arith.constant 0 : i32
      %dma_start3A_399 = arith.constant 0 : i32
      %dma_start3A_400 = tpu.memref_slice %arg5[%dma_start3A_394, %dma_start3A_395, %dma_start3A_398, %dma_start3A_399] : memref<2x3x128x64xf32, #tpu.memory_space<vmem>> -> memref<1x1x128x64xf32, #tpu.memory_space<vmem>>
      %dma_start3A_401 = tpu.memref_squeeze %dma_start3A_400 : memref<1x1x128x64xf32, #tpu.memory_space<vmem>> -> memref<128x64xf32, #tpu.memory_space<vmem>>
      %dma_start3A_402 = arith.constant 0 : i32
      %dma_start3A_403 = tpu.memref_slice %arg6[%dma_start3A_396, %dma_start3A_397, %dma_start3A_402] : memref<2x3x128xi32, #tpu.memory_space<vmem>> -> memref<1x1x128xi32, #tpu.memory_space<vmem>>
      %dma_start3A_404 = tpu.memref_squeeze %dma_start3A_403 : memref<1x1x128xi32, #tpu.memory_space<vmem>> -> memref<128xi32, #tpu.memory_space<vmem>>
      %dma_start3A_405 = arith.constant 0 : i32
      %dma_start3A_406 = arith.constant 0 : i32
      %dma_start3A_407 = tpu.memref_slice %arg8[%dma_start3A_405, %dma_start3A_406] : memref<2176x64xf32, #tpu.memory_space<vmem_shared>> -> memref<2176x64xf32, #tpu.memory_space<vmem_shared>>
      tpu.enqueue_indirect_dma source(%dma_start3A_401 : memref<128x64xf32, #tpu.memory_space<vmem>>) target(%dma_start3A_407 : memref<2176x64xf32, #tpu.memory_space<vmem_shared>>) offsets(%dma_start3A_404 : memref<128xi32, #tpu.memory_space<vmem>>) semaphore(%arg11 : memref<!tpu.dma_semaphore, #tpu.memory_space<semaphore_mem>>) {add = true}
      %dma_start3A_408 = arith.constant 0 : i32
      %dma_start3A_409 = arith.constant 1 : i32
      %dma_start3A_410 = arith.constant 0 : i32
      %dma_start3A_411 = arith.constant 1 : i32
      %dma_start3A_412 = arith.constant 0 : i32
      %dma_start3A_413 = arith.constant 0 : i32
      %dma_start3A_414 = tpu.memref_slice %arg5[%dma_start3A_408, %dma_start3A_409, %dma_start3A_412, %dma_start3A_413] : memref<2x3x128x64xf32, #tpu.memory_space<vmem>> -> memref<1x1x128x64xf32, #tpu.memory_space<vmem>>
      %dma_start3A_415 = tpu.memref_squeeze %dma_start3A_414 : memref<1x1x128x64xf32, #tpu.memory_space<vmem>> -> memref<128x64xf32, #tpu.memory_space<vmem>>
      %dma_start3A_416 = arith.constant 0 : i32
      %dma_start3A_417 = tpu.memref_slice %arg6[%dma_start3A_410, %dma_start3A_411, %dma_start3A_416] : memref<2x3x128xi32, #tpu.memory_space<vmem>> -> memref<1x1x128xi32, #tpu.memory_space<vmem>>
      %dma_start3A_418 = tpu.memref_squeeze %dma_start3A_417 : memref<1x1x128xi32, #tpu.memory_space<vmem>> -> memref<128xi32, #tpu.memory_space<vmem>>
      %dma_start3A_419 = arith.constant 0 : i32
      %dma_start3A_420 = arith.constant 0 : i32
      %dma_start3A_421 = tpu.memref_slice %arg8[%dma_start3A_419, %dma_start3A_420] : memref<2176x64xf32, #tpu.memory_space<vmem_shared>> -> memref<2176x64xf32, #tpu.memory_space<vmem_shared>>
      tpu.enqueue_indirect_dma source(%dma_start3A_415 : memref<128x64xf32, #tpu.memory_space<vmem>>) target(%dma_start3A_421 : memref<2176x64xf32, #tpu.memory_space<vmem_shared>>) offsets(%dma_start3A_418 : memref<128xi32, #tpu.memory_space<vmem>>) semaphore(%arg11 : memref<!tpu.dma_semaphore, #tpu.memory_space<semaphore_mem>>) {add = true}
      %dma_start3A_422 = arith.constant 0 : i32
      %dma_start3A_423 = arith.constant 2 : i32
      %dma_start3A_424 = arith.constant 0 : i32
      %dma_start3A_425 = arith.constant 2 : i32
      %dma_start3A_426 = arith.constant 0 : i32
      %dma_start3A_427 = arith.constant 0 : i32
      %dma_start3A_428 = tpu.memref_slice %arg5[%dma_start3A_422, %dma_start3A_423, %dma_start3A_426, %dma_start3A_427] : memref<2x3x128x64xf32, #tpu.memory_space<vmem>> -> memref<1x1x128x64xf32, #tpu.memory_space<vmem>>
      %dma_start3A_429 = tpu.memref_squeeze %dma_start3A_428 : memref<1x1x128x64xf32, #tpu.memory_space<vmem>> -> memref<128x64xf32, #tpu.memory_space<vmem>>
      %dma_start3A_430 = arith.constant 0 : i32
      %dma_start3A_431 = tpu.memref_slice %arg6[%dma_start3A_424, %dma_start3A_425, %dma_start3A_430] : memref<2x3x128xi32, #tpu.memory_space<vmem>> -> memref<1x1x128xi32, #tpu.memory_space<vmem>>
      %dma_start3A_432 = tpu.memref_squeeze %dma_start3A_431 : memref<1x1x128xi32, #tpu.memory_space<vmem>> -> memref<128xi32, #tpu.memory_space<vmem>>
      %dma_start3A_433 = arith.constant 0 : i32
      %dma_start3A_434 = arith.constant 0 : i32
      %dma_start3A_435 = tpu.memref_slice %arg8[%dma_start3A_433, %dma_start3A_434] : memref<2176x64xf32, #tpu.memory_space<vmem_shared>> -> memref<2176x64xf32, #tpu.memory_space<vmem_shared>>
      tpu.enqueue_indirect_dma source(%dma_start3A_429 : memref<128x64xf32, #tpu.memory_space<vmem>>) target(%dma_start3A_435 : memref<2176x64xf32, #tpu.memory_space<vmem_shared>>) offsets(%dma_start3A_432 : memref<128xi32, #tpu.memory_space<vmem>>) semaphore(%arg11 : memref<!tpu.dma_semaphore, #tpu.memory_space<semaphore_mem>>) {add = true}
      %dma_wait3A_436 = arith.constant 0 : i32
      %dma_wait3A_437 = arith.constant 0 : i32
      %dma_wait3A_438 = arith.constant 0 : i32
      %dma_wait3A_439 = arith.constant 0 : i32
      %dma_wait3A_440 = arith.constant 0 : i32
      %dma_wait3A_441 = arith.constant 0 : i32
      %dma_wait3A_442 = tpu.memref_slice %arg5[%dma_wait3A_436, %dma_wait3A_437, %dma_wait3A_440, %dma_wait3A_441] : memref<2x3x128x64xf32, #tpu.memory_space<vmem>> -> memref<1x1x128x64xf32, #tpu.memory_space<vmem>>
      %dma_wait3A_443 = tpu.memref_squeeze %dma_wait3A_442 : memref<1x1x128x64xf32, #tpu.memory_space<vmem>> -> memref<128x64xf32, #tpu.memory_space<vmem>>
      %dma_wait3A_444 = arith.constant 0 : i32
      %dma_wait3A_445 = tpu.memref_slice %arg6[%dma_wait3A_438, %dma_wait3A_439, %dma_wait3A_444] : memref<2x3x128xi32, #tpu.memory_space<vmem>> -> memref<1x1x128xi32, #tpu.memory_space<vmem>>
      %dma_wait3A_446 = tpu.memref_squeeze %dma_wait3A_445 : memref<1x1x128xi32, #tpu.memory_space<vmem>> -> memref<128xi32, #tpu.memory_space<vmem>>
      %dma_wait3A_447 = arith.constant 0 : i32
      %dma_wait3A_448 = arith.constant 0 : i32
      %dma_wait3A_449 = tpu.memref_slice %arg8[%dma_wait3A_447, %dma_wait3A_448] : memref<2176x64xf32, #tpu.memory_space<vmem_shared>> -> memref<2176x64xf32, #tpu.memory_space<vmem_shared>>
      tpu.wait_indirect_dma semaphore(%arg11 : memref<!tpu.dma_semaphore, #tpu.memory_space<semaphore_mem>>) src(%dma_wait3A_443 : memref<128x64xf32, #tpu.memory_space<vmem>>) dst(%dma_wait3A_449 : memref<2176x64xf32, #tpu.memory_space<vmem_shared>>)
      %dma_wait3A_450 = arith.constant 0 : i32
      %dma_wait3A_451 = arith.constant 1 : i32
      %dma_wait3A_452 = arith.constant 0 : i32
      %dma_wait3A_453 = arith.constant 1 : i32
      %dma_wait3A_454 = arith.constant 0 : i32
      %dma_wait3A_455 = arith.constant 0 : i32
      %dma_wait3A_456 = tpu.memref_slice %arg5[%dma_wait3A_450, %dma_wait3A_451, %dma_wait3A_454, %dma_wait3A_455] : memref<2x3x128x64xf32, #tpu.memory_space<vmem>> -> memref<1x1x128x64xf32, #tpu.memory_space<vmem>>
      %dma_wait3A_457 = tpu.memref_squeeze %dma_wait3A_456 : memref<1x1x128x64xf32, #tpu.memory_space<vmem>> -> memref<128x64xf32, #tpu.memory_space<vmem>>
      %dma_wait3A_458 = arith.constant 0 : i32
      %dma_wait3A_459 = tpu.memref_slice %arg6[%dma_wait3A_452, %dma_wait3A_453, %dma_wait3A_458] : memref<2x3x128xi32, #tpu.memory_space<vmem>> -> memref<1x1x128xi32, #tpu.memory_space<vmem>>
      %dma_wait3A_460 = tpu.memref_squeeze %dma_wait3A_459 : memref<1x1x128xi32, #tpu.memory_space<vmem>> -> memref<128xi32, #tpu.memory_space<vmem>>
      %dma_wait3A_461 = arith.constant 0 : i32
      %dma_wait3A_462 = arith.constant 0 : i32
      %dma_wait3A_463 = tpu.memref_slice %arg8[%dma_wait3A_461, %dma_wait3A_462] : memref<2176x64xf32, #tpu.memory_space<vmem_shared>> -> memref<2176x64xf32, #tpu.memory_space<vmem_shared>>
      tpu.wait_indirect_dma semaphore(%arg11 : memref<!tpu.dma_semaphore, #tpu.memory_space<semaphore_mem>>) src(%dma_wait3A_457 : memref<128x64xf32, #tpu.memory_space<vmem>>) dst(%dma_wait3A_463 : memref<2176x64xf32, #tpu.memory_space<vmem_shared>>)
      %dma_wait3A_464 = arith.constant 0 : i32
      %dma_wait3A_465 = arith.constant 2 : i32
      %dma_wait3A_466 = arith.constant 0 : i32
      %dma_wait3A_467 = arith.constant 2 : i32
      %dma_wait3A_468 = arith.constant 0 : i32
      %dma_wait3A_469 = arith.constant 0 : i32
      %dma_wait3A_470 = tpu.memref_slice %arg5[%dma_wait3A_464, %dma_wait3A_465, %dma_wait3A_468, %dma_wait3A_469] : memref<2x3x128x64xf32, #tpu.memory_space<vmem>> -> memref<1x1x128x64xf32, #tpu.memory_space<vmem>>
      %dma_wait3A_471 = tpu.memref_squeeze %dma_wait3A_470 : memref<1x1x128x64xf32, #tpu.memory_space<vmem>> -> memref<128x64xf32, #tpu.memory_space<vmem>>
      %dma_wait3A_472 = arith.constant 0 : i32
      %dma_wait3A_473 = tpu.memref_slice %arg6[%dma_wait3A_466, %dma_wait3A_467, %dma_wait3A_472] : memref<2x3x128xi32, #tpu.memory_space<vmem>> -> memref<1x1x128xi32, #tpu.memory_space<vmem>>
      %dma_wait3A_474 = tpu.memref_squeeze %dma_wait3A_473 : memref<1x1x128xi32, #tpu.memory_space<vmem>> -> memref<128xi32, #tpu.memory_space<vmem>>
      %dma_wait3A_475 = arith.constant 0 : i32
      %dma_wait3A_476 = arith.constant 0 : i32
      %dma_wait3A_477 = tpu.memref_slice %arg8[%dma_wait3A_475, %dma_wait3A_476] : memref<2176x64xf32, #tpu.memory_space<vmem_shared>> -> memref<2176x64xf32, #tpu.memory_space<vmem_shared>>
      tpu.wait_indirect_dma semaphore(%arg11 : memref<!tpu.dma_semaphore, #tpu.memory_space<semaphore_mem>>) src(%dma_wait3A_471 : memref<128x64xf32, #tpu.memory_space<vmem>>) dst(%dma_wait3A_477 : memref<2176x64xf32, #tpu.memory_space<vmem_shared>>)
      %mul3A_478 = arith.constant 2 : i32
      %mul3A_479 = arith.muli %mul3A_478, %scan3A_319 : i32
      %add3A_480 = arith.constant 2 : i32
      %add3A_481 = arith.addi %mul3A_479, %add3A_480 : i32
      %lt3A = arith.constant 14 : i32
      %lt3A_482 = arith.cmpi slt, %add3A_481, %lt3A : i32
      %convert_element_type3A_483 = arith.extui %lt3A_482 : i1 to i32
      %cond3A_484 = arith.constant 0 : i32
      %cond3A_485 = arith.cmpi ne, %convert_element_type3A_483, %cond3A_484 : i32
      scf.if %cond3A_485 {
        %mul3A_605 = arith.constant 2 : i32
        %mul3A_606 = arith.muli %mul3A_605, %scan3A_319 : i32
        %add3A_607 = arith.constant 2 : i32
        %add3A_608 = arith.addi %mul3A_606, %add3A_607 : i32
        %mul3A_609 = arith.constant 3 : i32
        %mul3A_610 = arith.muli %add3A_608, %mul3A_609 : i32
        %add3A_611 = arith.addi %select_n3A, %mul3A_610 : i32
        %dma_start3A_612 = arith.constant 0 : i32
        %dma_start3A_613 = arith.constant 0 : i32
        %dma_start3A_614 = arith.constant 0 : i32
        %dma_start3A_615 = arith.constant 0 : i32
        %dma_start3A_616 = tpu.memref_slice %arg5[%dma_start3A_612, %dma_start3A_613, %dma_start3A_614, %dma_start3A_615] : memref<2x3x128x64xf32, #tpu.memory_space<vmem>> -> memref<1x3x128x64xf32, #tpu.memory_space<vmem>>
        %dma_start3A_617 = tpu.memref_squeeze %dma_start3A_616 : memref<1x3x128x64xf32, #tpu.memory_space<vmem>> -> memref<3x128x64xf32, #tpu.memory_space<vmem>>
        %dma_start3A_618 = arith.constant 0 : i32
        %dma_start3A_619 = arith.constant 0 : i32
        %dma_start3A_620 = tpu.memref_slice %arg2[%add3A_611, %dma_start3A_618, %dma_start3A_619] : memref<1344x128x64xf32, #tpu.memory_space<hbm>> -> memref<3x128x64xf32, #tpu.memory_space<hbm>>
        %dma_start3A_621 = arith.constant 0 : i32
        %dma_start3A_622 = arith.constant 0 : i32
        %dma_start3A_623 = arith.constant 0 : i32
        %dma_start3A_624 = tpu.memref_slice %arg5[%dma_start3A_612, %dma_start3A_621, %dma_start3A_622, %dma_start3A_623] : memref<2x3x128x64xf32, #tpu.memory_space<vmem>> -> memref<1x3x128x64xf32, #tpu.memory_space<vmem>>
        %dma_start3A_625 = tpu.memref_squeeze %dma_start3A_624 : memref<1x3x128x64xf32, #tpu.memory_space<vmem>> -> memref<3x128x64xf32, #tpu.memory_space<vmem>>
        %dma_start3A_626 = arith.constant 0 : i32
        %dma_start3A_627 = arith.constant 0 : i32
        %dma_start3A_628 = tpu.memref_slice %arg2[%add3A_611, %dma_start3A_626, %dma_start3A_627] : memref<1344x128x64xf32, #tpu.memory_space<hbm>> -> memref<3x128x64xf32, #tpu.memory_space<hbm>>
        tpu.enqueue_dma source(%dma_start3A_628 : memref<3x128x64xf32, #tpu.memory_space<hbm>>) target(%dma_start3A_625 : memref<3x128x64xf32, #tpu.memory_space<vmem>>) target_semaphore(%arg9 : memref<!tpu.dma_semaphore, #tpu.memory_space<semaphore_mem>>)
        %mul3A_629 = arith.constant 3 : i32
        %mul3A_630 = arith.muli %add3A_608, %mul3A_629 : i32
        %add3A_631 = arith.addi %select_n3A, %mul3A_630 : i32
        %dma_start3A_632 = arith.constant 0 : i32
        %dma_start3A_633 = arith.constant 0 : i32
        %dma_start3A_634 = arith.constant 0 : i32
        %dma_start3A_635 = tpu.memref_slice %arg6[%dma_start3A_632, %dma_start3A_633, %dma_start3A_634] : memref<2x3x128xi32, #tpu.memory_space<vmem>> -> memref<1x3x128xi32, #tpu.memory_space<vmem>>
        %dma_start3A_636 = tpu.memref_squeeze %dma_start3A_635 : memref<1x3x128xi32, #tpu.memory_space<vmem>> -> memref<3x128xi32, #tpu.memory_space<vmem>>
        %dma_start3A_637 = arith.constant 0 : i32
        %dma_start3A_638 = tpu.memref_slice %arg3[%add3A_631, %dma_start3A_637] : memref<1344x128xi32, #tpu.memory_space<hbm>> -> memref<3x128xi32, #tpu.memory_space<hbm>>
        %dma_start3A_639 = arith.constant 0 : i32
        %dma_start3A_640 = arith.constant 0 : i32
        %dma_start3A_641 = tpu.memref_slice %arg6[%dma_start3A_632, %dma_start3A_639, %dma_start3A_640] : memref<2x3x128xi32, #tpu.memory_space<vmem>> -> memref<1x3x128xi32, #tpu.memory_space<vmem>>
        %dma_start3A_642 = tpu.memref_squeeze %dma_start3A_641 : memref<1x3x128xi32, #tpu.memory_space<vmem>> -> memref<3x128xi32, #tpu.memory_space<vmem>>
        %dma_start3A_643 = arith.constant 0 : i32
        %dma_start3A_644 = tpu.memref_slice %arg3[%add3A_631, %dma_start3A_643] : memref<1344x128xi32, #tpu.memory_space<hbm>> -> memref<3x128xi32, #tpu.memory_space<hbm>>
        tpu.enqueue_dma source(%dma_start3A_644 : memref<3x128xi32, #tpu.memory_space<hbm>>) target(%dma_start3A_642 : memref<3x128xi32, #tpu.memory_space<vmem>>) target_semaphore(%arg9 : memref<!tpu.dma_semaphore, #tpu.memory_space<semaphore_mem>>)
      } else {
      }
      %dma_wait3A_486 = arith.constant 1 : i32
      %dma_wait3A_487 = arith.constant 0 : i32
      %dma_wait3A_488 = arith.constant 0 : i32
      %dma_wait3A_489 = arith.constant 0 : i32
      %dma_wait3A_490 = tpu.memref_slice %arg5[%dma_wait3A_486, %dma_wait3A_487, %dma_wait3A_488, %dma_wait3A_489] : memref<2x3x128x64xf32, #tpu.memory_space<vmem>> -> memref<1x3x128x64xf32, #tpu.memory_space<vmem>>
      %dma_wait3A_491 = tpu.memref_squeeze %dma_wait3A_490 : memref<1x3x128x64xf32, #tpu.memory_space<vmem>> -> memref<3x128x64xf32, #tpu.memory_space<vmem>>
      %dma_wait3A_492 = arith.constant 0 : i32
      %dma_wait3A_493 = arith.constant 0 : i32
      %dma_wait3A_494 = arith.constant 0 : i32
      %dma_wait3A_495 = tpu.memref_slice %arg2[%dma_wait3A_492, %dma_wait3A_493, %dma_wait3A_494] : memref<1344x128x64xf32, #tpu.memory_space<hbm>> -> memref<3x128x64xf32, #tpu.memory_space<hbm>>
      %dma_wait3A_496 = arith.constant 0 : i32
      %dma_wait3A_497 = arith.constant 0 : i32
      %dma_wait3A_498 = arith.constant 0 : i32
      %dma_wait3A_499 = tpu.memref_slice %arg5[%dma_wait3A_486, %dma_wait3A_496, %dma_wait3A_497, %dma_wait3A_498] : memref<2x3x128x64xf32, #tpu.memory_space<vmem>> -> memref<1x3x128x64xf32, #tpu.memory_space<vmem>>
      %dma_wait3A_500 = tpu.memref_squeeze %dma_wait3A_499 : memref<1x3x128x64xf32, #tpu.memory_space<vmem>> -> memref<3x128x64xf32, #tpu.memory_space<vmem>>
      %dma_wait3A_501 = arith.constant 0 : i32
      %dma_wait3A_502 = arith.constant 0 : i32
      %dma_wait3A_503 = arith.constant 0 : i32
      %dma_wait3A_504 = tpu.memref_slice %arg2[%dma_wait3A_501, %dma_wait3A_502, %dma_wait3A_503] : memref<1344x128x64xf32, #tpu.memory_space<hbm>> -> memref<3x128x64xf32, #tpu.memory_space<hbm>>
      tpu.wait_dma2 semaphore(%arg10 : memref<!tpu.dma_semaphore, #tpu.memory_space<semaphore_mem>>) src(%dma_wait3A_504 : memref<3x128x64xf32, #tpu.memory_space<hbm>>) dst(%dma_wait3A_500 : memref<3x128x64xf32, #tpu.memory_space<vmem>>)
      %dma_wait3A_505 = arith.constant 1 : i32
      %dma_wait3A_506 = arith.constant 0 : i32
      %dma_wait3A_507 = arith.constant 0 : i32
      %dma_wait3A_508 = tpu.memref_slice %arg6[%dma_wait3A_505, %dma_wait3A_506, %dma_wait3A_507] : memref<2x3x128xi32, #tpu.memory_space<vmem>> -> memref<1x3x128xi32, #tpu.memory_space<vmem>>
      %dma_wait3A_509 = tpu.memref_squeeze %dma_wait3A_508 : memref<1x3x128xi32, #tpu.memory_space<vmem>> -> memref<3x128xi32, #tpu.memory_space<vmem>>
      %dma_wait3A_510 = arith.constant 0 : i32
      %dma_wait3A_511 = arith.constant 0 : i32
      %dma_wait3A_512 = tpu.memref_slice %arg3[%dma_wait3A_510, %dma_wait3A_511] : memref<1344x128xi32, #tpu.memory_space<hbm>> -> memref<3x128xi32, #tpu.memory_space<hbm>>
      %dma_wait3A_513 = arith.constant 0 : i32
      %dma_wait3A_514 = arith.constant 0 : i32
      %dma_wait3A_515 = tpu.memref_slice %arg6[%dma_wait3A_505, %dma_wait3A_513, %dma_wait3A_514] : memref<2x3x128xi32, #tpu.memory_space<vmem>> -> memref<1x3x128xi32, #tpu.memory_space<vmem>>
      %dma_wait3A_516 = tpu.memref_squeeze %dma_wait3A_515 : memref<1x3x128xi32, #tpu.memory_space<vmem>> -> memref<3x128xi32, #tpu.memory_space<vmem>>
      %dma_wait3A_517 = arith.constant 0 : i32
      %dma_wait3A_518 = arith.constant 0 : i32
      %dma_wait3A_519 = tpu.memref_slice %arg3[%dma_wait3A_517, %dma_wait3A_518] : memref<1344x128xi32, #tpu.memory_space<hbm>> -> memref<3x128xi32, #tpu.memory_space<hbm>>
      tpu.wait_dma2 semaphore(%arg10 : memref<!tpu.dma_semaphore, #tpu.memory_space<semaphore_mem>>) src(%dma_wait3A_519 : memref<3x128xi32, #tpu.memory_space<hbm>>) dst(%dma_wait3A_516 : memref<3x128xi32, #tpu.memory_space<vmem>>)
      %dma_start3A_520 = arith.constant 1 : i32
      %dma_start3A_521 = arith.constant 0 : i32
      %dma_start3A_522 = arith.constant 1 : i32
      %dma_start3A_523 = arith.constant 0 : i32
      %dma_start3A_524 = arith.constant 0 : i32
      %dma_start3A_525 = arith.constant 0 : i32
      %dma_start3A_526 = tpu.memref_slice %arg5[%dma_start3A_520, %dma_start3A_521, %dma_start3A_524, %dma_start3A_525] : memref<2x3x128x64xf32, #tpu.memory_space<vmem>> -> memref<1x1x128x64xf32, #tpu.memory_space<vmem>>
      %dma_start3A_527 = tpu.memref_squeeze %dma_start3A_526 : memref<1x1x128x64xf32, #tpu.memory_space<vmem>> -> memref<128x64xf32, #tpu.memory_space<vmem>>
      %dma_start3A_528 = arith.constant 0 : i32
      %dma_start3A_529 = tpu.memref_slice %arg6[%dma_start3A_522, %dma_start3A_523, %dma_start3A_528] : memref<2x3x128xi32, #tpu.memory_space<vmem>> -> memref<1x1x128xi32, #tpu.memory_space<vmem>>
      %dma_start3A_530 = tpu.memref_squeeze %dma_start3A_529 : memref<1x1x128xi32, #tpu.memory_space<vmem>> -> memref<128xi32, #tpu.memory_space<vmem>>
      %dma_start3A_531 = arith.constant 0 : i32
      %dma_start3A_532 = arith.constant 0 : i32
      %dma_start3A_533 = tpu.memref_slice %arg8[%dma_start3A_531, %dma_start3A_532] : memref<2176x64xf32, #tpu.memory_space<vmem_shared>> -> memref<2176x64xf32, #tpu.memory_space<vmem_shared>>
      tpu.enqueue_indirect_dma source(%dma_start3A_527 : memref<128x64xf32, #tpu.memory_space<vmem>>) target(%dma_start3A_533 : memref<2176x64xf32, #tpu.memory_space<vmem_shared>>) offsets(%dma_start3A_530 : memref<128xi32, #tpu.memory_space<vmem>>) semaphore(%arg12 : memref<!tpu.dma_semaphore, #tpu.memory_space<semaphore_mem>>) {add = true}
      %dma_start3A_534 = arith.constant 1 : i32
      %dma_start3A_535 = arith.constant 1 : i32
      %dma_start3A_536 = arith.constant 1 : i32
      %dma_start3A_537 = arith.constant 1 : i32
      %dma_start3A_538 = arith.constant 0 : i32
      %dma_start3A_539 = arith.constant 0 : i32
      %dma_start3A_540 = tpu.memref_slice %arg5[%dma_start3A_534, %dma_start3A_535, %dma_start3A_538, %dma_start3A_539] : memref<2x3x128x64xf32, #tpu.memory_space<vmem>> -> memref<1x1x128x64xf32, #tpu.memory_space<vmem>>
      %dma_start3A_541 = tpu.memref_squeeze %dma_start3A_540 : memref<1x1x128x64xf32, #tpu.memory_space<vmem>> -> memref<128x64xf32, #tpu.memory_space<vmem>>
      %dma_start3A_542 = arith.constant 0 : i32
      %dma_start3A_543 = tpu.memref_slice %arg6[%dma_start3A_536, %dma_start3A_537, %dma_start3A_542] : memref<2x3x128xi32, #tpu.memory_space<vmem>> -> memref<1x1x128xi32, #tpu.memory_space<vmem>>
      %dma_start3A_544 = tpu.memref_squeeze %dma_start3A_543 : memref<1x1x128xi32, #tpu.memory_space<vmem>> -> memref<128xi32, #tpu.memory_space<vmem>>
      %dma_start3A_545 = arith.constant 0 : i32
      %dma_start3A_546 = arith.constant 0 : i32
      %dma_start3A_547 = tpu.memref_slice %arg8[%dma_start3A_545, %dma_start3A_546] : memref<2176x64xf32, #tpu.memory_space<vmem_shared>> -> memref<2176x64xf32, #tpu.memory_space<vmem_shared>>
      tpu.enqueue_indirect_dma source(%dma_start3A_541 : memref<128x64xf32, #tpu.memory_space<vmem>>) target(%dma_start3A_547 : memref<2176x64xf32, #tpu.memory_space<vmem_shared>>) offsets(%dma_start3A_544 : memref<128xi32, #tpu.memory_space<vmem>>) semaphore(%arg12 : memref<!tpu.dma_semaphore, #tpu.memory_space<semaphore_mem>>) {add = true}
      %dma_start3A_548 = arith.constant 1 : i32
      %dma_start3A_549 = arith.constant 2 : i32
      %dma_start3A_550 = arith.constant 1 : i32
      %dma_start3A_551 = arith.constant 2 : i32
      %dma_start3A_552 = arith.constant 0 : i32
      %dma_start3A_553 = arith.constant 0 : i32
      %dma_start3A_554 = tpu.memref_slice %arg5[%dma_start3A_548, %dma_start3A_549, %dma_start3A_552, %dma_start3A_553] : memref<2x3x128x64xf32, #tpu.memory_space<vmem>> -> memref<1x1x128x64xf32, #tpu.memory_space<vmem>>
      %dma_start3A_555 = tpu.memref_squeeze %dma_start3A_554 : memref<1x1x128x64xf32, #tpu.memory_space<vmem>> -> memref<128x64xf32, #tpu.memory_space<vmem>>
      %dma_start3A_556 = arith.constant 0 : i32
      %dma_start3A_557 = tpu.memref_slice %arg6[%dma_start3A_550, %dma_start3A_551, %dma_start3A_556] : memref<2x3x128xi32, #tpu.memory_space<vmem>> -> memref<1x1x128xi32, #tpu.memory_space<vmem>>
      %dma_start3A_558 = tpu.memref_squeeze %dma_start3A_557 : memref<1x1x128xi32, #tpu.memory_space<vmem>> -> memref<128xi32, #tpu.memory_space<vmem>>
      %dma_start3A_559 = arith.constant 0 : i32
      %dma_start3A_560 = arith.constant 0 : i32
      %dma_start3A_561 = tpu.memref_slice %arg8[%dma_start3A_559, %dma_start3A_560] : memref<2176x64xf32, #tpu.memory_space<vmem_shared>> -> memref<2176x64xf32, #tpu.memory_space<vmem_shared>>
      tpu.enqueue_indirect_dma source(%dma_start3A_555 : memref<128x64xf32, #tpu.memory_space<vmem>>) target(%dma_start3A_561 : memref<2176x64xf32, #tpu.memory_space<vmem_shared>>) offsets(%dma_start3A_558 : memref<128xi32, #tpu.memory_space<vmem>>) semaphore(%arg12 : memref<!tpu.dma_semaphore, #tpu.memory_space<semaphore_mem>>) {add = true}
      %dma_wait3A_562 = arith.constant 1 : i32
      %dma_wait3A_563 = arith.constant 0 : i32
      %dma_wait3A_564 = arith.constant 1 : i32
      %dma_wait3A_565 = arith.constant 0 : i32
      %dma_wait3A_566 = arith.constant 0 : i32
      %dma_wait3A_567 = arith.constant 0 : i32
      %dma_wait3A_568 = tpu.memref_slice %arg5[%dma_wait3A_562, %dma_wait3A_563, %dma_wait3A_566, %dma_wait3A_567] : memref<2x3x128x64xf32, #tpu.memory_space<vmem>> -> memref<1x1x128x64xf32, #tpu.memory_space<vmem>>
      %dma_wait3A_569 = tpu.memref_squeeze %dma_wait3A_568 : memref<1x1x128x64xf32, #tpu.memory_space<vmem>> -> memref<128x64xf32, #tpu.memory_space<vmem>>
      %dma_wait3A_570 = arith.constant 0 : i32
      %dma_wait3A_571 = tpu.memref_slice %arg6[%dma_wait3A_564, %dma_wait3A_565, %dma_wait3A_570] : memref<2x3x128xi32, #tpu.memory_space<vmem>> -> memref<1x1x128xi32, #tpu.memory_space<vmem>>
      %dma_wait3A_572 = tpu.memref_squeeze %dma_wait3A_571 : memref<1x1x128xi32, #tpu.memory_space<vmem>> -> memref<128xi32, #tpu.memory_space<vmem>>
      %dma_wait3A_573 = arith.constant 0 : i32
      %dma_wait3A_574 = arith.constant 0 : i32
      %dma_wait3A_575 = tpu.memref_slice %arg8[%dma_wait3A_573, %dma_wait3A_574] : memref<2176x64xf32, #tpu.memory_space<vmem_shared>> -> memref<2176x64xf32, #tpu.memory_space<vmem_shared>>
      tpu.wait_indirect_dma semaphore(%arg12 : memref<!tpu.dma_semaphore, #tpu.memory_space<semaphore_mem>>) src(%dma_wait3A_569 : memref<128x64xf32, #tpu.memory_space<vmem>>) dst(%dma_wait3A_575 : memref<2176x64xf32, #tpu.memory_space<vmem_shared>>)
      %dma_wait3A_576 = arith.constant 1 : i32
      %dma_wait3A_577 = arith.constant 1 : i32
      %dma_wait3A_578 = arith.constant 1 : i32
      %dma_wait3A_579 = arith.constant 1 : i32
      %dma_wait3A_580 = arith.constant 0 : i32
      %dma_wait3A_581 = arith.constant 0 : i32
      %dma_wait3A_582 = tpu.memref_slice %arg5[%dma_wait3A_576, %dma_wait3A_577, %dma_wait3A_580, %dma_wait3A_581] : memref<2x3x128x64xf32, #tpu.memory_space<vmem>> -> memref<1x1x128x64xf32, #tpu.memory_space<vmem>>
      %dma_wait3A_583 = tpu.memref_squeeze %dma_wait3A_582 : memref<1x1x128x64xf32, #tpu.memory_space<vmem>> -> memref<128x64xf32, #tpu.memory_space<vmem>>
      %dma_wait3A_584 = arith.constant 0 : i32
      %dma_wait3A_585 = tpu.memref_slice %arg6[%dma_wait3A_578, %dma_wait3A_579, %dma_wait3A_584] : memref<2x3x128xi32, #tpu.memory_space<vmem>> -> memref<1x1x128xi32, #tpu.memory_space<vmem>>
      %dma_wait3A_586 = tpu.memref_squeeze %dma_wait3A_585 : memref<1x1x128xi32, #tpu.memory_space<vmem>> -> memref<128xi32, #tpu.memory_space<vmem>>
      %dma_wait3A_587 = arith.constant 0 : i32
      %dma_wait3A_588 = arith.constant 0 : i32
      %dma_wait3A_589 = tpu.memref_slice %arg8[%dma_wait3A_587, %dma_wait3A_588] : memref<2176x64xf32, #tpu.memory_space<vmem_shared>> -> memref<2176x64xf32, #tpu.memory_space<vmem_shared>>
      tpu.wait_indirect_dma semaphore(%arg12 : memref<!tpu.dma_semaphore, #tpu.memory_space<semaphore_mem>>) src(%dma_wait3A_583 : memref<128x64xf32, #tpu.memory_space<vmem>>) dst(%dma_wait3A_589 : memref<2176x64xf32, #tpu.memory_space<vmem_shared>>)
      %dma_wait3A_590 = arith.constant 1 : i32
      %dma_wait3A_591 = arith.constant 2 : i32
      %dma_wait3A_592 = arith.constant 1 : i32
      %dma_wait3A_593 = arith.constant 2 : i32
      %dma_wait3A_594 = arith.constant 0 : i32
      %dma_wait3A_595 = arith.constant 0 : i32
      %dma_wait3A_596 = tpu.memref_slice %arg5[%dma_wait3A_590, %dma_wait3A_591, %dma_wait3A_594, %dma_wait3A_595] : memref<2x3x128x64xf32, #tpu.memory_space<vmem>> -> memref<1x1x128x64xf32, #tpu.memory_space<vmem>>
      %dma_wait3A_597 = tpu.memref_squeeze %dma_wait3A_596 : memref<1x1x128x64xf32, #tpu.memory_space<vmem>> -> memref<128x64xf32, #tpu.memory_space<vmem>>
      %dma_wait3A_598 = arith.constant 0 : i32
      %dma_wait3A_599 = tpu.memref_slice %arg6[%dma_wait3A_592, %dma_wait3A_593, %dma_wait3A_598] : memref<2x3x128xi32, #tpu.memory_space<vmem>> -> memref<1x1x128xi32, #tpu.memory_space<vmem>>
      %dma_wait3A_600 = tpu.memref_squeeze %dma_wait3A_599 : memref<1x1x128xi32, #tpu.memory_space<vmem>> -> memref<128xi32, #tpu.memory_space<vmem>>
      %dma_wait3A_601 = arith.constant 0 : i32
      %dma_wait3A_602 = arith.constant 0 : i32
      %dma_wait3A_603 = tpu.memref_slice %arg8[%dma_wait3A_601, %dma_wait3A_602] : memref<2176x64xf32, #tpu.memory_space<vmem_shared>> -> memref<2176x64xf32, #tpu.memory_space<vmem_shared>>
      tpu.wait_indirect_dma semaphore(%arg12 : memref<!tpu.dma_semaphore, #tpu.memory_space<semaphore_mem>>) src(%dma_wait3A_597 : memref<128x64xf32, #tpu.memory_space<vmem>>) dst(%dma_wait3A_603 : memref<2176x64xf32, #tpu.memory_space<vmem_shared>>)
      %scan3A_604 = arith.constant 0 : i32
      scf.yield %scan3A_604 : i32
    }
    %scan3A_315 = arith.constant 7 : i32
    %barrier3A_316 = arith.constant 0 : index
    tpu.barrier barrier_id(%barrier3A_316)
    %eq3A = arith.constant 0 : i32
    %eq3A_317 = arith.cmpi eq, %arg1, %eq3A : i32
    %convert_element_type3A = arith.extui %eq3A_317 : i1 to i32
    %cond3A = arith.constant 0 : i32
    %cond3A_318 = arith.cmpi ne, %convert_element_type3A, %cond3A : i32
    scf.if %cond3A_318 {
      "tpu.region"() ({
        %run_scoped3A = tpu.sem_alloc : memref<!tpu.dma_semaphore, #tpu.memory_space<semaphore_mem>>
        %dma_start3A_319 = arith.constant 0 : i32
        %dma_start3A_320 = arith.constant 0 : i32
        %dma_start3A_321 = tpu.memref_slice %arg4[%arg0, %dma_start3A_319, %dma_start3A_320] : memref<2x2176x64xf32, #tpu.memory_space<hbm>> -> memref<1x2176x64xf32, #tpu.memory_space<hbm>>
        %dma_start3A_322 = tpu.memref_squeeze %dma_start3A_321 : memref<1x2176x64xf32, #tpu.memory_space<hbm>> -> memref<2176x64xf32, #tpu.memory_space<hbm>>
        tpu.enqueue_dma source(%arg8 : memref<2176x64xf32, #tpu.memory_space<vmem_shared>>) target(%dma_start3A_322 : memref<2176x64xf32, #tpu.memory_space<hbm>>) target_semaphore(%run_scoped3A : memref<!tpu.dma_semaphore, #tpu.memory_space<semaphore_mem>>)
        %dma_wait3A = arith.constant 0 : i32
        %dma_wait3A_323 = arith.constant 0 : i32
        %dma_wait3A_324 = tpu.memref_slice %arg4[%arg0, %dma_wait3A, %dma_wait3A_323] : memref<2x2176x64xf32, #tpu.memory_space<hbm>> -> memref<1x2176x64xf32, #tpu.memory_space<hbm>>
        %dma_wait3A_325 = tpu.memref_squeeze %dma_wait3A_324 : memref<1x2176x64xf32, #tpu.memory_space<hbm>> -> memref<2176x64xf32, #tpu.memory_space<hbm>>
        tpu.wait_dma2 semaphore(%run_scoped3A : memref<!tpu.dma_semaphore, #tpu.memory_space<semaphore_mem>>) src(%arg8 : memref<2176x64xf32, #tpu.memory_space<vmem_shared>>) dst(%dma_wait3A_325 : memref<2176x64xf32, #tpu.memory_space<hbm>>)
        tpu.yield
      }) : () -> ()
    } else {
    }
    return
  }
}

#map = affine_map<(d0, d1) -> (0, 0)>
#map1 = affine_map<(d0, d1) -> (0, 0, 0)>
module attributes {stable_mosaic.version = 14 : i64} {
  func.func @k(%arg0: i32, %arg1: i32, %arg2: memref<2176x64xf32, #tpu.memory_space<hbm>>, %arg3: memref<1344x128xi32, #tpu.memory_space<hbm>>, %arg4: memref<1344x128x64xf32, #tpu.memory_space<hbm>>, %arg5: memref<2x3x128x64xf32, #tpu.memory_space<vmem>>, %arg6: memref<2x3x128xi32, #tpu.memory_space<vmem>>, %arg7: memref<2176x64xf32, #tpu.memory_space<vmem_shared>>, %arg8: memref<!tpu.dma_semaphore, #tpu.memory_space<semaphore_mem>>, %arg9: memref<!tpu.dma_semaphore, #tpu.memory_space<semaphore_mem>>, %arg10: memref<!tpu.dma_semaphore, #tpu.memory_space<semaphore_mem>>, %arg11: memref<!tpu.dma_semaphore, #tpu.memory_space<semaphore_mem>>, %arg12: memref<!tpu.dma_semaphore, #tpu.memory_space<semaphore_mem>>, %arg13: memref<!tpu.dma_semaphore, #tpu.memory_space<semaphore_mem>>) attributes {dimension_semantics = [#tpu.dimension_semantics<core_parallel>, #tpu.dimension_semantics<subcore_parallel>], iteration_bounds = array<i64: 2, 16>, scalar_prefetch = 0 : i64, scratch_operands = 9 : i64, tpu.core_type = #tpu.core_type<sc_vector_subcore>, window_params = [{transform_indices = #map}, {transform_indices = #map}, {transform_indices = #map1}]} {
    %mul3A = arith.constant 2 : i32
    %mul3A_0 = arith.muli %arg1, %mul3A : i32
    %add3A = arith.addi %mul3A_0, %arg0 : i32
    %mul3A_1 = arith.constant 5376 : i32
    %mul3A_2 = arith.muli %add3A, %mul3A_1 : i32
    %jit3A = arith.constant 128 : i32
    %div3A = arith.divsi %mul3A_2, %jit3A : i32
    %sign3A = arith.constant 0 : i32
    %sign3A_3 = arith.cmpi sgt, %mul3A_2, %sign3A : i32
    %sign3A_4 = arith.extui %sign3A_3 : i1 to i32
    %sign3A_5 = arith.constant 0 : i32
    %sign3A_6 = arith.cmpi slt, %mul3A_2, %sign3A_5 : i32
    %sign3A_7 = arith.extui %sign3A_6 : i1 to i32
    %sign3A_8 = arith.subi %sign3A_4, %sign3A_7 : i32
    %sign3A_9 = arith.constant 0 : i32
    %sign3A_10 = arith.cmpi sgt, %jit3A, %sign3A_9 : i32
    %sign3A_11 = arith.extui %sign3A_10 : i1 to i32
    %sign3A_12 = arith.constant 0 : i32
    %sign3A_13 = arith.cmpi slt, %jit3A, %sign3A_12 : i32
    %sign3A_14 = arith.extui %sign3A_13 : i1 to i32
    %sign3A_15 = arith.subi %sign3A_11, %sign3A_14 : i32
    %ne3A = arith.cmpi ne, %sign3A_8, %sign3A_15 : i32
    %rem3A = arith.remsi %mul3A_2, %jit3A : i32
    %ne3A_16 = arith.constant 0 : i32
    %ne3A_17 = arith.cmpi ne, %rem3A, %ne3A_16 : i32
    %and3A = arith.andi %ne3A, %ne3A_17 : i1
    %sub3A = arith.constant 1 : i32
    %sub3A_18 = arith.subi %div3A, %sub3A : i32
    %select_n3A = arith.select %and3A, %sub3A_18, %div3A : i32
    %mul3A_19 = arith.constant 136 : i32
    %mul3A_20 = arith.muli %arg1, %mul3A_19 : i32
    %mul3A_21 = arith.constant 136 : i32
    %mul3A_22 = arith.muli %arg1, %mul3A_21 : i32
    "tpu.region"() ({
      %run_scoped3A = tpu.sem_alloc : memref<!tpu.dma_semaphore, #tpu.memory_space<semaphore_mem>>
      %dma_start3A_80 = arith.constant 0 : i32
      %dma_start3A_81 = tpu.memref_slice %arg7[%mul3A_22, %dma_start3A_80] : memref<2176x64xf32, #tpu.memory_space<vmem_shared>> -> memref<136x64xf32, #tpu.memory_space<vmem_shared>>
      %dma_start3A_82 = arith.constant 0 : i32
      %dma_start3A_83 = tpu.memref_slice %arg2[%mul3A_20, %dma_start3A_82] : memref<2176x64xf32, #tpu.memory_space<hbm>> -> memref<136x64xf32, #tpu.memory_space<hbm>>
      tpu.enqueue_dma source(%dma_start3A_83 : memref<136x64xf32, #tpu.memory_space<hbm>>) target(%dma_start3A_81 : memref<136x64xf32, #tpu.memory_space<vmem_shared>>) target_semaphore(%run_scoped3A : memref<!tpu.dma_semaphore, #tpu.memory_space<semaphore_mem>>)
      %dma_wait3A_84 = arith.constant 0 : i32
      %dma_wait3A_85 = tpu.memref_slice %arg7[%mul3A_22, %dma_wait3A_84] : memref<2176x64xf32, #tpu.memory_space<vmem_shared>> -> memref<136x64xf32, #tpu.memory_space<vmem_shared>>
      %dma_wait3A_86 = arith.constant 0 : i32
      %dma_wait3A_87 = tpu.memref_slice %arg2[%mul3A_20, %dma_wait3A_86] : memref<2176x64xf32, #tpu.memory_space<hbm>> -> memref<136x64xf32, #tpu.memory_space<hbm>>
      tpu.wait_dma2 semaphore(%run_scoped3A : memref<!tpu.dma_semaphore, #tpu.memory_space<semaphore_mem>>) src(%dma_wait3A_87 : memref<136x64xf32, #tpu.memory_space<hbm>>) dst(%dma_wait3A_85 : memref<136x64xf32, #tpu.memory_space<vmem_shared>>)
      tpu.yield
    }) : () -> ()
    %barrier3A = arith.constant 0 : index
    tpu.barrier barrier_id(%barrier3A)
    %add3A_23 = arith.constant 0 : i32
    %add3A_24 = arith.addi %select_n3A, %add3A_23 : i32
    %dma_start3A = arith.constant 0 : i32
    %dma_start3A_25 = arith.constant 0 : i32
    %dma_start3A_26 = arith.constant 0 : i32
    %dma_start3A_27 = tpu.memref_slice %arg6[%dma_start3A, %dma_start3A_25, %dma_start3A_26] : memref<2x3x128xi32, #tpu.memory_space<vmem>> -> memref<1x3x128xi32, #tpu.memory_space<vmem>>
    %dma_start3A_28 = tpu.memref_squeeze %dma_start3A_27 : memref<1x3x128xi32, #tpu.memory_space<vmem>> -> memref<3x128xi32, #tpu.memory_space<vmem>>
    %dma_start3A_29 = arith.constant 0 : i32
    %dma_start3A_30 = tpu.memref_slice %arg3[%add3A_24, %dma_start3A_29] : memref<1344x128xi32, #tpu.memory_space<hbm>> -> memref<3x128xi32, #tpu.memory_space<hbm>>
    %dma_start3A_31 = arith.constant 0 : i32
    %dma_start3A_32 = arith.constant 0 : i32
    %dma_start3A_33 = tpu.memref_slice %arg6[%dma_start3A, %dma_start3A_31, %dma_start3A_32] : memref<2x3x128xi32, #tpu.memory_space<vmem>> -> memref<1x3x128xi32, #tpu.memory_space<vmem>>
    %dma_start3A_34 = tpu.memref_squeeze %dma_start3A_33 : memref<1x3x128xi32, #tpu.memory_space<vmem>> -> memref<3x128xi32, #tpu.memory_space<vmem>>
    %dma_start3A_35 = arith.constant 0 : i32
    %dma_start3A_36 = tpu.memref_slice %arg3[%add3A_24, %dma_start3A_35] : memref<1344x128xi32, #tpu.memory_space<hbm>> -> memref<3x128xi32, #tpu.memory_space<hbm>>
    tpu.enqueue_dma source(%dma_start3A_36 : memref<3x128xi32, #tpu.memory_space<hbm>>) target(%dma_start3A_34 : memref<3x128xi32, #tpu.memory_space<vmem>>) target_semaphore(%arg8 : memref<!tpu.dma_semaphore, #tpu.memory_space<semaphore_mem>>)
    %scan3A = arith.constant 0 : i32
    %scan3A_37 = arith.constant 0 : i32
    %scan3A_38 = arith.constant 7 : i32
    %scan3A_39 = arith.addi %scan3A_37, %scan3A_38 : i32
    %scan3A_40 = arith.constant 1 : i32
    %scan3A_41 = scf.for %scan3A_80 = %scan3A_37 to %scan3A_39 step %scan3A_40 iter_args(%scan3A_81 = %scan3A) -> (i32)  : i32 {
      %mul3A_82 = arith.constant 2 : i32
      %mul3A_83 = arith.muli %mul3A_82, %scan3A_80 : i32
      %add3A_84 = arith.constant 1 : i32
      %add3A_85 = arith.addi %mul3A_83, %add3A_84 : i32
      %mul3A_86 = arith.constant 3 : i32
      %mul3A_87 = arith.muli %add3A_85, %mul3A_86 : i32
      %add3A_88 = arith.addi %select_n3A, %mul3A_87 : i32
      %dma_start3A_89 = arith.constant 1 : i32
      %dma_start3A_90 = arith.constant 0 : i32
      %dma_start3A_91 = arith.constant 0 : i32
      %dma_start3A_92 = tpu.memref_slice %arg6[%dma_start3A_89, %dma_start3A_90, %dma_start3A_91] : memref<2x3x128xi32, #tpu.memory_space<vmem>> -> memref<1x3x128xi32, #tpu.memory_space<vmem>>
      %dma_start3A_93 = tpu.memref_squeeze %dma_start3A_92 : memref<1x3x128xi32, #tpu.memory_space<vmem>> -> memref<3x128xi32, #tpu.memory_space<vmem>>
      %dma_start3A_94 = arith.constant 0 : i32
      %dma_start3A_95 = tpu.memref_slice %arg3[%add3A_88, %dma_start3A_94] : memref<1344x128xi32, #tpu.memory_space<hbm>> -> memref<3x128xi32, #tpu.memory_space<hbm>>
      %dma_start3A_96 = arith.constant 0 : i32
      %dma_start3A_97 = arith.constant 0 : i32
      %dma_start3A_98 = tpu.memref_slice %arg6[%dma_start3A_89, %dma_start3A_96, %dma_start3A_97] : memref<2x3x128xi32, #tpu.memory_space<vmem>> -> memref<1x3x128xi32, #tpu.memory_space<vmem>>
      %dma_start3A_99 = tpu.memref_squeeze %dma_start3A_98 : memref<1x3x128xi32, #tpu.memory_space<vmem>> -> memref<3x128xi32, #tpu.memory_space<vmem>>
      %dma_start3A_100 = arith.constant 0 : i32
      %dma_start3A_101 = tpu.memref_slice %arg3[%add3A_88, %dma_start3A_100] : memref<1344x128xi32, #tpu.memory_space<hbm>> -> memref<3x128xi32, #tpu.memory_space<hbm>>
      tpu.enqueue_dma source(%dma_start3A_101 : memref<3x128xi32, #tpu.memory_space<hbm>>) target(%dma_start3A_99 : memref<3x128xi32, #tpu.memory_space<vmem>>) target_semaphore(%arg9 : memref<!tpu.dma_semaphore, #tpu.memory_space<semaphore_mem>>)
      %dma_wait3A_102 = arith.constant 0 : i32
      %dma_wait3A_103 = arith.constant 0 : i32
      %dma_wait3A_104 = arith.constant 0 : i32
      %dma_wait3A_105 = tpu.memref_slice %arg6[%dma_wait3A_102, %dma_wait3A_103, %dma_wait3A_104] : memref<2x3x128xi32, #tpu.memory_space<vmem>> -> memref<1x3x128xi32, #tpu.memory_space<vmem>>
      %dma_wait3A_106 = tpu.memref_squeeze %dma_wait3A_105 : memref<1x3x128xi32, #tpu.memory_space<vmem>> -> memref<3x128xi32, #tpu.memory_space<vmem>>
      %dma_wait3A_107 = arith.constant 0 : i32
      %dma_wait3A_108 = arith.constant 0 : i32
      %dma_wait3A_109 = tpu.memref_slice %arg3[%dma_wait3A_107, %dma_wait3A_108] : memref<1344x128xi32, #tpu.memory_space<hbm>> -> memref<3x128xi32, #tpu.memory_space<hbm>>
      %dma_wait3A_110 = arith.constant 0 : i32
      %dma_wait3A_111 = arith.constant 0 : i32
      %dma_wait3A_112 = tpu.memref_slice %arg6[%dma_wait3A_102, %dma_wait3A_110, %dma_wait3A_111] : memref<2x3x128xi32, #tpu.memory_space<vmem>> -> memref<1x3x128xi32, #tpu.memory_space<vmem>>
      %dma_wait3A_113 = tpu.memref_squeeze %dma_wait3A_112 : memref<1x3x128xi32, #tpu.memory_space<vmem>> -> memref<3x128xi32, #tpu.memory_space<vmem>>
      %dma_wait3A_114 = arith.constant 0 : i32
      %dma_wait3A_115 = arith.constant 0 : i32
      %dma_wait3A_116 = tpu.memref_slice %arg3[%dma_wait3A_114, %dma_wait3A_115] : memref<1344x128xi32, #tpu.memory_space<hbm>> -> memref<3x128xi32, #tpu.memory_space<hbm>>
      tpu.wait_dma2 semaphore(%arg8 : memref<!tpu.dma_semaphore, #tpu.memory_space<semaphore_mem>>) src(%dma_wait3A_116 : memref<3x128xi32, #tpu.memory_space<hbm>>) dst(%dma_wait3A_113 : memref<3x128xi32, #tpu.memory_space<vmem>>)
      %gt3A = arith.constant 0 : i32
      %gt3A_117 = arith.cmpi sgt, %scan3A_80, %gt3A : i32
      %convert_element_type3A = arith.extui %gt3A_117 : i1 to i32
      %cond3A = arith.constant 0 : i32
      %cond3A_118 = arith.cmpi ne, %convert_element_type3A, %cond3A : i32
      scf.if %cond3A_118 {
        %dma_wait3A_362 = arith.constant 0 : i32
        %dma_wait3A_363 = arith.constant 0 : i32
        %dma_wait3A_364 = arith.constant 0 : i32
        %dma_wait3A_365 = arith.constant 0 : i32
        %dma_wait3A_366 = tpu.memref_slice %arg5[%dma_wait3A_362, %dma_wait3A_363, %dma_wait3A_364, %dma_wait3A_365] : memref<2x3x128x64xf32, #tpu.memory_space<vmem>> -> memref<1x3x128x64xf32, #tpu.memory_space<vmem>>
        %dma_wait3A_367 = tpu.memref_squeeze %dma_wait3A_366 : memref<1x3x128x64xf32, #tpu.memory_space<vmem>> -> memref<3x128x64xf32, #tpu.memory_space<vmem>>
        %dma_wait3A_368 = arith.constant 0 : i32
        %dma_wait3A_369 = arith.constant 0 : i32
        %dma_wait3A_370 = arith.constant 0 : i32
        %dma_wait3A_371 = tpu.memref_slice %arg4[%dma_wait3A_368, %dma_wait3A_369, %dma_wait3A_370] : memref<1344x128x64xf32, #tpu.memory_space<hbm>> -> memref<3x128x64xf32, #tpu.memory_space<hbm>>
        %dma_wait3A_372 = arith.constant 0 : i32
        %dma_wait3A_373 = arith.constant 0 : i32
        %dma_wait3A_374 = arith.constant 0 : i32
        %dma_wait3A_375 = tpu.memref_slice %arg4[%dma_wait3A_372, %dma_wait3A_373, %dma_wait3A_374] : memref<1344x128x64xf32, #tpu.memory_space<hbm>> -> memref<3x128x64xf32, #tpu.memory_space<hbm>>
        %dma_wait3A_376 = arith.constant 0 : i32
        %dma_wait3A_377 = arith.constant 0 : i32
        %dma_wait3A_378 = arith.constant 0 : i32
        %dma_wait3A_379 = tpu.memref_slice %arg5[%dma_wait3A_362, %dma_wait3A_376, %dma_wait3A_377, %dma_wait3A_378] : memref<2x3x128x64xf32, #tpu.memory_space<vmem>> -> memref<1x3x128x64xf32, #tpu.memory_space<vmem>>
        %dma_wait3A_380 = tpu.memref_squeeze %dma_wait3A_379 : memref<1x3x128x64xf32, #tpu.memory_space<vmem>> -> memref<3x128x64xf32, #tpu.memory_space<vmem>>
        tpu.wait_dma2 semaphore(%arg12 : memref<!tpu.dma_semaphore, #tpu.memory_space<semaphore_mem>>) src(%dma_wait3A_380 : memref<3x128x64xf32, #tpu.memory_space<vmem>>) dst(%dma_wait3A_375 : memref<3x128x64xf32, #tpu.memory_space<hbm>>)
      } else {
      }
      %dma_start3A_119 = arith.constant 0 : i32
      %dma_start3A_120 = arith.constant 0 : i32
      %dma_start3A_121 = arith.constant 0 : i32
      %dma_start3A_122 = arith.constant 0 : i32
      %dma_start3A_123 = arith.constant 0 : i32
      %dma_start3A_124 = arith.constant 0 : i32
      %dma_start3A_125 = tpu.memref_slice %arg5[%dma_start3A_121, %dma_start3A_122, %dma_start3A_123, %dma_start3A_124] : memref<2x3x128x64xf32, #tpu.memory_space<vmem>> -> memref<1x1x128x64xf32, #tpu.memory_space<vmem>>
      %dma_start3A_126 = tpu.memref_squeeze %dma_start3A_125 : memref<1x1x128x64xf32, #tpu.memory_space<vmem>> -> memref<128x64xf32, #tpu.memory_space<vmem>>
      %dma_start3A_127 = arith.constant 0 : i32
      %dma_start3A_128 = tpu.memref_slice %arg6[%dma_start3A_119, %dma_start3A_120, %dma_start3A_127] : memref<2x3x128xi32, #tpu.memory_space<vmem>> -> memref<1x1x128xi32, #tpu.memory_space<vmem>>
      %dma_start3A_129 = tpu.memref_squeeze %dma_start3A_128 : memref<1x1x128xi32, #tpu.memory_space<vmem>> -> memref<128xi32, #tpu.memory_space<vmem>>
      %dma_start3A_130 = arith.constant 0 : i32
      %dma_start3A_131 = arith.constant 0 : i32
      %dma_start3A_132 = tpu.memref_slice %arg7[%dma_start3A_130, %dma_start3A_131] : memref<2176x64xf32, #tpu.memory_space<vmem_shared>> -> memref<2176x64xf32, #tpu.memory_space<vmem_shared>>
      tpu.enqueue_indirect_dma source(%dma_start3A_132 : memref<2176x64xf32, #tpu.memory_space<vmem_shared>>) target(%dma_start3A_126 : memref<128x64xf32, #tpu.memory_space<vmem>>) offsets(%dma_start3A_129 : memref<128xi32, #tpu.memory_space<vmem>>) semaphore(%arg10 : memref<!tpu.dma_semaphore, #tpu.memory_space<semaphore_mem>>)
      %dma_start3A_133 = arith.constant 0 : i32
      %dma_start3A_134 = arith.constant 1 : i32
      %dma_start3A_135 = arith.constant 0 : i32
      %dma_start3A_136 = arith.constant 1 : i32
      %dma_start3A_137 = arith.constant 0 : i32
      %dma_start3A_138 = arith.constant 0 : i32
      %dma_start3A_139 = tpu.memref_slice %arg5[%dma_start3A_135, %dma_start3A_136, %dma_start3A_137, %dma_start3A_138] : memref<2x3x128x64xf32, #tpu.memory_space<vmem>> -> memref<1x1x128x64xf32, #tpu.memory_space<vmem>>
      %dma_start3A_140 = tpu.memref_squeeze %dma_start3A_139 : memref<1x1x128x64xf32, #tpu.memory_space<vmem>> -> memref<128x64xf32, #tpu.memory_space<vmem>>
      %dma_start3A_141 = arith.constant 0 : i32
      %dma_start3A_142 = tpu.memref_slice %arg6[%dma_start3A_133, %dma_start3A_134, %dma_start3A_141] : memref<2x3x128xi32, #tpu.memory_space<vmem>> -> memref<1x1x128xi32, #tpu.memory_space<vmem>>
      %dma_start3A_143 = tpu.memref_squeeze %dma_start3A_142 : memref<1x1x128xi32, #tpu.memory_space<vmem>> -> memref<128xi32, #tpu.memory_space<vmem>>
      %dma_start3A_144 = arith.constant 0 : i32
      %dma_start3A_145 = arith.constant 0 : i32
      %dma_start3A_146 = tpu.memref_slice %arg7[%dma_start3A_144, %dma_start3A_145] : memref<2176x64xf32, #tpu.memory_space<vmem_shared>> -> memref<2176x64xf32, #tpu.memory_space<vmem_shared>>
      tpu.enqueue_indirect_dma source(%dma_start3A_146 : memref<2176x64xf32, #tpu.memory_space<vmem_shared>>) target(%dma_start3A_140 : memref<128x64xf32, #tpu.memory_space<vmem>>) offsets(%dma_start3A_143 : memref<128xi32, #tpu.memory_space<vmem>>) semaphore(%arg10 : memref<!tpu.dma_semaphore, #tpu.memory_space<semaphore_mem>>)
      %dma_start3A_147 = arith.constant 0 : i32
      %dma_start3A_148 = arith.constant 2 : i32
      %dma_start3A_149 = arith.constant 0 : i32
      %dma_start3A_150 = arith.constant 2 : i32
      %dma_start3A_151 = arith.constant 0 : i32
      %dma_start3A_152 = arith.constant 0 : i32
      %dma_start3A_153 = tpu.memref_slice %arg5[%dma_start3A_149, %dma_start3A_150, %dma_start3A_151, %dma_start3A_152] : memref<2x3x128x64xf32, #tpu.memory_space<vmem>> -> memref<1x1x128x64xf32, #tpu.memory_space<vmem>>
      %dma_start3A_154 = tpu.memref_squeeze %dma_start3A_153 : memref<1x1x128x64xf32, #tpu.memory_space<vmem>> -> memref<128x64xf32, #tpu.memory_space<vmem>>
      %dma_start3A_155 = arith.constant 0 : i32
      %dma_start3A_156 = tpu.memref_slice %arg6[%dma_start3A_147, %dma_start3A_148, %dma_start3A_155] : memref<2x3x128xi32, #tpu.memory_space<vmem>> -> memref<1x1x128xi32, #tpu.memory_space<vmem>>
      %dma_start3A_157 = tpu.memref_squeeze %dma_start3A_156 : memref<1x1x128xi32, #tpu.memory_space<vmem>> -> memref<128xi32, #tpu.memory_space<vmem>>
      %dma_start3A_158 = arith.constant 0 : i32
      %dma_start3A_159 = arith.constant 0 : i32
      %dma_start3A_160 = tpu.memref_slice %arg7[%dma_start3A_158, %dma_start3A_159] : memref<2176x64xf32, #tpu.memory_space<vmem_shared>> -> memref<2176x64xf32, #tpu.memory_space<vmem_shared>>
      tpu.enqueue_indirect_dma source(%dma_start3A_160 : memref<2176x64xf32, #tpu.memory_space<vmem_shared>>) target(%dma_start3A_154 : memref<128x64xf32, #tpu.memory_space<vmem>>) offsets(%dma_start3A_157 : memref<128xi32, #tpu.memory_space<vmem>>) semaphore(%arg10 : memref<!tpu.dma_semaphore, #tpu.memory_space<semaphore_mem>>)
      %dma_wait3A_161 = arith.constant 0 : i32
      %dma_wait3A_162 = arith.constant 0 : i32
      %dma_wait3A_163 = arith.constant 0 : i32
      %dma_wait3A_164 = arith.constant 0 : i32
      %dma_wait3A_165 = arith.constant 0 : i32
      %dma_wait3A_166 = arith.constant 0 : i32
      %dma_wait3A_167 = tpu.memref_slice %arg5[%dma_wait3A_163, %dma_wait3A_164, %dma_wait3A_165, %dma_wait3A_166] : memref<2x3x128x64xf32, #tpu.memory_space<vmem>> -> memref<1x1x128x64xf32, #tpu.memory_space<vmem>>
      %dma_wait3A_168 = tpu.memref_squeeze %dma_wait3A_167 : memref<1x1x128x64xf32, #tpu.memory_space<vmem>> -> memref<128x64xf32, #tpu.memory_space<vmem>>
      %dma_wait3A_169 = arith.constant 0 : i32
      %dma_wait3A_170 = tpu.memref_slice %arg6[%dma_wait3A_161, %dma_wait3A_162, %dma_wait3A_169] : memref<2x3x128xi32, #tpu.memory_space<vmem>> -> memref<1x1x128xi32, #tpu.memory_space<vmem>>
      %dma_wait3A_171 = tpu.memref_squeeze %dma_wait3A_170 : memref<1x1x128xi32, #tpu.memory_space<vmem>> -> memref<128xi32, #tpu.memory_space<vmem>>
      %dma_wait3A_172 = arith.constant 0 : i32
      %dma_wait3A_173 = arith.constant 0 : i32
      %dma_wait3A_174 = tpu.memref_slice %arg7[%dma_wait3A_172, %dma_wait3A_173] : memref<2176x64xf32, #tpu.memory_space<vmem_shared>> -> memref<2176x64xf32, #tpu.memory_space<vmem_shared>>
      tpu.wait_indirect_dma semaphore(%arg10 : memref<!tpu.dma_semaphore, #tpu.memory_space<semaphore_mem>>) src(%dma_wait3A_174 : memref<2176x64xf32, #tpu.memory_space<vmem_shared>>) dst(%dma_wait3A_168 : memref<128x64xf32, #tpu.memory_space<vmem>>)
      %dma_wait3A_175 = arith.constant 0 : i32
      %dma_wait3A_176 = arith.constant 1 : i32
      %dma_wait3A_177 = arith.constant 0 : i32
      %dma_wait3A_178 = arith.constant 1 : i32
      %dma_wait3A_179 = arith.constant 0 : i32
      %dma_wait3A_180 = arith.constant 0 : i32
      %dma_wait3A_181 = tpu.memref_slice %arg5[%dma_wait3A_177, %dma_wait3A_178, %dma_wait3A_179, %dma_wait3A_180] : memref<2x3x128x64xf32, #tpu.memory_space<vmem>> -> memref<1x1x128x64xf32, #tpu.memory_space<vmem>>
      %dma_wait3A_182 = tpu.memref_squeeze %dma_wait3A_181 : memref<1x1x128x64xf32, #tpu.memory_space<vmem>> -> memref<128x64xf32, #tpu.memory_space<vmem>>
      %dma_wait3A_183 = arith.constant 0 : i32
      %dma_wait3A_184 = tpu.memref_slice %arg6[%dma_wait3A_175, %dma_wait3A_176, %dma_wait3A_183] : memref<2x3x128xi32, #tpu.memory_space<vmem>> -> memref<1x1x128xi32, #tpu.memory_space<vmem>>
      %dma_wait3A_185 = tpu.memref_squeeze %dma_wait3A_184 : memref<1x1x128xi32, #tpu.memory_space<vmem>> -> memref<128xi32, #tpu.memory_space<vmem>>
      %dma_wait3A_186 = arith.constant 0 : i32
      %dma_wait3A_187 = arith.constant 0 : i32
      %dma_wait3A_188 = tpu.memref_slice %arg7[%dma_wait3A_186, %dma_wait3A_187] : memref<2176x64xf32, #tpu.memory_space<vmem_shared>> -> memref<2176x64xf32, #tpu.memory_space<vmem_shared>>
      tpu.wait_indirect_dma semaphore(%arg10 : memref<!tpu.dma_semaphore, #tpu.memory_space<semaphore_mem>>) src(%dma_wait3A_188 : memref<2176x64xf32, #tpu.memory_space<vmem_shared>>) dst(%dma_wait3A_182 : memref<128x64xf32, #tpu.memory_space<vmem>>)
      %dma_wait3A_189 = arith.constant 0 : i32
      %dma_wait3A_190 = arith.constant 2 : i32
      %dma_wait3A_191 = arith.constant 0 : i32
      %dma_wait3A_192 = arith.constant 2 : i32
      %dma_wait3A_193 = arith.constant 0 : i32
      %dma_wait3A_194 = arith.constant 0 : i32
      %dma_wait3A_195 = tpu.memref_slice %arg5[%dma_wait3A_191, %dma_wait3A_192, %dma_wait3A_193, %dma_wait3A_194] : memref<2x3x128x64xf32, #tpu.memory_space<vmem>> -> memref<1x1x128x64xf32, #tpu.memory_space<vmem>>
      %dma_wait3A_196 = tpu.memref_squeeze %dma_wait3A_195 : memref<1x1x128x64xf32, #tpu.memory_space<vmem>> -> memref<128x64xf32, #tpu.memory_space<vmem>>
      %dma_wait3A_197 = arith.constant 0 : i32
      %dma_wait3A_198 = tpu.memref_slice %arg6[%dma_wait3A_189, %dma_wait3A_190, %dma_wait3A_197] : memref<2x3x128xi32, #tpu.memory_space<vmem>> -> memref<1x1x128xi32, #tpu.memory_space<vmem>>
      %dma_wait3A_199 = tpu.memref_squeeze %dma_wait3A_198 : memref<1x1x128xi32, #tpu.memory_space<vmem>> -> memref<128xi32, #tpu.memory_space<vmem>>
      %dma_wait3A_200 = arith.constant 0 : i32
      %dma_wait3A_201 = arith.constant 0 : i32
      %dma_wait3A_202 = tpu.memref_slice %arg7[%dma_wait3A_200, %dma_wait3A_201] : memref<2176x64xf32, #tpu.memory_space<vmem_shared>> -> memref<2176x64xf32, #tpu.memory_space<vmem_shared>>
      tpu.wait_indirect_dma semaphore(%arg10 : memref<!tpu.dma_semaphore, #tpu.memory_space<semaphore_mem>>) src(%dma_wait3A_202 : memref<2176x64xf32, #tpu.memory_space<vmem_shared>>) dst(%dma_wait3A_196 : memref<128x64xf32, #tpu.memory_space<vmem>>)
      %mul3A_203 = arith.constant 2 : i32
      %mul3A_204 = arith.muli %mul3A_203, %scan3A_80 : i32
      %mul3A_205 = arith.constant 3 : i32
      %mul3A_206 = arith.muli %mul3A_204, %mul3A_205 : i32
      %add3A_207 = arith.addi %select_n3A, %mul3A_206 : i32
      %dma_start3A_208 = arith.constant 0 : i32
      %dma_start3A_209 = arith.constant 0 : i32
      %dma_start3A_210 = arith.constant 0 : i32
      %dma_start3A_211 = arith.constant 0 : i32
      %dma_start3A_212 = tpu.memref_slice %arg5[%dma_start3A_208, %dma_start3A_209, %dma_start3A_210, %dma_start3A_211] : memref<2x3x128x64xf32, #tpu.memory_space<vmem>> -> memref<1x3x128x64xf32, #tpu.memory_space<vmem>>
      %dma_start3A_213 = tpu.memref_squeeze %dma_start3A_212 : memref<1x3x128x64xf32, #tpu.memory_space<vmem>> -> memref<3x128x64xf32, #tpu.memory_space<vmem>>
      %dma_start3A_214 = arith.constant 0 : i32
      %dma_start3A_215 = arith.constant 0 : i32
      %dma_start3A_216 = tpu.memref_slice %arg4[%add3A_207, %dma_start3A_214, %dma_start3A_215] : memref<1344x128x64xf32, #tpu.memory_space<hbm>> -> memref<3x128x64xf32, #tpu.memory_space<hbm>>
      %dma_start3A_217 = arith.constant 0 : i32
      %dma_start3A_218 = arith.constant 0 : i32
      %dma_start3A_219 = tpu.memref_slice %arg4[%add3A_207, %dma_start3A_217, %dma_start3A_218] : memref<1344x128x64xf32, #tpu.memory_space<hbm>> -> memref<3x128x64xf32, #tpu.memory_space<hbm>>
      %dma_start3A_220 = arith.constant 0 : i32
      %dma_start3A_221 = arith.constant 0 : i32
      %dma_start3A_222 = arith.constant 0 : i32
      %dma_start3A_223 = tpu.memref_slice %arg5[%dma_start3A_208, %dma_start3A_220, %dma_start3A_221, %dma_start3A_222] : memref<2x3x128x64xf32, #tpu.memory_space<vmem>> -> memref<1x3x128x64xf32, #tpu.memory_space<vmem>>
      %dma_start3A_224 = tpu.memref_squeeze %dma_start3A_223 : memref<1x3x128x64xf32, #tpu.memory_space<vmem>> -> memref<3x128x64xf32, #tpu.memory_space<vmem>>
      tpu.enqueue_dma source(%dma_start3A_224 : memref<3x128x64xf32, #tpu.memory_space<vmem>>) target(%dma_start3A_219 : memref<3x128x64xf32, #tpu.memory_space<hbm>>) target_semaphore(%arg12 : memref<!tpu.dma_semaphore, #tpu.memory_space<semaphore_mem>>)
      %mul3A_225 = arith.constant 2 : i32
      %mul3A_226 = arith.muli %mul3A_225, %scan3A_80 : i32
      %add3A_227 = arith.constant 2 : i32
      %add3A_228 = arith.addi %mul3A_226, %add3A_227 : i32
      %lt3A = arith.constant 14 : i32
      %lt3A_229 = arith.cmpi slt, %add3A_228, %lt3A : i32
      %convert_element_type3A_230 = arith.extui %lt3A_229 : i1 to i32
      %cond3A_231 = arith.constant 0 : i32
      %cond3A_232 = arith.cmpi ne, %convert_element_type3A_230, %cond3A_231 : i32
      scf.if %cond3A_232 {
        %mul3A_362 = arith.constant 2 : i32
        %mul3A_363 = arith.muli %mul3A_362, %scan3A_80 : i32
        %add3A_364 = arith.constant 2 : i32
        %add3A_365 = arith.addi %mul3A_363, %add3A_364 : i32
        %mul3A_366 = arith.constant 3 : i32
        %mul3A_367 = arith.muli %add3A_365, %mul3A_366 : i32
        %add3A_368 = arith.addi %select_n3A, %mul3A_367 : i32
        %dma_start3A_369 = arith.constant 0 : i32
        %dma_start3A_370 = arith.constant 0 : i32
        %dma_start3A_371 = arith.constant 0 : i32
        %dma_start3A_372 = tpu.memref_slice %arg6[%dma_start3A_369, %dma_start3A_370, %dma_start3A_371] : memref<2x3x128xi32, #tpu.memory_space<vmem>> -> memref<1x3x128xi32, #tpu.memory_space<vmem>>
        %dma_start3A_373 = tpu.memref_squeeze %dma_start3A_372 : memref<1x3x128xi32, #tpu.memory_space<vmem>> -> memref<3x128xi32, #tpu.memory_space<vmem>>
        %dma_start3A_374 = arith.constant 0 : i32
        %dma_start3A_375 = tpu.memref_slice %arg3[%add3A_368, %dma_start3A_374] : memref<1344x128xi32, #tpu.memory_space<hbm>> -> memref<3x128xi32, #tpu.memory_space<hbm>>
        %dma_start3A_376 = arith.constant 0 : i32
        %dma_start3A_377 = arith.constant 0 : i32
        %dma_start3A_378 = tpu.memref_slice %arg6[%dma_start3A_369, %dma_start3A_376, %dma_start3A_377] : memref<2x3x128xi32, #tpu.memory_space<vmem>> -> memref<1x3x128xi32, #tpu.memory_space<vmem>>
        %dma_start3A_379 = tpu.memref_squeeze %dma_start3A_378 : memref<1x3x128xi32, #tpu.memory_space<vmem>> -> memref<3x128xi32, #tpu.memory_space<vmem>>
        %dma_start3A_380 = arith.constant 0 : i32
        %dma_start3A_381 = tpu.memref_slice %arg3[%add3A_368, %dma_start3A_380] : memref<1344x128xi32, #tpu.memory_space<hbm>> -> memref<3x128xi32, #tpu.memory_space<hbm>>
        tpu.enqueue_dma source(%dma_start3A_381 : memref<3x128xi32, #tpu.memory_space<hbm>>) target(%dma_start3A_379 : memref<3x128xi32, #tpu.memory_space<vmem>>) target_semaphore(%arg8 : memref<!tpu.dma_semaphore, #tpu.memory_space<semaphore_mem>>)
      } else {
      }
      %dma_wait3A_233 = arith.constant 1 : i32
      %dma_wait3A_234 = arith.constant 0 : i32
      %dma_wait3A_235 = arith.constant 0 : i32
      %dma_wait3A_236 = tpu.memref_slice %arg6[%dma_wait3A_233, %dma_wait3A_234, %dma_wait3A_235] : memref<2x3x128xi32, #tpu.memory_space<vmem>> -> memref<1x3x128xi32, #tpu.memory_space<vmem>>
      %dma_wait3A_237 = tpu.memref_squeeze %dma_wait3A_236 : memref<1x3x128xi32, #tpu.memory_space<vmem>> -> memref<3x128xi32, #tpu.memory_space<vmem>>
      %dma_wait3A_238 = arith.constant 0 : i32
      %dma_wait3A_239 = arith.constant 0 : i32
      %dma_wait3A_240 = tpu.memref_slice %arg3[%dma_wait3A_238, %dma_wait3A_239] : memref<1344x128xi32, #tpu.memory_space<hbm>> -> memref<3x128xi32, #tpu.memory_space<hbm>>
      %dma_wait3A_241 = arith.constant 0 : i32
      %dma_wait3A_242 = arith.constant 0 : i32
      %dma_wait3A_243 = tpu.memref_slice %arg6[%dma_wait3A_233, %dma_wait3A_241, %dma_wait3A_242] : memref<2x3x128xi32, #tpu.memory_space<vmem>> -> memref<1x3x128xi32, #tpu.memory_space<vmem>>
      %dma_wait3A_244 = tpu.memref_squeeze %dma_wait3A_243 : memref<1x3x128xi32, #tpu.memory_space<vmem>> -> memref<3x128xi32, #tpu.memory_space<vmem>>
      %dma_wait3A_245 = arith.constant 0 : i32
      %dma_wait3A_246 = arith.constant 0 : i32
      %dma_wait3A_247 = tpu.memref_slice %arg3[%dma_wait3A_245, %dma_wait3A_246] : memref<1344x128xi32, #tpu.memory_space<hbm>> -> memref<3x128xi32, #tpu.memory_space<hbm>>
      tpu.wait_dma2 semaphore(%arg9 : memref<!tpu.dma_semaphore, #tpu.memory_space<semaphore_mem>>) src(%dma_wait3A_247 : memref<3x128xi32, #tpu.memory_space<hbm>>) dst(%dma_wait3A_244 : memref<3x128xi32, #tpu.memory_space<vmem>>)
      %gt3A_248 = arith.constant 0 : i32
      %gt3A_249 = arith.cmpi sgt, %scan3A_80, %gt3A_248 : i32
      %convert_element_type3A_250 = arith.extui %gt3A_249 : i1 to i32
      %cond3A_251 = arith.constant 0 : i32
      %cond3A_252 = arith.cmpi ne, %convert_element_type3A_250, %cond3A_251 : i32
      scf.if %cond3A_252 {
        %dma_wait3A_362 = arith.constant 1 : i32
        %dma_wait3A_363 = arith.constant 0 : i32
        %dma_wait3A_364 = arith.constant 0 : i32
        %dma_wait3A_365 = arith.constant 0 : i32
        %dma_wait3A_366 = tpu.memref_slice %arg5[%dma_wait3A_362, %dma_wait3A_363, %dma_wait3A_364, %dma_wait3A_365] : memref<2x3x128x64xf32, #tpu.memory_space<vmem>> -> memref<1x3x128x64xf32, #tpu.memory_space<vmem>>
        %dma_wait3A_367 = tpu.memref_squeeze %dma_wait3A_366 : memref<1x3x128x64xf32, #tpu.memory_space<vmem>> -> memref<3x128x64xf32, #tpu.memory_space<vmem>>
        %dma_wait3A_368 = arith.constant 0 : i32
        %dma_wait3A_369 = arith.constant 0 : i32
        %dma_wait3A_370 = arith.constant 0 : i32
        %dma_wait3A_371 = tpu.memref_slice %arg4[%dma_wait3A_368, %dma_wait3A_369, %dma_wait3A_370] : memref<1344x128x64xf32, #tpu.memory_space<hbm>> -> memref<3x128x64xf32, #tpu.memory_space<hbm>>
        %dma_wait3A_372 = arith.constant 0 : i32
        %dma_wait3A_373 = arith.constant 0 : i32
        %dma_wait3A_374 = arith.constant 0 : i32
        %dma_wait3A_375 = tpu.memref_slice %arg4[%dma_wait3A_372, %dma_wait3A_373, %dma_wait3A_374] : memref<1344x128x64xf32, #tpu.memory_space<hbm>> -> memref<3x128x64xf32, #tpu.memory_space<hbm>>
        %dma_wait3A_376 = arith.constant 0 : i32
        %dma_wait3A_377 = arith.constant 0 : i32
        %dma_wait3A_378 = arith.constant 0 : i32
        %dma_wait3A_379 = tpu.memref_slice %arg5[%dma_wait3A_362, %dma_wait3A_376, %dma_wait3A_377, %dma_wait3A_378] : memref<2x3x128x64xf32, #tpu.memory_space<vmem>> -> memref<1x3x128x64xf32, #tpu.memory_space<vmem>>
        %dma_wait3A_380 = tpu.memref_squeeze %dma_wait3A_379 : memref<1x3x128x64xf32, #tpu.memory_space<vmem>> -> memref<3x128x64xf32, #tpu.memory_space<vmem>>
        tpu.wait_dma2 semaphore(%arg13 : memref<!tpu.dma_semaphore, #tpu.memory_space<semaphore_mem>>) src(%dma_wait3A_380 : memref<3x128x64xf32, #tpu.memory_space<vmem>>) dst(%dma_wait3A_375 : memref<3x128x64xf32, #tpu.memory_space<hbm>>)
      } else {
      }
      %dma_start3A_253 = arith.constant 1 : i32
      %dma_start3A_254 = arith.constant 0 : i32
      %dma_start3A_255 = arith.constant 1 : i32
      %dma_start3A_256 = arith.constant 0 : i32
      %dma_start3A_257 = arith.constant 0 : i32
      %dma_start3A_258 = arith.constant 0 : i32
      %dma_start3A_259 = tpu.memref_slice %arg5[%dma_start3A_255, %dma_start3A_256, %dma_start3A_257, %dma_start3A_258] : memref<2x3x128x64xf32, #tpu.memory_space<vmem>> -> memref<1x1x128x64xf32, #tpu.memory_space<vmem>>
      %dma_start3A_260 = tpu.memref_squeeze %dma_start3A_259 : memref<1x1x128x64xf32, #tpu.memory_space<vmem>> -> memref<128x64xf32, #tpu.memory_space<vmem>>
      %dma_start3A_261 = arith.constant 0 : i32
      %dma_start3A_262 = tpu.memref_slice %arg6[%dma_start3A_253, %dma_start3A_254, %dma_start3A_261] : memref<2x3x128xi32, #tpu.memory_space<vmem>> -> memref<1x1x128xi32, #tpu.memory_space<vmem>>
      %dma_start3A_263 = tpu.memref_squeeze %dma_start3A_262 : memref<1x1x128xi32, #tpu.memory_space<vmem>> -> memref<128xi32, #tpu.memory_space<vmem>>
      %dma_start3A_264 = arith.constant 0 : i32
      %dma_start3A_265 = arith.constant 0 : i32
      %dma_start3A_266 = tpu.memref_slice %arg7[%dma_start3A_264, %dma_start3A_265] : memref<2176x64xf32, #tpu.memory_space<vmem_shared>> -> memref<2176x64xf32, #tpu.memory_space<vmem_shared>>
      tpu.enqueue_indirect_dma source(%dma_start3A_266 : memref<2176x64xf32, #tpu.memory_space<vmem_shared>>) target(%dma_start3A_260 : memref<128x64xf32, #tpu.memory_space<vmem>>) offsets(%dma_start3A_263 : memref<128xi32, #tpu.memory_space<vmem>>) semaphore(%arg11 : memref<!tpu.dma_semaphore, #tpu.memory_space<semaphore_mem>>)
      %dma_start3A_267 = arith.constant 1 : i32
      %dma_start3A_268 = arith.constant 1 : i32
      %dma_start3A_269 = arith.constant 1 : i32
      %dma_start3A_270 = arith.constant 1 : i32
      %dma_start3A_271 = arith.constant 0 : i32
      %dma_start3A_272 = arith.constant 0 : i32
      %dma_start3A_273 = tpu.memref_slice %arg5[%dma_start3A_269, %dma_start3A_270, %dma_start3A_271, %dma_start3A_272] : memref<2x3x128x64xf32, #tpu.memory_space<vmem>> -> memref<1x1x128x64xf32, #tpu.memory_space<vmem>>
      %dma_start3A_274 = tpu.memref_squeeze %dma_start3A_273 : memref<1x1x128x64xf32, #tpu.memory_space<vmem>> -> memref<128x64xf32, #tpu.memory_space<vmem>>
      %dma_start3A_275 = arith.constant 0 : i32
      %dma_start3A_276 = tpu.memref_slice %arg6[%dma_start3A_267, %dma_start3A_268, %dma_start3A_275] : memref<2x3x128xi32, #tpu.memory_space<vmem>> -> memref<1x1x128xi32, #tpu.memory_space<vmem>>
      %dma_start3A_277 = tpu.memref_squeeze %dma_start3A_276 : memref<1x1x128xi32, #tpu.memory_space<vmem>> -> memref<128xi32, #tpu.memory_space<vmem>>
      %dma_start3A_278 = arith.constant 0 : i32
      %dma_start3A_279 = arith.constant 0 : i32
      %dma_start3A_280 = tpu.memref_slice %arg7[%dma_start3A_278, %dma_start3A_279] : memref<2176x64xf32, #tpu.memory_space<vmem_shared>> -> memref<2176x64xf32, #tpu.memory_space<vmem_shared>>
      tpu.enqueue_indirect_dma source(%dma_start3A_280 : memref<2176x64xf32, #tpu.memory_space<vmem_shared>>) target(%dma_start3A_274 : memref<128x64xf32, #tpu.memory_space<vmem>>) offsets(%dma_start3A_277 : memref<128xi32, #tpu.memory_space<vmem>>) semaphore(%arg11 : memref<!tpu.dma_semaphore, #tpu.memory_space<semaphore_mem>>)
      %dma_start3A_281 = arith.constant 1 : i32
      %dma_start3A_282 = arith.constant 2 : i32
      %dma_start3A_283 = arith.constant 1 : i32
      %dma_start3A_284 = arith.constant 2 : i32
      %dma_start3A_285 = arith.constant 0 : i32
      %dma_start3A_286 = arith.constant 0 : i32
      %dma_start3A_287 = tpu.memref_slice %arg5[%dma_start3A_283, %dma_start3A_284, %dma_start3A_285, %dma_start3A_286] : memref<2x3x128x64xf32, #tpu.memory_space<vmem>> -> memref<1x1x128x64xf32, #tpu.memory_space<vmem>>
      %dma_start3A_288 = tpu.memref_squeeze %dma_start3A_287 : memref<1x1x128x64xf32, #tpu.memory_space<vmem>> -> memref<128x64xf32, #tpu.memory_space<vmem>>
      %dma_start3A_289 = arith.constant 0 : i32
      %dma_start3A_290 = tpu.memref_slice %arg6[%dma_start3A_281, %dma_start3A_282, %dma_start3A_289] : memref<2x3x128xi32, #tpu.memory_space<vmem>> -> memref<1x1x128xi32, #tpu.memory_space<vmem>>
      %dma_start3A_291 = tpu.memref_squeeze %dma_start3A_290 : memref<1x1x128xi32, #tpu.memory_space<vmem>> -> memref<128xi32, #tpu.memory_space<vmem>>
      %dma_start3A_292 = arith.constant 0 : i32
      %dma_start3A_293 = arith.constant 0 : i32
      %dma_start3A_294 = tpu.memref_slice %arg7[%dma_start3A_292, %dma_start3A_293] : memref<2176x64xf32, #tpu.memory_space<vmem_shared>> -> memref<2176x64xf32, #tpu.memory_space<vmem_shared>>
      tpu.enqueue_indirect_dma source(%dma_start3A_294 : memref<2176x64xf32, #tpu.memory_space<vmem_shared>>) target(%dma_start3A_288 : memref<128x64xf32, #tpu.memory_space<vmem>>) offsets(%dma_start3A_291 : memref<128xi32, #tpu.memory_space<vmem>>) semaphore(%arg11 : memref<!tpu.dma_semaphore, #tpu.memory_space<semaphore_mem>>)
      %dma_wait3A_295 = arith.constant 1 : i32
      %dma_wait3A_296 = arith.constant 0 : i32
      %dma_wait3A_297 = arith.constant 1 : i32
      %dma_wait3A_298 = arith.constant 0 : i32
      %dma_wait3A_299 = arith.constant 0 : i32
      %dma_wait3A_300 = arith.constant 0 : i32
      %dma_wait3A_301 = tpu.memref_slice %arg5[%dma_wait3A_297, %dma_wait3A_298, %dma_wait3A_299, %dma_wait3A_300] : memref<2x3x128x64xf32, #tpu.memory_space<vmem>> -> memref<1x1x128x64xf32, #tpu.memory_space<vmem>>
      %dma_wait3A_302 = tpu.memref_squeeze %dma_wait3A_301 : memref<1x1x128x64xf32, #tpu.memory_space<vmem>> -> memref<128x64xf32, #tpu.memory_space<vmem>>
      %dma_wait3A_303 = arith.constant 0 : i32
      %dma_wait3A_304 = tpu.memref_slice %arg6[%dma_wait3A_295, %dma_wait3A_296, %dma_wait3A_303] : memref<2x3x128xi32, #tpu.memory_space<vmem>> -> memref<1x1x128xi32, #tpu.memory_space<vmem>>
      %dma_wait3A_305 = tpu.memref_squeeze %dma_wait3A_304 : memref<1x1x128xi32, #tpu.memory_space<vmem>> -> memref<128xi32, #tpu.memory_space<vmem>>
      %dma_wait3A_306 = arith.constant 0 : i32
      %dma_wait3A_307 = arith.constant 0 : i32
      %dma_wait3A_308 = tpu.memref_slice %arg7[%dma_wait3A_306, %dma_wait3A_307] : memref<2176x64xf32, #tpu.memory_space<vmem_shared>> -> memref<2176x64xf32, #tpu.memory_space<vmem_shared>>
      tpu.wait_indirect_dma semaphore(%arg11 : memref<!tpu.dma_semaphore, #tpu.memory_space<semaphore_mem>>) src(%dma_wait3A_308 : memref<2176x64xf32, #tpu.memory_space<vmem_shared>>) dst(%dma_wait3A_302 : memref<128x64xf32, #tpu.memory_space<vmem>>)
      %dma_wait3A_309 = arith.constant 1 : i32
      %dma_wait3A_310 = arith.constant 1 : i32
      %dma_wait3A_311 = arith.constant 1 : i32
      %dma_wait3A_312 = arith.constant 1 : i32
      %dma_wait3A_313 = arith.constant 0 : i32
      %dma_wait3A_314 = arith.constant 0 : i32
      %dma_wait3A_315 = tpu.memref_slice %arg5[%dma_wait3A_311, %dma_wait3A_312, %dma_wait3A_313, %dma_wait3A_314] : memref<2x3x128x64xf32, #tpu.memory_space<vmem>> -> memref<1x1x128x64xf32, #tpu.memory_space<vmem>>
      %dma_wait3A_316 = tpu.memref_squeeze %dma_wait3A_315 : memref<1x1x128x64xf32, #tpu.memory_space<vmem>> -> memref<128x64xf32, #tpu.memory_space<vmem>>
      %dma_wait3A_317 = arith.constant 0 : i32
      %dma_wait3A_318 = tpu.memref_slice %arg6[%dma_wait3A_309, %dma_wait3A_310, %dma_wait3A_317] : memref<2x3x128xi32, #tpu.memory_space<vmem>> -> memref<1x1x128xi32, #tpu.memory_space<vmem>>
      %dma_wait3A_319 = tpu.memref_squeeze %dma_wait3A_318 : memref<1x1x128xi32, #tpu.memory_space<vmem>> -> memref<128xi32, #tpu.memory_space<vmem>>
      %dma_wait3A_320 = arith.constant 0 : i32
      %dma_wait3A_321 = arith.constant 0 : i32
      %dma_wait3A_322 = tpu.memref_slice %arg7[%dma_wait3A_320, %dma_wait3A_321] : memref<2176x64xf32, #tpu.memory_space<vmem_shared>> -> memref<2176x64xf32, #tpu.memory_space<vmem_shared>>
      tpu.wait_indirect_dma semaphore(%arg11 : memref<!tpu.dma_semaphore, #tpu.memory_space<semaphore_mem>>) src(%dma_wait3A_322 : memref<2176x64xf32, #tpu.memory_space<vmem_shared>>) dst(%dma_wait3A_316 : memref<128x64xf32, #tpu.memory_space<vmem>>)
      %dma_wait3A_323 = arith.constant 1 : i32
      %dma_wait3A_324 = arith.constant 2 : i32
      %dma_wait3A_325 = arith.constant 1 : i32
      %dma_wait3A_326 = arith.constant 2 : i32
      %dma_wait3A_327 = arith.constant 0 : i32
      %dma_wait3A_328 = arith.constant 0 : i32
      %dma_wait3A_329 = tpu.memref_slice %arg5[%dma_wait3A_325, %dma_wait3A_326, %dma_wait3A_327, %dma_wait3A_328] : memref<2x3x128x64xf32, #tpu.memory_space<vmem>> -> memref<1x1x128x64xf32, #tpu.memory_space<vmem>>
      %dma_wait3A_330 = tpu.memref_squeeze %dma_wait3A_329 : memref<1x1x128x64xf32, #tpu.memory_space<vmem>> -> memref<128x64xf32, #tpu.memory_space<vmem>>
      %dma_wait3A_331 = arith.constant 0 : i32
      %dma_wait3A_332 = tpu.memref_slice %arg6[%dma_wait3A_323, %dma_wait3A_324, %dma_wait3A_331] : memref<2x3x128xi32, #tpu.memory_space<vmem>> -> memref<1x1x128xi32, #tpu.memory_space<vmem>>
      %dma_wait3A_333 = tpu.memref_squeeze %dma_wait3A_332 : memref<1x1x128xi32, #tpu.memory_space<vmem>> -> memref<128xi32, #tpu.memory_space<vmem>>
      %dma_wait3A_334 = arith.constant 0 : i32
      %dma_wait3A_335 = arith.constant 0 : i32
      %dma_wait3A_336 = tpu.memref_slice %arg7[%dma_wait3A_334, %dma_wait3A_335] : memref<2176x64xf32, #tpu.memory_space<vmem_shared>> -> memref<2176x64xf32, #tpu.memory_space<vmem_shared>>
      tpu.wait_indirect_dma semaphore(%arg11 : memref<!tpu.dma_semaphore, #tpu.memory_space<semaphore_mem>>) src(%dma_wait3A_336 : memref<2176x64xf32, #tpu.memory_space<vmem_shared>>) dst(%dma_wait3A_330 : memref<128x64xf32, #tpu.memory_space<vmem>>)
      %mul3A_337 = arith.constant 2 : i32
      %mul3A_338 = arith.muli %mul3A_337, %scan3A_80 : i32
      %add3A_339 = arith.constant 1 : i32
      %add3A_340 = arith.addi %mul3A_338, %add3A_339 : i32
      %mul3A_341 = arith.constant 3 : i32
      %mul3A_342 = arith.muli %add3A_340, %mul3A_341 : i32
      %add3A_343 = arith.addi %select_n3A, %mul3A_342 : i32
      %dma_start3A_344 = arith.constant 1 : i32
      %dma_start3A_345 = arith.constant 0 : i32
      %dma_start3A_346 = arith.constant 0 : i32
      %dma_start3A_347 = arith.constant 0 : i32
      %dma_start3A_348 = tpu.memref_slice %arg5[%dma_start3A_344, %dma_start3A_345, %dma_start3A_346, %dma_start3A_347] : memref<2x3x128x64xf32, #tpu.memory_space<vmem>> -> memref<1x3x128x64xf32, #tpu.memory_space<vmem>>
      %dma_start3A_349 = tpu.memref_squeeze %dma_start3A_348 : memref<1x3x128x64xf32, #tpu.memory_space<vmem>> -> memref<3x128x64xf32, #tpu.memory_space<vmem>>
      %dma_start3A_350 = arith.constant 0 : i32
      %dma_start3A_351 = arith.constant 0 : i32
      %dma_start3A_352 = tpu.memref_slice %arg4[%add3A_343, %dma_start3A_350, %dma_start3A_351] : memref<1344x128x64xf32, #tpu.memory_space<hbm>> -> memref<3x128x64xf32, #tpu.memory_space<hbm>>
      %dma_start3A_353 = arith.constant 0 : i32
      %dma_start3A_354 = arith.constant 0 : i32
      %dma_start3A_355 = tpu.memref_slice %arg4[%add3A_343, %dma_start3A_353, %dma_start3A_354] : memref<1344x128x64xf32, #tpu.memory_space<hbm>> -> memref<3x128x64xf32, #tpu.memory_space<hbm>>
      %dma_start3A_356 = arith.constant 0 : i32
      %dma_start3A_357 = arith.constant 0 : i32
      %dma_start3A_358 = arith.constant 0 : i32
      %dma_start3A_359 = tpu.memref_slice %arg5[%dma_start3A_344, %dma_start3A_356, %dma_start3A_357, %dma_start3A_358] : memref<2x3x128x64xf32, #tpu.memory_space<vmem>> -> memref<1x3x128x64xf32, #tpu.memory_space<vmem>>
      %dma_start3A_360 = tpu.memref_squeeze %dma_start3A_359 : memref<1x3x128x64xf32, #tpu.memory_space<vmem>> -> memref<3x128x64xf32, #tpu.memory_space<vmem>>
      tpu.enqueue_dma source(%dma_start3A_360 : memref<3x128x64xf32, #tpu.memory_space<vmem>>) target(%dma_start3A_355 : memref<3x128x64xf32, #tpu.memory_space<hbm>>) target_semaphore(%arg13 : memref<!tpu.dma_semaphore, #tpu.memory_space<semaphore_mem>>)
      %scan3A_361 = arith.constant 0 : i32
      scf.yield %scan3A_361 : i32
    }
    %scan3A_42 = arith.constant 7 : i32
    %dma_wait3A = arith.constant 0 : i32
    %dma_wait3A_43 = arith.constant 0 : i32
    %dma_wait3A_44 = arith.constant 0 : i32
    %dma_wait3A_45 = arith.constant 0 : i32
    %dma_wait3A_46 = tpu.memref_slice %arg5[%dma_wait3A, %dma_wait3A_43, %dma_wait3A_44, %dma_wait3A_45] : memref<2x3x128x64xf32, #tpu.memory_space<vmem>> -> memref<1x3x128x64xf32, #tpu.memory_space<vmem>>
    %dma_wait3A_47 = tpu.memref_squeeze %dma_wait3A_46 : memref<1x3x128x64xf32, #tpu.memory_space<vmem>> -> memref<3x128x64xf32, #tpu.memory_space<vmem>>
    %dma_wait3A_48 = arith.constant 0 : i32
    %dma_wait3A_49 = arith.constant 0 : i32
    %dma_wait3A_50 = arith.constant 0 : i32
    %dma_wait3A_51 = tpu.memref_slice %arg4[%dma_wait3A_48, %dma_wait3A_49, %dma_wait3A_50] : memref<1344x128x64xf32, #tpu.memory_space<hbm>> -> memref<3x128x64xf32, #tpu.memory_space<hbm>>
    %dma_wait3A_52 = arith.constant 0 : i32
    %dma_wait3A_53 = arith.constant 0 : i32
    %dma_wait3A_54 = arith.constant 0 : i32
    %dma_wait3A_55 = tpu.memref_slice %arg4[%dma_wait3A_52, %dma_wait3A_53, %dma_wait3A_54] : memref<1344x128x64xf32, #tpu.memory_space<hbm>> -> memref<3x128x64xf32, #tpu.memory_space<hbm>>
    %dma_wait3A_56 = arith.constant 0 : i32
    %dma_wait3A_57 = arith.constant 0 : i32
    %dma_wait3A_58 = arith.constant 0 : i32
    %dma_wait3A_59 = tpu.memref_slice %arg5[%dma_wait3A, %dma_wait3A_56, %dma_wait3A_57, %dma_wait3A_58] : memref<2x3x128x64xf32, #tpu.memory_space<vmem>> -> memref<1x3x128x64xf32, #tpu.memory_space<vmem>>
    %dma_wait3A_60 = tpu.memref_squeeze %dma_wait3A_59 : memref<1x3x128x64xf32, #tpu.memory_space<vmem>> -> memref<3x128x64xf32, #tpu.memory_space<vmem>>
    tpu.wait_dma2 semaphore(%arg12 : memref<!tpu.dma_semaphore, #tpu.memory_space<semaphore_mem>>) src(%dma_wait3A_60 : memref<3x128x64xf32, #tpu.memory_space<vmem>>) dst(%dma_wait3A_55 : memref<3x128x64xf32, #tpu.memory_space<hbm>>)
    %dma_wait3A_61 = arith.constant 1 : i32
    %dma_wait3A_62 = arith.constant 0 : i32
    %dma_wait3A_63 = arith.constant 0 : i32
    %dma_wait3A_64 = arith.constant 0 : i32
    %dma_wait3A_65 = tpu.memref_slice %arg5[%dma_wait3A_61, %dma_wait3A_62, %dma_wait3A_63, %dma_wait3A_64] : memref<2x3x128x64xf32, #tpu.memory_space<vmem>> -> memref<1x3x128x64xf32, #tpu.memory_space<vmem>>
    %dma_wait3A_66 = tpu.memref_squeeze %dma_wait3A_65 : memref<1x3x128x64xf32, #tpu.memory_space<vmem>> -> memref<3x128x64xf32, #tpu.memory_space<vmem>>
    %dma_wait3A_67 = arith.constant 0 : i32
    %dma_wait3A_68 = arith.constant 0 : i32
    %dma_wait3A_69 = arith.constant 0 : i32
    %dma_wait3A_70 = tpu.memref_slice %arg4[%dma_wait3A_67, %dma_wait3A_68, %dma_wait3A_69] : memref<1344x128x64xf32, #tpu.memory_space<hbm>> -> memref<3x128x64xf32, #tpu.memory_space<hbm>>
    %dma_wait3A_71 = arith.constant 0 : i32
    %dma_wait3A_72 = arith.constant 0 : i32
    %dma_wait3A_73 = arith.constant 0 : i32
    %dma_wait3A_74 = tpu.memref_slice %arg4[%dma_wait3A_71, %dma_wait3A_72, %dma_wait3A_73] : memref<1344x128x64xf32, #tpu.memory_space<hbm>> -> memref<3x128x64xf32, #tpu.memory_space<hbm>>
    %dma_wait3A_75 = arith.constant 0 : i32
    %dma_wait3A_76 = arith.constant 0 : i32
    %dma_wait3A_77 = arith.constant 0 : i32
    %dma_wait3A_78 = tpu.memref_slice %arg5[%dma_wait3A_61, %dma_wait3A_75, %dma_wait3A_76, %dma_wait3A_77] : memref<2x3x128x64xf32, #tpu.memory_space<vmem>> -> memref<1x3x128x64xf32, #tpu.memory_space<vmem>>
    %dma_wait3A_79 = tpu.memref_squeeze %dma_wait3A_78 : memref<1x3x128x64xf32, #tpu.memory_space<vmem>> -> memref<3x128x64xf32, #tpu.memory_space<vmem>>
    tpu.wait_dma2 semaphore(%arg13 : memref<!tpu.dma_semaphore, #tpu.memory_space<semaphore_mem>>) src(%dma_wait3A_79 : memref<3x128x64xf32, #tpu.memory_space<vmem>>) dst(%dma_wait3A_74 : memref<3x128x64xf32, #tpu.memory_space<hbm>>)
    return
  }
}

module attributes {stable_mosaic.version = 14 : i64} {
  func.func @_spikes_kernel(%arg0: i32, %arg1: memref<64x6144xf32, #tpu.memory_space<vmem>>, %arg2: memref<64x6144xf32, #tpu.memory_space<vmem>>, %arg3: memref<1x1x6144xf32, #tpu.memory_space<vmem>>, %arg4: memref<1x1x6144xf32, #tpu.memory_space<vmem>>, %arg5: memref<64x6144xf32, #tpu.memory_space<vmem>>, %arg6: memref<64x6144xf32, #tpu.memory_space<vmem>>, %arg7: memref<1x1x6144xf32, #tpu.memory_space<vmem>>, %arg8: memref<1x1x6144xf32, #tpu.memory_space<vmem>>, %arg9: memref<6144x128xf32, #tpu.memory_space<vmem>>) attributes {dimension_semantics = [#tpu.dimension_semantics<arbitrary>], iteration_bounds = array<i64: 14>, scalar_prefetch = 0 : i64, scratch_operands = 0 : i64, tpu.core_type = #tpu.core_type<tc>, window_params = [{transform_indices = @transform_0, window_bounds = array<i64: 64, 6144>}, {transform_indices = @transform_1, window_bounds = array<i64: 64, 6144>}, {transform_indices = @transform_2, window_bounds = array<i64: 1, 1, 6144>}, {transform_indices = @transform_3, window_bounds = array<i64: 1, 1, 6144>}, {transform_indices = @transform_4, window_bounds = array<i64: 64, 6144>}, {transform_indices = @transform_5, window_bounds = array<i64: 64, 6144>}, {transform_indices = @transform_6, window_bounds = array<i64: 1, 1, 6144>}, {transform_indices = @transform_7, window_bounds = array<i64: 1, 1, 6144>}, {transform_indices = @transform_8, window_bounds = array<i64: 6144, 128>}]} {
    %get3A = arith.constant 0 : index
    %get3A_0 = arith.constant 0 : index
    %get3A_1 = vector.load %arg1[%get3A, %get3A_0] : memref<64x6144xf32, #tpu.memory_space<vmem>>, vector<64x6144xf32>
    %get3A_2 = arith.constant 0 : index
    %get3A_3 = arith.constant 0 : index
    %get3A_4 = arith.constant 0 : index
    %get3A_5 = vector.load %arg3[%get3A_2, %get3A_3, %get3A_4] : memref<1x1x6144xf32, #tpu.memory_space<vmem>>, vector<1x1x6144xf32>
    %get3A_6 = vector.shape_cast %get3A_5 : vector<1x1x6144xf32> to vector<1x6144xf32>
    %sub3A = vector.broadcast %get3A_6 : vector<1x6144xf32> to vector<64x6144xf32>
    %sub3A_7 = arith.subf %get3A_1, %sub3A : vector<64x6144xf32>
    %abs3A = math.absf %sub3A_7 : vector<64x6144xf32>
    %abs3A_8 = math.absf %get3A_6 : vector<1x6144xf32>
    %mul3A = arith.constant 9.99999993E-9 : f32
    %mul3A_9 = vector.broadcast %mul3A : f32 to vector<1x6144xf32>
    %mul3A_10 = arith.mulf %mul3A_9, %abs3A_8 : vector<1x6144xf32>
    %add3A = arith.constant 9.99999974E-6 : f32
    %add3A_11 = vector.broadcast %add3A : f32 to vector<1x6144xf32>
    %add3A_12 = arith.addf %add3A_11, %mul3A_10 : vector<1x6144xf32>
    %le3A = vector.broadcast %add3A_12 : vector<1x6144xf32> to vector<64x6144xf32>
    %le3A_13 = arith.cmpf ole, %abs3A, %le3A : vector<64x6144xf32>
    %get3A_14 = arith.constant 0 : index
    %get3A_15 = arith.constant 0 : index
    %get3A_16 = vector.load %arg2[%get3A_14, %get3A_15] : memref<64x6144xf32, #tpu.memory_space<vmem>>, vector<64x6144xf32>
    %get3A_17 = arith.constant 0 : index
    %get3A_18 = arith.constant 0 : index
    %get3A_19 = arith.constant 0 : index
    %get3A_20 = vector.load %arg4[%get3A_17, %get3A_18, %get3A_19] : memref<1x1x6144xf32, #tpu.memory_space<vmem>>, vector<1x1x6144xf32>
    %get3A_21 = vector.shape_cast %get3A_20 : vector<1x1x6144xf32> to vector<1x6144xf32>
    %mul3A_22 = vector.broadcast %get3A_21 : vector<1x6144xf32> to vector<64x6144xf32>
    %mul3A_23 = arith.mulf %get3A_16, %mul3A_22 : vector<64x6144xf32>
    %jit3A = arith.constant 0.000000e+00 : f32
    %broadcast_in_dim3A = vector.broadcast %jit3A : f32 to vector<64x6144xf32>
    %select_n3A = arith.select %le3A_13, %mul3A_23, %broadcast_in_dim3A : vector<64x6144xi1>, vector<64x6144xf32>
    %get3A_24 = arith.constant 0 : index
    %get3A_25 = arith.constant 0 : index
    %get3A_26 = vector.load %arg5[%get3A_24, %get3A_25] : memref<64x6144xf32, #tpu.memory_space<vmem>>, vector<64x6144xf32>
    %get3A_27 = arith.constant 0 : index
    %get3A_28 = arith.constant 0 : index
    %get3A_29 = arith.constant 0 : index
    %get3A_30 = vector.load %arg7[%get3A_27, %get3A_28, %get3A_29] : memref<1x1x6144xf32, #tpu.memory_space<vmem>>, vector<1x1x6144xf32>
    %get3A_31 = vector.shape_cast %get3A_30 : vector<1x1x6144xf32> to vector<1x6144xf32>
    %sub3A_32 = vector.broadcast %get3A_31 : vector<1x6144xf32> to vector<64x6144xf32>
    %sub3A_33 = arith.subf %get3A_26, %sub3A_32 : vector<64x6144xf32>
    %abs3A_34 = math.absf %sub3A_33 : vector<64x6144xf32>
    %abs3A_35 = math.absf %get3A_31 : vector<1x6144xf32>
    %mul3A_36 = arith.constant 9.99999993E-9 : f32
    %mul3A_37 = vector.broadcast %mul3A_36 : f32 to vector<1x6144xf32>
    %mul3A_38 = arith.mulf %mul3A_37, %abs3A_35 : vector<1x6144xf32>
    %add3A_39 = arith.constant 9.99999974E-6 : f32
    %add3A_40 = vector.broadcast %add3A_39 : f32 to vector<1x6144xf32>
    %add3A_41 = arith.addf %add3A_40, %mul3A_38 : vector<1x6144xf32>
    %le3A_42 = vector.broadcast %add3A_41 : vector<1x6144xf32> to vector<64x6144xf32>
    %le3A_43 = arith.cmpf ole, %abs3A_34, %le3A_42 : vector<64x6144xf32>
    %get3A_44 = arith.constant 0 : index
    %get3A_45 = arith.constant 0 : index
    %get3A_46 = vector.load %arg6[%get3A_44, %get3A_45] : memref<64x6144xf32, #tpu.memory_space<vmem>>, vector<64x6144xf32>
    %get3A_47 = arith.constant 0 : index
    %get3A_48 = arith.constant 0 : index
    %get3A_49 = arith.constant 0 : index
    %get3A_50 = vector.load %arg8[%get3A_47, %get3A_48, %get3A_49] : memref<1x1x6144xf32, #tpu.memory_space<vmem>>, vector<1x1x6144xf32>
    %get3A_51 = vector.shape_cast %get3A_50 : vector<1x1x6144xf32> to vector<1x6144xf32>
    %mul3A_52 = vector.broadcast %get3A_51 : vector<1x6144xf32> to vector<64x6144xf32>
    %mul3A_53 = arith.mulf %get3A_46, %mul3A_52 : vector<64x6144xf32>
    %jit3A_54 = arith.constant 0.000000e+00 : f32
    %broadcast_in_dim3A_55 = vector.broadcast %jit3A_54 : f32 to vector<64x6144xf32>
    %select_n3A_56 = arith.select %le3A_43, %mul3A_53, %broadcast_in_dim3A_55 : vector<64x6144xi1>, vector<64x6144xf32>
    %transpose3A = tpu.transpose %select_n3A, [1, 0] : vector<64x6144xf32> -> vector<6144x64xf32>
    %transpose3A_57 = tpu.transpose %select_n3A_56, [1, 0] : vector<64x6144xf32> -> vector<6144x64xf32>
    %concatenate3A = tpu.concatenate %transpose3A, %transpose3A_57 in 1 : vector<6144x64xf32>, vector<6144x64xf32> -> vector<6144x128xf32>
    %swap3A = arith.constant 0 : index
    %swap3A_58 = arith.constant 0 : index
    %swap3A_59 = vector.load %arg9[%swap3A, %swap3A_58] : memref<6144x128xf32, #tpu.memory_space<vmem>>, vector<6144x128xf32>
    tpu.vector_store %arg9[%swap3A, %swap3A_58], %concatenate3A {strides = array<i32>} : memref<6144x128xf32, #tpu.memory_space<vmem>>, vector<6144x128xf32>,
    return
  }
  func.func @transform_0(%arg0: i32) -> (i32, i32) {
    %c0_i32 = arith.constant 0 : i32
    %c0_i32_0 = arith.constant 0 : i32
    return %c0_i32, %arg0 : i32, i32
  }
  func.func @transform_1(%arg0: i32) -> (i32, i32) {
    %c0_i32 = arith.constant 0 : i32
    %c0_i32_0 = arith.constant 0 : i32
    return %c0_i32, %arg0 : i32, i32
  }
  func.func @transform_2(%arg0: i32) -> (i32, i32, i32) {
    %c0_i32 = arith.constant 0 : i32
    %c0_i32_0 = arith.constant 0 : i32
    %c0_i32_1 = arith.constant 0 : i32
    return %arg0, %c0_i32, %c0_i32_0 : i32, i32, i32
  }
  func.func @transform_3(%arg0: i32) -> (i32, i32, i32) {
    %c0_i32 = arith.constant 0 : i32
    %c0_i32_0 = arith.constant 0 : i32
    %c0_i32_1 = arith.constant 0 : i32
    return %arg0, %c0_i32, %c0_i32_0 : i32, i32, i32
  }
  func.func @transform_4(%arg0: i32) -> (i32, i32) {
    %add3A = arith.constant 14 : i32
    %add3A_0 = arith.addi %arg0, %add3A : i32
    %c0_i32 = arith.constant 0 : i32
    %c0_i32_1 = arith.constant 0 : i32
    return %c0_i32, %add3A_0 : i32, i32
  }
  func.func @transform_5(%arg0: i32) -> (i32, i32) {
    %add3A = arith.constant 14 : i32
    %add3A_0 = arith.addi %arg0, %add3A : i32
    %c0_i32 = arith.constant 0 : i32
    %c0_i32_1 = arith.constant 0 : i32
    return %c0_i32, %add3A_0 : i32, i32
  }
  func.func @transform_6(%arg0: i32) -> (i32, i32, i32) {
    %add3A = arith.constant 14 : i32
    %add3A_0 = arith.addi %arg0, %add3A : i32
    %c0_i32 = arith.constant 0 : i32
    %c0_i32_1 = arith.constant 0 : i32
    %c0_i32_2 = arith.constant 0 : i32
    return %add3A_0, %c0_i32, %c0_i32_1 : i32, i32, i32
  }
  func.func @transform_7(%arg0: i32) -> (i32, i32, i32) {
    %add3A = arith.constant 14 : i32
    %add3A_0 = arith.addi %arg0, %add3A : i32
    %c0_i32 = arith.constant 0 : i32
    %c0_i32_1 = arith.constant 0 : i32
    %c0_i32_2 = arith.constant 0 : i32
    return %add3A_0, %c0_i32, %c0_i32_1 : i32, i32, i32
  }
  func.func @transform_8(%arg0: i32) -> (i32, i32) {
    %c0_i32 = arith.constant 0 : i32
    %c0_i32_0 = arith.constant 0 : i32
    return %arg0, %c0_i32 : i32, i32
  }
}

module attributes {stable_mosaic.version = 14 : i64} {
  func.func @_neuron_kernel(%arg0: memref<2x2176x64xf32, #tpu.memory_space<vmem>>, %arg1: memref<64x2176xf32, #tpu.memory_space<vmem>>, %arg2: memref<64x128xf32, #tpu.memory_space<vmem>>, %arg3: memref<64x2048xf32, #tpu.memory_space<vmem>>, %arg4: memref<64x1xi32, #tpu.memory_space<vmem>>, %arg5: memref<2176x64xf32, #tpu.memory_space<vmem>>, %arg6: memref<64x6144xf32, #tpu.memory_space<vmem>>) attributes {dimension_semantics = [], scalar_prefetch = 0 : i64, scratch_operands = 0 : i64, tpu.core_type = #tpu.core_type<tc>} {
    %get3A = arith.constant 0 : index
    %get3A_0 = arith.constant 0 : index
    %get3A_1 = vector.load %arg4[%get3A, %get3A_0] : memref<64x1xi32, #tpu.memory_space<vmem>>, vector<64x1xi32>
    %eq3A = arith.constant 2 : i32
    %eq3A_2 = vector.broadcast %eq3A : i32 to vector<64x1xi32>
    %eq3A_3 = arith.cmpi eq, %get3A_1, %eq3A_2 : vector<64x1xi32>
    %convert_element_type3A = arith.extui %eq3A_3 : vector<64x1xi1> to vector<64x1xi32>
    %convert_element_type3A_4 = arith.sitofp %convert_element_type3A : vector<64x1xi32> to vector<64x1xf32>
    %get3A_5 = arith.constant 0 : index
    %get3A_6 = arith.constant 0 : index
    %get3A_7 = vector.load %arg3[%get3A_5, %get3A_6] : memref<64x2048xf32, #tpu.memory_space<vmem>>, vector<64x2048xf32>
    %get3A_8 = arith.constant 0 : index
    %get3A_9 = arith.constant 0 : index
    %get3A_10 = arith.constant 0 : index
    %get3A_11 = vector.load %arg0[%get3A_8, %get3A_9, %get3A_10] : memref<2x2176x64xf32, #tpu.memory_space<vmem>>, vector<1x2176x64xf32>
    %get3A_12 = vector.shape_cast %get3A_11 : vector<1x2176x64xf32> to vector<2176x64xf32>
    %get3A_13 = arith.constant 1 : index
    %get3A_14 = arith.constant 0 : index
    %get3A_15 = arith.constant 0 : index
    %get3A_16 = vector.load %arg0[%get3A_13, %get3A_14, %get3A_15] : memref<2x2176x64xf32, #tpu.memory_space<vmem>>, vector<1x2176x64xf32>
    %get3A_17 = vector.shape_cast %get3A_16 : vector<1x2176x64xf32> to vector<2176x64xf32>
    %add3A = arith.addf %get3A_12, %get3A_17 : vector<2176x64xf32>
    %transpose3A = tpu.transpose %add3A, [1, 0] : vector<2176x64xf32> -> vector<64x2176xf32>
    %mul3A = vector.broadcast %convert_element_type3A_4 : vector<64x1xf32> to vector<64x2048xf32>
    %mul3A_18 = arith.mulf %get3A_7, %mul3A : vector<64x2048xf32>
    %broadcast_in_dim3A = arith.constant 0.000000e+00 : f32
    %broadcast_in_dim3A_19 = vector.broadcast %broadcast_in_dim3A : f32 to vector<64x128xf32>
    %concatenate3A = tpu.concatenate %mul3A_18, %broadcast_in_dim3A_19 in 1 : vector<64x2048xf32>, vector<64x128xf32> -> vector<64x2176xf32>
    %add3A_20 = arith.addf %transpose3A, %concatenate3A : vector<64x2176xf32>
    %get3A_21 = arith.constant 0 : index
    %get3A_22 = arith.constant 0 : index
    %get3A_23 = vector.load %arg1[%get3A_21, %get3A_22] : memref<64x2176xf32, #tpu.memory_space<vmem>>, vector<64x2176xf32>
    %sub3A = arith.subf %add3A_20, %get3A_23 : vector<64x2176xf32>
    %mul3A_24 = arith.constant 1.000000e-01 : f32
    %mul3A_25 = vector.broadcast %mul3A_24 : f32 to vector<64x2176xf32>
    %mul3A_26 = arith.mulf %sub3A, %mul3A_25 : vector<64x2176xf32>
    %add3A_27 = arith.addf %get3A_23, %mul3A_26 : vector<64x2176xf32>
    %sub3A_28 = arith.constant 5.000000e-01 : f32
    %sub3A_29 = vector.broadcast %sub3A_28 : f32 to vector<64x2176xf32>
    %sub3A_30 = arith.subf %add3A_27, %sub3A_29 : vector<64x2176xf32>
    %max3A = arith.constant 0.000000e+00 : f32
    %max3A_31 = vector.broadcast %max3A : f32 to vector<64x2176xf32>
    %max3A_32 = arith.maximumf %max3A_31, %sub3A_30 : vector<64x2176xf32>
    %gt3A = arith.constant 0.000000e+00 : f32
    %gt3A_33 = vector.broadcast %gt3A : f32 to vector<64x2176xf32>
    %gt3A_34 = arith.cmpf ogt, %max3A_32, %gt3A_33 : vector<64x2176xf32>
    %convert_element_type3A_35 = arith.extui %gt3A_34 : vector<64x2176xi1> to vector<64x2176xi32>
    %convert_element_type3A_36 = arith.sitofp %convert_element_type3A_35 : vector<64x2176xi32> to vector<64x2176xf32>
    %mul3A_37 = arith.mulf %add3A_27, %convert_element_type3A_36 : vector<64x2176xf32>
    %sub3A_38 = arith.subf %add3A_27, %mul3A_37 : vector<64x2176xf32>
    %mul3A_39 = arith.constant 2.000000e-01 : f32
    %mul3A_40 = vector.broadcast %mul3A_39 : f32 to vector<64x2176xf32>
    %mul3A_41 = arith.mulf %mul3A_40, %convert_element_type3A_36 : vector<64x2176xf32>
    %add3A_42 = arith.addf %sub3A_38, %mul3A_41 : vector<64x2176xf32>
    %get3A_43 = arith.constant 0 : index
    %get3A_44 = arith.constant 0 : index
    %get3A_45 = vector.load %arg2[%get3A_43, %get3A_44] : memref<64x128xf32, #tpu.memory_space<vmem>>, vector<64x128xf32>
    %slice3A = vector.extract_strided_slice %add3A_27 {offsets = [0, 2048], sizes = [64, 128], strides = [1, 1]} : vector<64x2176xf32> to vector<64x128xf32>
    %add3A_46 = arith.addf %get3A_45, %slice3A : vector<64x128xf32>
    %reduce_sum3A = arith.constant dense<0.000000e+00> : vector<64xf32>
    %reduce_sum3A_47 = vector.multi_reduction <add>, %convert_element_type3A_36, %reduce_sum3A [1] : vector<64x2176xf32> to vector<64xf32>
    %broadcast_in_dim3A_48 = vector.shape_cast %reduce_sum3A_47 : vector<64xf32> to vector<64x1xf32>
    %div3A = arith.constant 2.176000e+03 : f32
    %div3A_49 = vector.broadcast %div3A : f32 to vector<64x1xf32>
    %div3A_50 = arith.divf %broadcast_in_dim3A_48, %div3A_49 : vector<64x1xf32>
    %mul3A_51 = arith.mulf %get3A_7, %get3A_7 : vector<64x2048xf32>
    %reduce_sum3A_52 = arith.constant dense<0.000000e+00> : vector<64xf32>
    %reduce_sum3A_53 = vector.multi_reduction <add>, %mul3A_51, %reduce_sum3A_52 [1] : vector<64x2048xf32> to vector<64xf32>
    %broadcast_in_dim3A_54 = vector.shape_cast %reduce_sum3A_53 : vector<64xf32> to vector<64x1xf32>
    %sqrt3A = math.sqrt %broadcast_in_dim3A_54 : vector<64x1xf32>
    %mul3A_55 = arith.mulf %sqrt3A, %convert_element_type3A_4 : vector<64x1xf32>
    %transpose3A_56 = tpu.transpose %max3A_32, [1, 0] : vector<64x2176xf32> -> vector<2176x64xf32>
    %swap3A = arith.constant 0 : index
    %swap3A_57 = arith.constant 0 : index
    %swap3A_58 = vector.load %arg5[%swap3A, %swap3A_57] : memref<2176x64xf32, #tpu.memory_space<vmem>>, vector<2176x64xf32>
    tpu.vector_store %arg5[%swap3A, %swap3A_57], %transpose3A_56 {strides = array<i32>} : memref<2176x64xf32, #tpu.memory_space<vmem>>, vector<2176x64xf32>,
    %broadcast_in_dim3A_59 = arith.constant 0.000000e+00 : f32
    %broadcast_in_dim3A_60 = vector.broadcast %broadcast_in_dim3A_59 : f32 to vector<64x3837xf32>
    %concatenate3A_61 = tpu.concatenate %add3A_42, %add3A_46, %convert_element_type3A_4, %div3A_50, %mul3A_55, %broadcast_in_dim3A_60 in 1 : vector<64x2176xf32>, vector<64x128xf32>, vector<64x1xf32>, vector<64x1xf32>, vector<64x1xf32>, vector<64x3837xf32> -> vector<64x6144xf32>
    %swap3A_62 = arith.constant 0 : index
    %swap3A_63 = arith.constant 0 : index
    %swap3A_64 = vector.load %arg6[%swap3A_62, %swap3A_63] : memref<64x6144xf32, #tpu.memory_space<vmem>>, vector<64x6144xf32>
    tpu.vector_store %arg6[%swap3A_62, %swap3A_63], %concatenate3A_61 {strides = array<i32>} : memref<64x6144xf32, #tpu.memory_space<vmem>>, vector<64x6144xf32>,
    return
  }
}

module attributes {stable_mosaic.version = 14 : i64} {
  func.func @_pass2_kernel(%arg0: i32, %arg1: memref<64x6144xf32, #tpu.memory_space<vmem>>, %arg2: memref<64x6144xf32, #tpu.memory_space<vmem>>, %arg3: memref<1x1x6144xf32, #tpu.memory_space<vmem>>, %arg4: memref<64x6144xf32, #tpu.memory_space<vmem>>, %arg5: memref<64x6144xf32, #tpu.memory_space<vmem>>, %arg6: memref<1x1x6144xf32, #tpu.memory_space<vmem>>, %arg7: memref<6144x128xf32, #tpu.memory_space<vmem>>, %arg8: memref<64x6144xf32, #tpu.memory_space<vmem>>, %arg9: memref<64x6144xf32, #tpu.memory_space<vmem>>, %arg10: memref<64x6144xf32, #tpu.memory_space<vmem>>, %arg11: memref<64x6144xf32, #tpu.memory_space<vmem>>, %arg12: memref<64x6144xf32, #tpu.memory_space<vmem>>) attributes {dimension_semantics = [#tpu.dimension_semantics<arbitrary>], iteration_bounds = array<i64: 57>, scalar_prefetch = 0 : i64, scratch_operands = 3 : i64, tpu.core_type = #tpu.core_type<tc>, window_params = [{transform_indices = @transform_0, window_bounds = array<i64: 64, 6144>}, {transform_indices = @transform_1, window_bounds = array<i64: 64, 6144>}, {transform_indices = @transform_2, window_bounds = array<i64: 1, 1, 6144>}, {transform_indices = @transform_3, window_bounds = array<i64: 64, 6144>}, {transform_indices = @transform_4, window_bounds = array<i64: 64, 6144>}, {transform_indices = @transform_5, window_bounds = array<i64: 1, 1, 6144>}, {transform_indices = @transform_6, window_bounds = array<i64: 6144, 128>}, {pipeline_mode = #tpu.pipeline_mode<synchronous>, transform_indices = @transform_7, window_bounds = array<i64: 64, 6144>}, {transform_indices = @transform_8, window_bounds = array<i64: 64, 6144>}]} {
    %lt3A = arith.constant 56 : i32
    %lt3A_0 = arith.cmpi slt, %arg0, %lt3A : i32
    %jit3A = arith.constant 4 : i32
    %eq3A = arith.constant 0 : i32
    %eq3A_1 = arith.cmpi eq, %jit3A, %eq3A : i32
    %jit3A_2 = arith.constant 1 : i32
    %select_n3A = arith.select %eq3A_1, %jit3A_2, %jit3A : i32
    %rem3A = arith.remsi %arg0, %select_n3A : i32
    %ne3A = arith.constant 0 : i32
    %ne3A_3 = arith.cmpi ne, %rem3A, %ne3A : i32
    %lt3A_4 = arith.constant 0 : i32
    %lt3A_5 = arith.cmpi slt, %rem3A, %lt3A_4 : i32
    %lt3A_6 = arith.constant 0 : i32
    %lt3A_7 = arith.cmpi slt, %select_n3A, %lt3A_6 : i32
    %ne3A_8 = arith.xori %lt3A_5, %lt3A_7 : i1
    %and3A = arith.andi %ne3A_8, %ne3A_3 : i1
    %add3A = arith.addi %rem3A, %select_n3A : i32
    %select_n3A_9 = arith.select %and3A, %add3A, %rem3A : i32
    %eq3A_10 = arith.constant 0 : i32
    %eq3A_11 = arith.cmpi eq, %select_n3A_9, %eq3A_10 : i32
    %and3A_12 = arith.andi %lt3A_0, %eq3A_11 : i1
    %convert_element_type3A = arith.extui %and3A_12 : i1 to i32
    %cond3A = arith.constant 0 : i32
    %cond3A_13 = arith.cmpi ne, %convert_element_type3A, %cond3A : i32
    scf.if %cond3A_13 {
      %get3A = arith.constant 0 : index
      %get3A_91 = arith.constant 0 : index
      %get3A_92 = vector.load %arg7[%get3A, %get3A_91] : memref<6144x128xf32, #tpu.memory_space<vmem>>, vector<6144x128xf32>
      %slice3A = vector.extract_strided_slice %get3A_92 {offsets = [0, 0], sizes = [6144, 64], strides = [1, 1]} : vector<6144x128xf32> to vector<6144x64xf32>
      %transpose3A = tpu.transpose %slice3A, [1, 0] : vector<6144x64xf32> -> vector<64x6144xf32>
      %get3A_93 = arith.constant 0 : index
      %get3A_94 = arith.constant 0 : index
      %get3A_95 = vector.load %arg1[%get3A_93, %get3A_94] : memref<64x6144xf32, #tpu.memory_space<vmem>>, vector<64x6144xf32>
      %get3A_96 = arith.constant 0 : index
      %get3A_97 = arith.constant 0 : index
      %get3A_98 = vector.load %arg2[%get3A_96, %get3A_97] : memref<64x6144xf32, #tpu.memory_space<vmem>>, vector<64x6144xf32>
      %get3A_99 = arith.constant 0 : index
      %get3A_100 = arith.constant 0 : index
      %get3A_101 = arith.constant 0 : index
      %get3A_102 = vector.load %arg3[%get3A_99, %get3A_100, %get3A_101] : memref<1x1x6144xf32, #tpu.memory_space<vmem>>, vector<1x1x6144xf32>
      %get3A_103 = vector.shape_cast %get3A_102 : vector<1x1x6144xf32> to vector<1x6144xf32>
      %sub3A = vector.broadcast %get3A_103 : vector<1x6144xf32> to vector<64x6144xf32>
      %sub3A_104 = arith.subf %get3A_95, %sub3A : vector<64x6144xf32>
      %abs3A = math.absf %sub3A_104 : vector<64x6144xf32>
      %abs3A_105 = math.absf %get3A_103 : vector<1x6144xf32>
      %mul3A = arith.constant 9.99999993E-9 : f32
      %mul3A_106 = vector.broadcast %mul3A : f32 to vector<1x6144xf32>
      %mul3A_107 = arith.mulf %mul3A_106, %abs3A_105 : vector<1x6144xf32>
      %add3A_108 = arith.constant 9.99999974E-6 : f32
      %add3A_109 = vector.broadcast %add3A_108 : f32 to vector<1x6144xf32>
      %add3A_110 = arith.addf %add3A_109, %mul3A_107 : vector<1x6144xf32>
      %le3A = vector.broadcast %add3A_110 : vector<1x6144xf32> to vector<64x6144xf32>
      %le3A_111 = arith.cmpf ole, %abs3A, %le3A : vector<64x6144xf32>
      %jit3A_112 = arith.constant 0.000000e+00 : f32
      %broadcast_in_dim3A = vector.broadcast %jit3A_112 : f32 to vector<64x6144xf32>
      %select_n3A_113 = arith.select %le3A_111, %broadcast_in_dim3A, %get3A_95 : vector<64x6144xi1>, vector<64x6144xf32>
      %jit3A_114 = arith.constant 0.000000e+00 : f32
      %broadcast_in_dim3A_115 = vector.broadcast %jit3A_114 : f32 to vector<64x6144xf32>
      %select_n3A_116 = arith.select %le3A_111, %broadcast_in_dim3A_115, %get3A_98 : vector<64x6144xi1>, vector<64x6144xf32>
      %gt3A = arith.constant 0.000000e+00 : f32
      %gt3A_117 = vector.broadcast %gt3A : f32 to vector<64x6144xf32>
      %gt3A_118 = arith.cmpf ogt, %transpose3A, %gt3A_117 : vector<64x6144xf32>
      %eq3A_119 = arith.constant 0.000000e+00 : f32
      %eq3A_120 = vector.broadcast %eq3A_119 : f32 to vector<64x6144xf32>
      %eq3A_121 = arith.cmpf oeq, %get3A_95, %eq3A_120 : vector<64x6144xf32>
      %and3A_122 = arith.andi %gt3A_118, %eq3A_121 : vector<64x6144xi1>
      %gt3A_123 = arith.constant 0.000000e+00 : f32
      %gt3A_124 = vector.broadcast %gt3A_123 : f32 to vector<64x6144xf32>
      %gt3A_125 = arith.cmpf ogt, %select_n3A_113, %gt3A_124 : vector<64x6144xf32>
      %jit3A_126 = arith.constant 1.000000e+00 : f32
      %jit3A_127 = arith.constant 0.000000e+00 : f32
      %broadcast_in_dim3A_128 = vector.broadcast %jit3A_126 : f32 to vector<64x6144xf32>
      %broadcast_in_dim3A_129 = vector.broadcast %jit3A_127 : f32 to vector<64x6144xf32>
      %select_n3A_130 = arith.select %gt3A_125, %broadcast_in_dim3A_128, %broadcast_in_dim3A_129 : vector<64x6144xi1>, vector<64x6144xf32>
      %add3A_131 = arith.addf %select_n3A_113, %select_n3A_130 : vector<64x6144xf32>
      %jit3A_132 = arith.constant 1.000000e+00 : f32
      %jit3A_133 = arith.constant 0.000000e+00 : f32
      %broadcast_in_dim3A_134 = vector.broadcast %jit3A_132 : f32 to vector<64x6144xf32>
      %broadcast_in_dim3A_135 = vector.broadcast %jit3A_133 : f32 to vector<64x6144xf32>
      %select_n3A_136 = arith.select %and3A_122, %broadcast_in_dim3A_134, %broadcast_in_dim3A_135 : vector<64x6144xi1>, vector<64x6144xf32>
      %add3A_137 = arith.addf %add3A_131, %select_n3A_136 : vector<64x6144xf32>
      %jit3A_138 = arith.constant 0.000000e+00 : f32
      %broadcast_in_dim3A_139 = vector.broadcast %jit3A_138 : f32 to vector<64x6144xf32>
      %select_n3A_140 = arith.select %and3A_122, %transpose3A, %broadcast_in_dim3A_139 : vector<64x6144xi1>, vector<64x6144xf32>
      %add3A_141 = arith.addf %select_n3A_116, %select_n3A_140 : vector<64x6144xf32>
      %slice3A_142 = vector.extract_strided_slice %get3A_92 {offsets = [0, 64], sizes = [6144, 64], strides = [1, 1]} : vector<6144x128xf32> to vector<6144x64xf32>
      %transpose3A_143 = tpu.transpose %slice3A_142, [1, 0] : vector<6144x64xf32> -> vector<64x6144xf32>
      %get3A_144 = arith.constant 0 : index
      %get3A_145 = arith.constant 0 : index
      %get3A_146 = vector.load %arg4[%get3A_144, %get3A_145] : memref<64x6144xf32, #tpu.memory_space<vmem>>, vector<64x6144xf32>
      %get3A_147 = arith.constant 0 : index
      %get3A_148 = arith.constant 0 : index
      %get3A_149 = vector.load %arg5[%get3A_147, %get3A_148] : memref<64x6144xf32, #tpu.memory_space<vmem>>, vector<64x6144xf32>
      %get3A_150 = arith.constant 0 : index
      %get3A_151 = arith.constant 0 : index
      %get3A_152 = arith.constant 0 : index
      %get3A_153 = vector.load %arg6[%get3A_150, %get3A_151, %get3A_152] : memref<1x1x6144xf32, #tpu.memory_space<vmem>>, vector<1x1x6144xf32>
      %get3A_154 = vector.shape_cast %get3A_153 : vector<1x1x6144xf32> to vector<1x6144xf32>
      %sub3A_155 = vector.broadcast %get3A_154 : vector<1x6144xf32> to vector<64x6144xf32>
      %sub3A_156 = arith.subf %get3A_146, %sub3A_155 : vector<64x6144xf32>
      %abs3A_157 = math.absf %sub3A_156 : vector<64x6144xf32>
      %abs3A_158 = math.absf %get3A_154 : vector<1x6144xf32>
      %mul3A_159 = arith.constant 9.99999993E-9 : f32
      %mul3A_160 = vector.broadcast %mul3A_159 : f32 to vector<1x6144xf32>
      %mul3A_161 = arith.mulf %mul3A_160, %abs3A_158 : vector<1x6144xf32>
      %add3A_162 = arith.constant 9.99999974E-6 : f32
      %add3A_163 = vector.broadcast %add3A_162 : f32 to vector<1x6144xf32>
      %add3A_164 = arith.addf %add3A_163, %mul3A_161 : vector<1x6144xf32>
      %le3A_165 = vector.broadcast %add3A_164 : vector<1x6144xf32> to vector<64x6144xf32>
      %le3A_166 = arith.cmpf ole, %abs3A_157, %le3A_165 : vector<64x6144xf32>
      %jit3A_167 = arith.constant 0.000000e+00 : f32
      %broadcast_in_dim3A_168 = vector.broadcast %jit3A_167 : f32 to vector<64x6144xf32>
      %select_n3A_169 = arith.select %le3A_166, %broadcast_in_dim3A_168, %get3A_146 : vector<64x6144xi1>, vector<64x6144xf32>
      %jit3A_170 = arith.constant 0.000000e+00 : f32
      %broadcast_in_dim3A_171 = vector.broadcast %jit3A_170 : f32 to vector<64x6144xf32>
      %select_n3A_172 = arith.select %le3A_166, %broadcast_in_dim3A_171, %get3A_149 : vector<64x6144xi1>, vector<64x6144xf32>
      %gt3A_173 = arith.constant 0.000000e+00 : f32
      %gt3A_174 = vector.broadcast %gt3A_173 : f32 to vector<64x6144xf32>
      %gt3A_175 = arith.cmpf ogt, %transpose3A_143, %gt3A_174 : vector<64x6144xf32>
      %eq3A_176 = arith.constant 0.000000e+00 : f32
      %eq3A_177 = vector.broadcast %eq3A_176 : f32 to vector<64x6144xf32>
      %eq3A_178 = arith.cmpf oeq, %get3A_146, %eq3A_177 : vector<64x6144xf32>
      %and3A_179 = arith.andi %gt3A_175, %eq3A_178 : vector<64x6144xi1>
      %gt3A_180 = arith.constant 0.000000e+00 : f32
      %gt3A_181 = vector.broadcast %gt3A_180 : f32 to vector<64x6144xf32>
      %gt3A_182 = arith.cmpf ogt, %select_n3A_169, %gt3A_181 : vector<64x6144xf32>
      %jit3A_183 = arith.constant 1.000000e+00 : f32
      %jit3A_184 = arith.constant 0.000000e+00 : f32
      %broadcast_in_dim3A_185 = vector.broadcast %jit3A_183 : f32 to vector<64x6144xf32>
      %broadcast_in_dim3A_186 = vector.broadcast %jit3A_184 : f32 to vector<64x6144xf32>
      %select_n3A_187 = arith.select %gt3A_182, %broadcast_in_dim3A_185, %broadcast_in_dim3A_186 : vector<64x6144xi1>, vector<64x6144xf32>
      %add3A_188 = arith.addf %select_n3A_169, %select_n3A_187 : vector<64x6144xf32>
      %jit3A_189 = arith.constant 1.000000e+00 : f32
      %jit3A_190 = arith.constant 0.000000e+00 : f32
      %broadcast_in_dim3A_191 = vector.broadcast %jit3A_189 : f32 to vector<64x6144xf32>
      %broadcast_in_dim3A_192 = vector.broadcast %jit3A_190 : f32 to vector<64x6144xf32>
      %select_n3A_193 = arith.select %and3A_179, %broadcast_in_dim3A_191, %broadcast_in_dim3A_192 : vector<64x6144xi1>, vector<64x6144xf32>
      %add3A_194 = arith.addf %add3A_188, %select_n3A_193 : vector<64x6144xf32>
      %jit3A_195 = arith.constant 0.000000e+00 : f32
      %broadcast_in_dim3A_196 = vector.broadcast %jit3A_195 : f32 to vector<64x6144xf32>
      %select_n3A_197 = arith.select %and3A_179, %transpose3A_143, %broadcast_in_dim3A_196 : vector<64x6144xi1>, vector<64x6144xf32>
      %add3A_198 = arith.addf %select_n3A_172, %select_n3A_197 : vector<64x6144xf32>
      %swap3A = arith.constant 0 : index
      %swap3A_199 = arith.constant 0 : index
      %swap3A_200 = vector.load %arg9[%swap3A, %swap3A_199] : memref<64x6144xf32, #tpu.memory_space<vmem>>, vector<64x6144xf32>
      tpu.vector_store %arg9[%swap3A, %swap3A_199], %add3A_137 {strides = array<i32>} : memref<64x6144xf32, #tpu.memory_space<vmem>>, vector<64x6144xf32>,
      %swap3A_201 = arith.constant 0 : index
      %swap3A_202 = arith.constant 0 : index
      %swap3A_203 = vector.load %arg10[%swap3A_201, %swap3A_202] : memref<64x6144xf32, #tpu.memory_space<vmem>>, vector<64x6144xf32>
      tpu.vector_store %arg10[%swap3A_201, %swap3A_202], %add3A_194 {strides = array<i32>} : memref<64x6144xf32, #tpu.memory_space<vmem>>, vector<64x6144xf32>,
      %swap3A_204 = arith.constant 0 : index
      %swap3A_205 = arith.constant 0 : index
      %swap3A_206 = vector.load %arg11[%swap3A_204, %swap3A_205] : memref<64x6144xf32, #tpu.memory_space<vmem>>, vector<64x6144xf32>
      tpu.vector_store %arg11[%swap3A_204, %swap3A_205], %add3A_141 {strides = array<i32>} : memref<64x6144xf32, #tpu.memory_space<vmem>>, vector<64x6144xf32>,
      %swap3A_207 = arith.constant 0 : index
      %swap3A_208 = arith.constant 0 : index
      %swap3A_209 = vector.load %arg12[%swap3A_207, %swap3A_208] : memref<64x6144xf32, #tpu.memory_space<vmem>>, vector<64x6144xf32>
      tpu.vector_store %arg12[%swap3A_207, %swap3A_208], %add3A_198 {strides = array<i32>} : memref<64x6144xf32, #tpu.memory_space<vmem>>, vector<64x6144xf32>,
    } else {
    }
    %lt3A_14 = arith.constant 56 : i32
    %lt3A_15 = arith.cmpi slt, %arg0, %lt3A_14 : i32
    %jit3A_16 = arith.constant 4 : i32
    %eq3A_17 = arith.constant 0 : i32
    %eq3A_18 = arith.cmpi eq, %jit3A_16, %eq3A_17 : i32
    %jit3A_19 = arith.constant 1 : i32
    %select_n3A_20 = arith.select %eq3A_18, %jit3A_19, %jit3A_16 : i32
    %rem3A_21 = arith.remsi %arg0, %select_n3A_20 : i32
    %ne3A_22 = arith.constant 0 : i32
    %ne3A_23 = arith.cmpi ne, %rem3A_21, %ne3A_22 : i32
    %lt3A_24 = arith.constant 0 : i32
    %lt3A_25 = arith.cmpi slt, %rem3A_21, %lt3A_24 : i32
    %lt3A_26 = arith.constant 0 : i32
    %lt3A_27 = arith.cmpi slt, %select_n3A_20, %lt3A_26 : i32
    %ne3A_28 = arith.xori %lt3A_25, %lt3A_27 : i1
    %and3A_29 = arith.andi %ne3A_28, %ne3A_23 : i1
    %add3A_30 = arith.addi %rem3A_21, %select_n3A_20 : i32
    %select_n3A_31 = arith.select %and3A_29, %add3A_30, %rem3A_21 : i32
    %eq3A_32 = arith.constant 1 : i32
    %eq3A_33 = arith.cmpi eq, %select_n3A_31, %eq3A_32 : i32
    %and3A_34 = arith.andi %lt3A_15, %eq3A_33 : i1
    %convert_element_type3A_35 = arith.extui %and3A_34 : i1 to i32
    %cond3A_36 = arith.constant 0 : i32
    %cond3A_37 = arith.cmpi ne, %convert_element_type3A_35, %cond3A_36 : i32
    scf.if %cond3A_37 {
      %get3A = arith.constant 0 : index
      %get3A_91 = arith.constant 0 : index
      %get3A_92 = vector.load %arg10[%get3A, %get3A_91] : memref<64x6144xf32, #tpu.memory_space<vmem>>, vector<64x6144xf32>
      %swap3A = arith.constant 0 : index
      %swap3A_93 = arith.constant 0 : index
      %swap3A_94 = vector.load %arg9[%swap3A, %swap3A_93] : memref<64x6144xf32, #tpu.memory_space<vmem>>, vector<64x6144xf32>
      tpu.vector_store %arg9[%swap3A, %swap3A_93], %get3A_92 {strides = array<i32>} : memref<64x6144xf32, #tpu.memory_space<vmem>>, vector<64x6144xf32>,
    } else {
    }
    %lt3A_38 = arith.constant 56 : i32
    %lt3A_39 = arith.cmpi slt, %arg0, %lt3A_38 : i32
    %jit3A_40 = arith.constant 4 : i32
    %eq3A_41 = arith.constant 0 : i32
    %eq3A_42 = arith.cmpi eq, %jit3A_40, %eq3A_41 : i32
    %jit3A_43 = arith.constant 1 : i32
    %select_n3A_44 = arith.select %eq3A_42, %jit3A_43, %jit3A_40 : i32
    %rem3A_45 = arith.remsi %arg0, %select_n3A_44 : i32
    %ne3A_46 = arith.constant 0 : i32
    %ne3A_47 = arith.cmpi ne, %rem3A_45, %ne3A_46 : i32
    %lt3A_48 = arith.constant 0 : i32
    %lt3A_49 = arith.cmpi slt, %rem3A_45, %lt3A_48 : i32
    %lt3A_50 = arith.constant 0 : i32
    %lt3A_51 = arith.cmpi slt, %select_n3A_44, %lt3A_50 : i32
    %ne3A_52 = arith.xori %lt3A_49, %lt3A_51 : i1
    %and3A_53 = arith.andi %ne3A_52, %ne3A_47 : i1
    %add3A_54 = arith.addi %rem3A_45, %select_n3A_44 : i32
    %select_n3A_55 = arith.select %and3A_53, %add3A_54, %rem3A_45 : i32
    %eq3A_56 = arith.constant 2 : i32
    %eq3A_57 = arith.cmpi eq, %select_n3A_55, %eq3A_56 : i32
    %and3A_58 = arith.andi %lt3A_39, %eq3A_57 : i1
    %convert_element_type3A_59 = arith.extui %and3A_58 : i1 to i32
    %cond3A_60 = arith.constant 0 : i32
    %cond3A_61 = arith.cmpi ne, %convert_element_type3A_59, %cond3A_60 : i32
    scf.if %cond3A_61 {
      %get3A = arith.constant 0 : index
      %get3A_91 = arith.constant 0 : index
      %get3A_92 = vector.load %arg11[%get3A, %get3A_91] : memref<64x6144xf32, #tpu.memory_space<vmem>>, vector<64x6144xf32>
      %swap3A = arith.constant 0 : index
      %swap3A_93 = arith.constant 0 : index
      %swap3A_94 = vector.load %arg9[%swap3A, %swap3A_93] : memref<64x6144xf32, #tpu.memory_space<vmem>>, vector<64x6144xf32>
      tpu.vector_store %arg9[%swap3A, %swap3A_93], %get3A_92 {strides = array<i32>} : memref<64x6144xf32, #tpu.memory_space<vmem>>, vector<64x6144xf32>,
    } else {
    }
    %lt3A_62 = arith.constant 56 : i32
    %lt3A_63 = arith.cmpi slt, %arg0, %lt3A_62 : i32
    %jit3A_64 = arith.constant 4 : i32
    %eq3A_65 = arith.constant 0 : i32
    %eq3A_66 = arith.cmpi eq, %jit3A_64, %eq3A_65 : i32
    %jit3A_67 = arith.constant 1 : i32
    %select_n3A_68 = arith.select %eq3A_66, %jit3A_67, %jit3A_64 : i32
    %rem3A_69 = arith.remsi %arg0, %select_n3A_68 : i32
    %ne3A_70 = arith.constant 0 : i32
    %ne3A_71 = arith.cmpi ne, %rem3A_69, %ne3A_70 : i32
    %lt3A_72 = arith.constant 0 : i32
    %lt3A_73 = arith.cmpi slt, %rem3A_69, %lt3A_72 : i32
    %lt3A_74 = arith.constant 0 : i32
    %lt3A_75 = arith.cmpi slt, %select_n3A_68, %lt3A_74 : i32
    %ne3A_76 = arith.xori %lt3A_73, %lt3A_75 : i1
    %and3A_77 = arith.andi %ne3A_76, %ne3A_71 : i1
    %add3A_78 = arith.addi %rem3A_69, %select_n3A_68 : i32
    %select_n3A_79 = arith.select %and3A_77, %add3A_78, %rem3A_69 : i32
    %eq3A_80 = arith.constant 3 : i32
    %eq3A_81 = arith.cmpi eq, %select_n3A_79, %eq3A_80 : i32
    %and3A_82 = arith.andi %lt3A_63, %eq3A_81 : i1
    %convert_element_type3A_83 = arith.extui %and3A_82 : i1 to i32
    %cond3A_84 = arith.constant 0 : i32
    %cond3A_85 = arith.cmpi ne, %convert_element_type3A_83, %cond3A_84 : i32
    scf.if %cond3A_85 {
      %get3A = arith.constant 0 : index
      %get3A_91 = arith.constant 0 : index
      %get3A_92 = vector.load %arg12[%get3A, %get3A_91] : memref<64x6144xf32, #tpu.memory_space<vmem>>, vector<64x6144xf32>
      %swap3A = arith.constant 0 : index
      %swap3A_93 = arith.constant 0 : index
      %swap3A_94 = vector.load %arg9[%swap3A, %swap3A_93] : memref<64x6144xf32, #tpu.memory_space<vmem>>, vector<64x6144xf32>
      tpu.vector_store %arg9[%swap3A, %swap3A_93], %get3A_92 {strides = array<i32>} : memref<64x6144xf32, #tpu.memory_space<vmem>>, vector<64x6144xf32>,
    } else {
    }
    %eq3A_86 = arith.constant 56 : i32
    %eq3A_87 = arith.cmpi eq, %arg0, %eq3A_86 : i32
    %convert_element_type3A_88 = arith.extui %eq3A_87 : i1 to i32
    %cond3A_89 = arith.constant 0 : i32
    %cond3A_90 = arith.cmpi ne, %convert_element_type3A_88, %cond3A_89 : i32
    scf.if %cond3A_90 {
      %get3A = arith.constant 0 : index
      %get3A_91 = arith.constant 0 : index
      %get3A_92 = vector.load %arg8[%get3A, %get3A_91] : memref<64x6144xf32, #tpu.memory_space<vmem>>, vector<64x6144xf32>
      %swap3A = arith.constant 0 : index
      %swap3A_93 = arith.constant 0 : index
      %swap3A_94 = vector.load %arg9[%swap3A, %swap3A_93] : memref<64x6144xf32, #tpu.memory_space<vmem>>, vector<64x6144xf32>
      tpu.vector_store %arg9[%swap3A, %swap3A_93], %get3A_92 {strides = array<i32>} : memref<64x6144xf32, #tpu.memory_space<vmem>>, vector<64x6144xf32>,
    } else {
    }
    return
  }
  func.func @transform_0(%arg0: i32) -> (i32, i32) {
    %jit3A = arith.constant 4 : i32
    %div3A = arith.divsi %arg0, %jit3A : i32
    %sign3A = arith.constant 0 : i32
    %sign3A_0 = arith.cmpi sgt, %arg0, %sign3A : i32
    %sign3A_1 = arith.extui %sign3A_0 : i1 to i32
    %sign3A_2 = arith.constant 0 : i32
    %sign3A_3 = arith.cmpi slt, %arg0, %sign3A_2 : i32
    %sign3A_4 = arith.extui %sign3A_3 : i1 to i32
    %sign3A_5 = arith.subi %sign3A_1, %sign3A_4 : i32
    %sign3A_6 = arith.constant 0 : i32
    %sign3A_7 = arith.cmpi sgt, %jit3A, %sign3A_6 : i32
    %sign3A_8 = arith.extui %sign3A_7 : i1 to i32
    %sign3A_9 = arith.constant 0 : i32
    %sign3A_10 = arith.cmpi slt, %jit3A, %sign3A_9 : i32
    %sign3A_11 = arith.extui %sign3A_10 : i1 to i32
    %sign3A_12 = arith.subi %sign3A_8, %sign3A_11 : i32
    %ne3A = arith.cmpi ne, %sign3A_5, %sign3A_12 : i32
    %rem3A = arith.remsi %arg0, %jit3A : i32
    %ne3A_13 = arith.constant 0 : i32
    %ne3A_14 = arith.cmpi ne, %rem3A, %ne3A_13 : i32
    %and3A = arith.andi %ne3A, %ne3A_14 : i1
    %sub3A = arith.constant 1 : i32
    %sub3A_15 = arith.subi %div3A, %sub3A : i32
    %select_n3A = arith.select %and3A, %sub3A_15, %div3A : i32
    %min3A = arith.constant 13 : i32
    %min3A_16 = arith.minsi %select_n3A, %min3A : i32
    %c0_i32 = arith.constant 0 : i32
    %c0_i32_17 = arith.constant 0 : i32
    return %c0_i32, %min3A_16 : i32, i32
  }
  func.func @transform_1(%arg0: i32) -> (i32, i32) {
    %jit3A = arith.constant 4 : i32
    %div3A = arith.divsi %arg0, %jit3A : i32
    %sign3A = arith.constant 0 : i32
    %sign3A_0 = arith.cmpi sgt, %arg0, %sign3A : i32
    %sign3A_1 = arith.extui %sign3A_0 : i1 to i32
    %sign3A_2 = arith.constant 0 : i32
    %sign3A_3 = arith.cmpi slt, %arg0, %sign3A_2 : i32
    %sign3A_4 = arith.extui %sign3A_3 : i1 to i32
    %sign3A_5 = arith.subi %sign3A_1, %sign3A_4 : i32
    %sign3A_6 = arith.constant 0 : i32
    %sign3A_7 = arith.cmpi sgt, %jit3A, %sign3A_6 : i32
    %sign3A_8 = arith.extui %sign3A_7 : i1 to i32
    %sign3A_9 = arith.constant 0 : i32
    %sign3A_10 = arith.cmpi slt, %jit3A, %sign3A_9 : i32
    %sign3A_11 = arith.extui %sign3A_10 : i1 to i32
    %sign3A_12 = arith.subi %sign3A_8, %sign3A_11 : i32
    %ne3A = arith.cmpi ne, %sign3A_5, %sign3A_12 : i32
    %rem3A = arith.remsi %arg0, %jit3A : i32
    %ne3A_13 = arith.constant 0 : i32
    %ne3A_14 = arith.cmpi ne, %rem3A, %ne3A_13 : i32
    %and3A = arith.andi %ne3A, %ne3A_14 : i1
    %sub3A = arith.constant 1 : i32
    %sub3A_15 = arith.subi %div3A, %sub3A : i32
    %select_n3A = arith.select %and3A, %sub3A_15, %div3A : i32
    %min3A = arith.constant 13 : i32
    %min3A_16 = arith.minsi %select_n3A, %min3A : i32
    %c0_i32 = arith.constant 0 : i32
    %c0_i32_17 = arith.constant 0 : i32
    return %c0_i32, %min3A_16 : i32, i32
  }
  func.func @transform_2(%arg0: i32) -> (i32, i32, i32) {
    %jit3A = arith.constant 4 : i32
    %div3A = arith.divsi %arg0, %jit3A : i32
    %sign3A = arith.constant 0 : i32
    %sign3A_0 = arith.cmpi sgt, %arg0, %sign3A : i32
    %sign3A_1 = arith.extui %sign3A_0 : i1 to i32
    %sign3A_2 = arith.constant 0 : i32
    %sign3A_3 = arith.cmpi slt, %arg0, %sign3A_2 : i32
    %sign3A_4 = arith.extui %sign3A_3 : i1 to i32
    %sign3A_5 = arith.subi %sign3A_1, %sign3A_4 : i32
    %sign3A_6 = arith.constant 0 : i32
    %sign3A_7 = arith.cmpi sgt, %jit3A, %sign3A_6 : i32
    %sign3A_8 = arith.extui %sign3A_7 : i1 to i32
    %sign3A_9 = arith.constant 0 : i32
    %sign3A_10 = arith.cmpi slt, %jit3A, %sign3A_9 : i32
    %sign3A_11 = arith.extui %sign3A_10 : i1 to i32
    %sign3A_12 = arith.subi %sign3A_8, %sign3A_11 : i32
    %ne3A = arith.cmpi ne, %sign3A_5, %sign3A_12 : i32
    %rem3A = arith.remsi %arg0, %jit3A : i32
    %ne3A_13 = arith.constant 0 : i32
    %ne3A_14 = arith.cmpi ne, %rem3A, %ne3A_13 : i32
    %and3A = arith.andi %ne3A, %ne3A_14 : i1
    %sub3A = arith.constant 1 : i32
    %sub3A_15 = arith.subi %div3A, %sub3A : i32
    %select_n3A = arith.select %and3A, %sub3A_15, %div3A : i32
    %min3A = arith.constant 13 : i32
    %min3A_16 = arith.minsi %select_n3A, %min3A : i32
    %c0_i32 = arith.constant 0 : i32
    %c0_i32_17 = arith.constant 0 : i32
    %c0_i32_18 = arith.constant 0 : i32
    return %min3A_16, %c0_i32, %c0_i32_17 : i32, i32, i32
  }
  func.func @transform_3(%arg0: i32) -> (i32, i32) {
    %jit3A = arith.constant 4 : i32
    %div3A = arith.divsi %arg0, %jit3A : i32
    %sign3A = arith.constant 0 : i32
    %sign3A_0 = arith.cmpi sgt, %arg0, %sign3A : i32
    %sign3A_1 = arith.extui %sign3A_0 : i1 to i32
    %sign3A_2 = arith.constant 0 : i32
    %sign3A_3 = arith.cmpi slt, %arg0, %sign3A_2 : i32
    %sign3A_4 = arith.extui %sign3A_3 : i1 to i32
    %sign3A_5 = arith.subi %sign3A_1, %sign3A_4 : i32
    %sign3A_6 = arith.constant 0 : i32
    %sign3A_7 = arith.cmpi sgt, %jit3A, %sign3A_6 : i32
    %sign3A_8 = arith.extui %sign3A_7 : i1 to i32
    %sign3A_9 = arith.constant 0 : i32
    %sign3A_10 = arith.cmpi slt, %jit3A, %sign3A_9 : i32
    %sign3A_11 = arith.extui %sign3A_10 : i1 to i32
    %sign3A_12 = arith.subi %sign3A_8, %sign3A_11 : i32
    %ne3A = arith.cmpi ne, %sign3A_5, %sign3A_12 : i32
    %rem3A = arith.remsi %arg0, %jit3A : i32
    %ne3A_13 = arith.constant 0 : i32
    %ne3A_14 = arith.cmpi ne, %rem3A, %ne3A_13 : i32
    %and3A = arith.andi %ne3A, %ne3A_14 : i1
    %sub3A = arith.constant 1 : i32
    %sub3A_15 = arith.subi %div3A, %sub3A : i32
    %select_n3A = arith.select %and3A, %sub3A_15, %div3A : i32
    %min3A = arith.constant 13 : i32
    %min3A_16 = arith.minsi %select_n3A, %min3A : i32
    %add3A = arith.constant 14 : i32
    %add3A_17 = arith.addi %add3A, %min3A_16 : i32
    %c0_i32 = arith.constant 0 : i32
    %c0_i32_18 = arith.constant 0 : i32
    return %c0_i32, %add3A_17 : i32, i32
  }
  func.func @transform_4(%arg0: i32) -> (i32, i32) {
    %jit3A = arith.constant 4 : i32
    %div3A = arith.divsi %arg0, %jit3A : i32
    %sign3A = arith.constant 0 : i32
    %sign3A_0 = arith.cmpi sgt, %arg0, %sign3A : i32
    %sign3A_1 = arith.extui %sign3A_0 : i1 to i32
    %sign3A_2 = arith.constant 0 : i32
    %sign3A_3 = arith.cmpi slt, %arg0, %sign3A_2 : i32
    %sign3A_4 = arith.extui %sign3A_3 : i1 to i32
    %sign3A_5 = arith.subi %sign3A_1, %sign3A_4 : i32
    %sign3A_6 = arith.constant 0 : i32
    %sign3A_7 = arith.cmpi sgt, %jit3A, %sign3A_6 : i32
    %sign3A_8 = arith.extui %sign3A_7 : i1 to i32
    %sign3A_9 = arith.constant 0 : i32
    %sign3A_10 = arith.cmpi slt, %jit3A, %sign3A_9 : i32
    %sign3A_11 = arith.extui %sign3A_10 : i1 to i32
    %sign3A_12 = arith.subi %sign3A_8, %sign3A_11 : i32
    %ne3A = arith.cmpi ne, %sign3A_5, %sign3A_12 : i32
    %rem3A = arith.remsi %arg0, %jit3A : i32
    %ne3A_13 = arith.constant 0 : i32
    %ne3A_14 = arith.cmpi ne, %rem3A, %ne3A_13 : i32
    %and3A = arith.andi %ne3A, %ne3A_14 : i1
    %sub3A = arith.constant 1 : i32
    %sub3A_15 = arith.subi %div3A, %sub3A : i32
    %select_n3A = arith.select %and3A, %sub3A_15, %div3A : i32
    %min3A = arith.constant 13 : i32
    %min3A_16 = arith.minsi %select_n3A, %min3A : i32
    %add3A = arith.constant 14 : i32
    %add3A_17 = arith.addi %add3A, %min3A_16 : i32
    %c0_i32 = arith.constant 0 : i32
    %c0_i32_18 = arith.constant 0 : i32
    return %c0_i32, %add3A_17 : i32, i32
  }
  func.func @transform_5(%arg0: i32) -> (i32, i32, i32) {
    %jit3A = arith.constant 4 : i32
    %div3A = arith.divsi %arg0, %jit3A : i32
    %sign3A = arith.constant 0 : i32
    %sign3A_0 = arith.cmpi sgt, %arg0, %sign3A : i32
    %sign3A_1 = arith.extui %sign3A_0 : i1 to i32
    %sign3A_2 = arith.constant 0 : i32
    %sign3A_3 = arith.cmpi slt, %arg0, %sign3A_2 : i32
    %sign3A_4 = arith.extui %sign3A_3 : i1 to i32
    %sign3A_5 = arith.subi %sign3A_1, %sign3A_4 : i32
    %sign3A_6 = arith.constant 0 : i32
    %sign3A_7 = arith.cmpi sgt, %jit3A, %sign3A_6 : i32
    %sign3A_8 = arith.extui %sign3A_7 : i1 to i32
    %sign3A_9 = arith.constant 0 : i32
    %sign3A_10 = arith.cmpi slt, %jit3A, %sign3A_9 : i32
    %sign3A_11 = arith.extui %sign3A_10 : i1 to i32
    %sign3A_12 = arith.subi %sign3A_8, %sign3A_11 : i32
    %ne3A = arith.cmpi ne, %sign3A_5, %sign3A_12 : i32
    %rem3A = arith.remsi %arg0, %jit3A : i32
    %ne3A_13 = arith.constant 0 : i32
    %ne3A_14 = arith.cmpi ne, %rem3A, %ne3A_13 : i32
    %and3A = arith.andi %ne3A, %ne3A_14 : i1
    %sub3A = arith.constant 1 : i32
    %sub3A_15 = arith.subi %div3A, %sub3A : i32
    %select_n3A = arith.select %and3A, %sub3A_15, %div3A : i32
    %min3A = arith.constant 13 : i32
    %min3A_16 = arith.minsi %select_n3A, %min3A : i32
    %add3A = arith.constant 14 : i32
    %add3A_17 = arith.addi %add3A, %min3A_16 : i32
    %c0_i32 = arith.constant 0 : i32
    %c0_i32_18 = arith.constant 0 : i32
    %c0_i32_19 = arith.constant 0 : i32
    return %add3A_17, %c0_i32, %c0_i32_18 : i32, i32, i32
  }
  func.func @transform_6(%arg0: i32) -> (i32, i32) {
    %jit3A = arith.constant 4 : i32
    %div3A = arith.divsi %arg0, %jit3A : i32
    %sign3A = arith.constant 0 : i32
    %sign3A_0 = arith.cmpi sgt, %arg0, %sign3A : i32
    %sign3A_1 = arith.extui %sign3A_0 : i1 to i32
    %sign3A_2 = arith.constant 0 : i32
    %sign3A_3 = arith.cmpi slt, %arg0, %sign3A_2 : i32
    %sign3A_4 = arith.extui %sign3A_3 : i1 to i32
    %sign3A_5 = arith.subi %sign3A_1, %sign3A_4 : i32
    %sign3A_6 = arith.constant 0 : i32
    %sign3A_7 = arith.cmpi sgt, %jit3A, %sign3A_6 : i32
    %sign3A_8 = arith.extui %sign3A_7 : i1 to i32
    %sign3A_9 = arith.constant 0 : i32
    %sign3A_10 = arith.cmpi slt, %jit3A, %sign3A_9 : i32
    %sign3A_11 = arith.extui %sign3A_10 : i1 to i32
    %sign3A_12 = arith.subi %sign3A_8, %sign3A_11 : i32
    %ne3A = arith.cmpi ne, %sign3A_5, %sign3A_12 : i32
    %rem3A = arith.remsi %arg0, %jit3A : i32
    %ne3A_13 = arith.constant 0 : i32
    %ne3A_14 = arith.cmpi ne, %rem3A, %ne3A_13 : i32
    %and3A = arith.andi %ne3A, %ne3A_14 : i1
    %sub3A = arith.constant 1 : i32
    %sub3A_15 = arith.subi %div3A, %sub3A : i32
    %select_n3A = arith.select %and3A, %sub3A_15, %div3A : i32
    %min3A = arith.constant 13 : i32
    %min3A_16 = arith.minsi %select_n3A, %min3A : i32
    %c0_i32 = arith.constant 0 : i32
    %c0_i32_17 = arith.constant 0 : i32
    return %min3A_16, %c0_i32 : i32, i32
  }
  func.func @transform_7(%arg0: i32) -> (i32, i32) {
    %c0_i32 = arith.constant 0 : i32
    %c0_i32_0 = arith.constant 0 : i32
    %c0_i32_1 = arith.constant 0 : i32
    return %c0_i32, %c0_i32_0 : i32, i32
  }
  func.func @transform_8(%arg0: i32) -> (i32, i32) {
    %eq3A = arith.constant 56 : i32
    %eq3A_0 = arith.cmpi eq, %arg0, %eq3A : i32
    %jit3A = arith.constant 4 : i32
    %eq3A_1 = arith.constant 0 : i32
    %eq3A_2 = arith.cmpi eq, %jit3A, %eq3A_1 : i32
    %jit3A_3 = arith.constant 1 : i32
    %select_n3A = arith.select %eq3A_2, %jit3A_3, %jit3A : i32
    %rem3A = arith.remsi %arg0, %select_n3A : i32
    %ne3A = arith.constant 0 : i32
    %ne3A_4 = arith.cmpi ne, %rem3A, %ne3A : i32
    %lt3A = arith.constant 0 : i32
    %lt3A_5 = arith.cmpi slt, %rem3A, %lt3A : i32
    %lt3A_6 = arith.constant 0 : i32
    %lt3A_7 = arith.cmpi slt, %select_n3A, %lt3A_6 : i32
    %ne3A_8 = arith.xori %lt3A_5, %lt3A_7 : i1
    %and3A = arith.andi %ne3A_8, %ne3A_4 : i1
    %add3A = arith.addi %rem3A, %select_n3A : i32
    %select_n3A_9 = arith.select %and3A, %add3A, %rem3A : i32
    %mul3A = arith.constant 14 : i32
    %mul3A_10 = arith.muli %select_n3A_9, %mul3A : i32
    %jit3A_11 = arith.constant 4 : i32
    %div3A = arith.divsi %arg0, %jit3A_11 : i32
    %sign3A = arith.constant 0 : i32
    %sign3A_12 = arith.cmpi sgt, %arg0, %sign3A : i32
    %sign3A_13 = arith.extui %sign3A_12 : i1 to i32
    %sign3A_14 = arith.constant 0 : i32
    %sign3A_15 = arith.cmpi slt, %arg0, %sign3A_14 : i32
    %sign3A_16 = arith.extui %sign3A_15 : i1 to i32
    %sign3A_17 = arith.subi %sign3A_13, %sign3A_16 : i32
    %sign3A_18 = arith.constant 0 : i32
    %sign3A_19 = arith.cmpi sgt, %jit3A_11, %sign3A_18 : i32
    %sign3A_20 = arith.extui %sign3A_19 : i1 to i32
    %sign3A_21 = arith.constant 0 : i32
    %sign3A_22 = arith.cmpi slt, %jit3A_11, %sign3A_21 : i32
    %sign3A_23 = arith.extui %sign3A_22 : i1 to i32
    %sign3A_24 = arith.subi %sign3A_20, %sign3A_23 : i32
    %ne3A_25 = arith.cmpi ne, %sign3A_17, %sign3A_24 : i32
    %rem3A_26 = arith.remsi %arg0, %jit3A_11 : i32
    %ne3A_27 = arith.constant 0 : i32
    %ne3A_28 = arith.cmpi ne, %rem3A_26, %ne3A_27 : i32
    %and3A_29 = arith.andi %ne3A_25, %ne3A_28 : i1
    %sub3A = arith.constant 1 : i32
    %sub3A_30 = arith.subi %div3A, %sub3A : i32
    %select_n3A_31 = arith.select %and3A_29, %sub3A_30, %div3A : i32
    %add3A_32 = arith.addi %mul3A_10, %select_n3A_31 : i32
    %jit3A_33 = arith.constant 56 : i32
    %select_n3A_34 = arith.select %eq3A_0, %jit3A_33, %add3A_32 : i32
    %c0_i32 = arith.constant 0 : i32
    %c0_i32_35 = arith.constant 0 : i32
    return %c0_i32, %select_n3A_34 : i32, i32
  }
}

</mosaic_0001>

<sc_bundles>
// kernel: kernel.10.cloned.1.call-start
scs
__scs_entry_jumppad:
0x0: {  	(pc) =	sbr.rel $0x88, $3  }
0x1: {  	(tag) =	ssettag $0x0;
	lr =	simm.s32 $0x1  }
0x2: {  	[smem:$0x3F97] =	sst lr;
	_ =	strace $0xD0000000  }
0x3: {  	_ = 	snop  }
0x4: {  	_ = 	snop  }
0x5: {  	_ = 	snop  }
0x6: {  	_ = 	snop  }
0x7: {  	_ = 	snop  }
__scs_overlays_trampoline_lowered:
0x8: {  	[smem:$0x3FA6] =	sst s0  }
0x9: {  	[smem:$0x3FA7] =	sst s1  }
0xa: {  	[smem:$0x3FA8] =	sst s2  }
0xb: {  	[smem:$0x3FA9] =	sst s3  }
0xc: {  	[smem:$0x3FAA] =	sst s4  }
0xd: {  	[smem:$0x3FAB] =	sst s5  }
0xe: {  	[smem:$0x3FAC] =	sst s6  }
0xf: {  	[smem:$0x3FAD] =	sst s7  }
0x10: {  	[smem:$0x3FAE] =	sst s8  }
0x11: {  	[smem:$0x3FAF] =	sst s9;
	s0 =	simm.s32 @!p0 $0x0  }
0x12: {  	s1 =	sld [smem:$0x3F95];
	s0 =	simm.s32 @p0 $0x1  }
0x13: {  	[smem:$0x3FB0] =	sst s0;
	s0 =	simm.s32 @!p1 $0x0  }
0x14: {  	s2 =	sld [smem:$0x3F94];
	s0 =	simm.s32 @p1 $0x1  }
0x15: {  	[smem:$0x3FB1] =	sst s0;
	s0 =	simm.s32 @!p2 $0x0  }
0x16: {  	s3 =	sld [smem:$0x3FDB];
	s0 =	simm.s32 @p2 $0x1  }
0x17: {  	s4 =	simm.s32 $0x1BF5;
	[smem:$0x3FB3] =	sst s0  }
0x18: {  	s0 =	sld [smem:$0x3F96];
	_ =	swait.ge [sflag:s4], $0x0  }
0x19: {  	s7 =	sld [smem:$0x3F97]  }
0x1a: {  	s8 =	sadd.s32 $0xFFFFE003, lr  }
0x1b: {  	s9 =	sadd.s32 $0xFFFFFEF7, lr;
	s5 =	simm.s32 $0xFFFFFFFF;
	p2 =	slt.u32 s8, $0xFFFFF086  }
0x1c: {  	p1 =	slt.u32 s9, $0xF7A;
	s5 =	simm.s32 @!p2 $0x0  }
0x1d: {  	s5 =	simm.s32 @p1 $0x1;
	p0 =	seq.s32 s7, s2  }
0x1e: {  	s7 =	smul.u32 @!p0 $0xF7A, s2;
	p2 =	seq.s32 @!p0 s5, $0x0  }
0x1f: {  	s9 =	smul.u32 $0xF7A, s1;
	s8 =	simm.s32 @!p0 $0x1BF5;
	p2 =	por !p2, p0  }
0x20: {  	[sflag:s8] =	ssyncset.s32 @!p0 $0xFFFFF086;
	s6 =	sadd.s32 @!p0 s3, s7;
	s7 =	simm.s32 @!p0 $0x108  }
0x21: {  	s3 =	sadd.s32 s3, s9;
	s6 =	sadd.s32 @!p0 $0x88, s6;
	s7 =	simm.s32 @p2 $0x1082  }
0x22: {  	[simem:s7], [sflag:s8] =	dma.local @!p0 [hbm:s6], $0xF7A  }
0x23: {  	s9 =	sor.u32 $0xD0000000, s2;
	s6 =	simm.s32 $0x108;
	_ =	swait.ge @!p0 [sflag:s8], $0x0  }
0x24: {  	s3 =	sadd.s32 $0x88, s3;
	s6 =	simm.s32 @!p1 $0x1082;
	[sflag:s4] =	ssyncset.s32 $0xFFFFF086  }
0x25: {  	[simem:s6], [sflag:s4] =	dma.local [hbm:s3], $0xF7A  }
0x26: {  	[smem:$0x3F97] =	sst s1;
	(tag) =	ssettag s2;
	_ =	strace s9  }
0x27: {  	s1 =	sld [smem:$0x3FA7]  }
0x28: {  	s2 =	sld [smem:$0x3FA8]  }
0x29: {  	s4 =	sld [smem:$0x3FAA]  }
0x2a: {  	p0 =	seq.s32 s5, $0x0;
	s5 =	sld [smem:$0x3FAB]  }
0x2b: {  	s6 =	sld [smem:$0x3FAC]  }
0x2c: {  	s7 =	sld [smem:$0x3FAD]  }
0x2d: {  	s3 =	simm.s32 $0x108;
	s8 =	sld [smem:$0x3FAE]  }
0x2e: {  	s3 =	simm.s32 @!p0 $0x1082;
	s9 =	sld [smem:$0x3FAF]  }
0x2f: {  	lr =	sadd.s32 s0, s3;
	s0 =	sld [smem:$0x3FA6]  }
0x30: {  	s3 =	sld [smem:$0x3FA9]  }
0x31: {  	[smem:$0x3FB2] =	sst s10  }
0x32: {  	s10 =	sld [smem:$0x3FB0];
	_ =	sdelay $0x3  }
0x33: {  	p0 =	seq.s32 s10, $0x1;
	s10 =	sld [smem:$0x3FB2];
	_ =	sdelay $0x3  }
0x34: {  	[smem:$0x3FB2] =	sst s10  }
0x35: {  	s10 =	sld [smem:$0x3FB1];
	_ =	sdelay $0x3  }
0x36: {  	p1 =	seq.s32 s10, $0x1;
	s10 =	sld [smem:$0x3FB2];
	_ =	sdelay $0x3  }
0x37: {  	[smem:$0x3FB2] =	sst s10  }
0x38: {  	s10 =	sld [smem:$0x3FB3]  }
0x39: {  	_ = 	snop;
	(pc) =	sbr.ind lr, $3  }
0x3a: {  	_ = 	snop  }
0x3b: {  	_ = 	snop  }
0x3c: {  	p2 =	seq.s32 s10, $0x1;
	s10 =	sld [smem:$0x3FB2]  }
0x3d: {  	_ =	shalt  }
0x3e: {  	_ =	shalt  }
0x3f: {  	_ =	shalt  }
0x40: {  	_ =	shalt  }
0x41: {  	_ =	shalt  }
0x42: {  	_ =	shalt  }
0x43: {  	_ =	shalt  }
0x44: {  	_ =	shalt  }
0x45: {  	_ =	shalt  }
0x46: {  	_ =	shalt  }
0x47: {  	_ =	shalt  }
0x48: {  	_ =	shalt  }
0x49: {  	_ =	shalt  }
0x4a: {  	_ =	shalt  }
0x4b: {  	_ =	shalt  }
0x4c: {  	_ =	shalt  }
0x4d: {  	_ =	shalt  }
0x4e: {  	_ =	shalt  }
0x4f: {  	_ =	shalt  }
0x50: {  	_ =	shalt  }
0x51: {  	_ =	shalt  }
0x52: {  	_ =	shalt  }
0x53: {  	_ =	shalt  }
0x54: {  	_ =	shalt  }
0x55: {  	_ =	shalt  }
0x56: {  	_ =	shalt  }
0x57: {  	_ =	shalt  }
0x58: {  	_ =	shalt  }
0x59: {  	_ =	shalt  }
0x5a: {  	_ =	shalt  }
0x5b: {  	_ =	shalt  }
0x5c: {  	_ =	shalt  }
0x5d: {  	_ =	shalt  }
0x5e: {  	_ =	shalt  }
0x5f: {  	_ =	shalt  }
0x60: {  	_ =	shalt  }
0x61: {  	_ =	shalt  }
0x62: {  	_ =	shalt  }
0x63: {  	_ =	shalt  }
0x64: {  	_ =	shalt  }
0x65: {  	_ =	shalt  }
0x66: {  	_ =	shalt  }
0x67: {  	_ =	shalt  }
0x68: {  	_ =	shalt  }
0x69: {  	_ =	shalt  }
0x6a: {  	_ =	shalt  }
0x6b: {  	_ =	shalt  }
0x6c: {  	_ =	shalt  }
0x6d: {  	_ =	shalt  }
0x6e: {  	_ =	shalt  }
0x6f: {  	_ =	shalt  }
0x70: {  	_ =	shalt  }
0x71: {  	_ =	shalt  }
0x72: {  	_ =	shalt  }
0x73: {  	_ =	shalt  }
0x74: {  	_ =	shalt  }
0x75: {  	_ =	shalt  }
0x76: {  	_ =	shalt  }
0x77: {  	_ =	shalt  }
0x78: {  	_ =	shalt  }
0x79: {  	_ =	shalt  }
0x7a: {  	_ =	shalt  }
0x7b: {  	_ =	shalt  }
0x7c: {  	_ =	shalt  }
0x7d: {  	_ =	shalt  }
0x7e: {  	_ =	shalt  }
0x7f: {  	_ =	shalt  }
0x80: {  	_ =	shalt  }
0x81: {  	_ =	shalt  }
0x82: {  	_ =	shalt  }
0x83: {  	_ =	shalt  }
0x84: {  	_ =	shalt  }
0x85: {  	_ =	shalt  }
0x86: {  	_ =	shalt  }
0x87: {  	_ =	shalt  }
.Lfunc_end0:
.L_simem_size_0:
called_computation.1_lowered:
.L_overlay_start_0:
0x88: {  	s2 =	sld [smem:$0x3FD9]  }
0x89: {  	s3 =	sld [smem:$0x3FFE];
	_ =	sdelay $0x1  }
0x8a: {  	s1 =	srdreg.scid  }
0x8b: {  	s0 =	sand.u32 $0x1, s1  }
0x8c: {  	s17 =	sshll.u32 s0, $0xA;
	s2 =	sadd.s32 s3, s2  }
0x8d: {  	s2 =	sadd.s32 s2, s17  }
0x8e: {  	[smem:$0x3FBE] =	sst s2  }
0x8f: {  	_ = 	snop  }
0x90: {  	s2 =	sld [smem:$0x3FD0];
	(tm) =	ssettm $0x1  }
0x91: {  	s18 =	sld [smem:$0x3FFB];
	_ =	sdelay $0x3  }
0x92: {  	_ =	strace s18  }
0x93: {  	s3 =	sld [smem:$0x3FFC];
	_ =	sdelay $0x3  }
0x94: {  	_ =	strace s3  }
0x95: {  	s3 =	sld [smem:$0x3FFD];
	_ =	sdelay $0x3  }
0x96: {  	_ =	strace s3  }
0x97: {  	_ =	strace $0x8FFFFFFF  }
0x98: {  	s19 =	sld [smem:$0x3FDB];
	_ =	sdelay $0x1  }
0x99: {  	s4 =	simm.s32 $_scs_section_size  }
0x9a: {  	s5 =	simm.s32 $_size__tile_overlayer_lowered;
	s6 =	simm.s32 $_tile_overlayer_lowered  }
0x9b: {  	s22 =	simm.s32 $0x1BFF;
	s21 =	sshll.u32 s6, $0x1;
	s3 =	sadd.s32 s4, s19  }
0x9c: {  	s7 =	simm.s32 $0x0;
	s20 =	sshll.u32 s5, $0x1;
	s5 =	sadd.s32 s21, s3  }
0x9d: {  	[timem:s7], [sflag:s22] =	dma.local [hbm:s5], s20  }
0x9e: {  	_ =	swait.ge [sflag:s22], s20  }
0x9f: {  	s4 =	ssub.s32 $0x0, s20;
	[sflag:s22] =	ssyncset.done $0x0  }
0xa0: {  	[sflag:s22] =	ssyncadd.s32 s4;
	_ =	sdelay $0x1  }
0xa1: {  	s23 =	simm.s32 $0x1B8B  }
0xa2: {  	_ =	swait.ge [sflag:s23], $0x1  }
0xa3: {  	[sflag:s23] =	ssyncset.done $0x0  }
0xa4: {  	s25 =	simm.s32 $0x1B8E;
	s24 =	sld [smem:$0x3FFE];
	[sflag:s23] =	ssyncadd.s32 $0xFFFFFFFF  }
0xa5: {  	s26 =	simm.s32 $execute0_lowered;
	[smem:$0x3FD2] =	sst s25  }
0xa6: {  	s5 =	sshll.u32 s26, $0x1;
	_ =	strace $0x80000049;
	[dreg:$0x1] =	wrdreg $0xFFFFFFFF  }
0xa7: {  	s28 =	simm.s32 $_size_execute0_lowered;
	s3 =	sadd.s32 s3, s5;
	[dreg:$0x0] =	wrdreg $0x0  }
0xa8: {  	s5 =	sshll.u32 s28, $0x1;
	[dreg:$0x2] =	wrdreg s3  }
0xa9: {  	[dreg:$0x3] =	wrdreg s5  }
0xaa: {  	[dreg:$0x4] =	wrdreg $0xC0  }
0xab: {  	_ =	task [dreg:s7], $0x5FFFF  }
0xac: {  	[dreg:$0x1] =	wrdreg $0xFFFFFFFF  }
0xad: {  	[dreg:$0x0] =	wrdreg $0x60  }
0xae: {  	[dreg:$0x2] =	wrdreg s2  }
0xaf: {  	[dreg:$0x3] =	wrdreg s24  }
0xb0: {  	[dreg:$0x4] =	wrdreg $0xC3000  }
0xb1: {  	[dreg:$0x5] =	wrdreg $0x9  }
0xb2: {  	_ =	task.clear_ibuf [dreg:s7], $0x6FFFF;
	_ =	strace $0x90000049  }
0xb3: {  	s29 =	simm.s32 $0x9;
	_ =	strace $0x8000004B  }
0xb4: {  	_ =	swait.ge [sflag:s29], $0x1  }
0xb5: {  	[sflag:s29] =	ssyncadd.s32 $0xFFFFFFFF  }
0xb6: {  	_ =	strace $0x9000004B  }
0xb7: {  	_ =	sfence  }
0xb8: {  	s30 =	sld [smem:$0x0];
	_ =	sdelay $0x2  }
0xb9: {  	s31 =	sshll.u32 s1, $0xD;
	s1 =	sshrl.u32 s1, $0x2  }
0xba: {  	s3 =	sand.u32 $0x4000, s31;
	s1 =	sadd.s32 s1, s30  }
0xbb: {  	s0 =	sor.u32 s3, s0;
	s1 =	sshll.u32 s1, $0x11  }
0xbc: {  	s0 =	sor.u32 s1, s0  }
0xbd: {  	s0 =	sadd.s32 $0x8F2B, s0  }
0xbe: {  	[sflag:s0] =	ssyncadd.remote.s32 $0x1  }
0xbf: {  	_ =	sfence.sel $0xFFFF  }
0xc0: {  	[dreg:$0x0] =	wrdreg $0xFFFFFFFF;
	(pc) =	sbr.abs _section_cstart, $3  }
0xc1: {  	[dreg:$0x1] =	wrdreg $0xFFFFFFFF  }
0xc2: {  	_ =	task.clear_ibuf [dreg:s7], $0x2FFFF;
	_ =	strace $0x9FFFFFFF  }
0xc3: {  	(tm) =	ssettm $0x7FFFFFFF  }
tec
execute0_lowered:
.L_overlay_start_1:
0x0: {  	(tag) =	ssettag $0x1  }
0x1: {  	s0 =	rddreg [dreg:$0x0]  }
0x2: {  	s1 =	rddreg [dreg:$0x1];
	s3 =	srdreg.scid  }
0x3: {  	s11 =	stileid.u32;
	s2 =	rddreg [dreg:$0x2];
	s12 =	simm.s32 $0x7  }
0x4: {  	s13 =	simm.s32 $0xC000;
	s14 =	simm.s32 $0xC180;
	s15 =	simm.s32 $0x1  }
0x5: {  	s16 =	simm.s32 $0x80;
	s17 =	simm.s32 $0xC080;
	s28 =	simm.s32 $0xC280  }
0x6: {  	s29 =	simm.s32 $0xA000;
	s30 =	simm.s32 $0x4;
	s31 =	simm.s32 $0x5  }
0x7: {  	s4 =	sand.u32 $0x1, s3;
	s5 =	smul.u32 $0x2A00, s11;
	s3 =	simm.s32 $0x0  }
0x8: {  	s8 =	sadd.s32 $0xF400, s1;
	s9 =	sshll.u32 s11, $0x1;
	s18 =	smul.u32 $0x2200, s11  }
0x9: {  	s22 =	sshll.u32 s11, $0x6;
	s6 =	smul.u32 $0x1500, s4;
	[smem:$0x7FF] =	sst s3  }
0xa: {  	s7 =	ssub.s32 $0x2, s4;
	s4 =	sor.u32 s4, s9;
	s23 =	sor.u32 $0x1C07, s22  }
0xb: {  	s22 =	simm.s32 $0x2;
	_ =	strace $0x8000004A;
	s10 =	sshrl.u32 s7, $0x1  }
0xc: {  	s4 =	smul.u32 $0x1500, s4;
	s20 =	sadd.s32 s18, s2;
	s21 =	sshrl.u32 s18, $0x3  }
0xd: {  	[dreg:$0x5] =	wrdreg s23;
	s18 =	simm.s32 $0x2000;
	s23 =	simm.s32 $0x6  }
0xe: {  	s5 =	sadd.s32 s6, s5;
	s19 =	ssub.s32 s7, s10;
	s0 =	sadd.s32 s0, s21  }
0xf: {  	s11 =	sshrl.u32 s20, $0x3;
	s20 =	simm.s32 $0x4000;
	s21 =	simm.s32 $0x3  }
0x10: {  	s6 =	sshll.u32 s5, $0x3;
	[dreg:$0x4] =	wrdreg s0;
	s24 =	sshrl.u32 s4, $0x3  }
.Ltmp0:
0x11: {  	s25 =	smax.u32 s19, $0x1;
	s26 =	sshrl.u32 s5, $0x3;
	(pc) =	sbr.rel .LBB2_1-.Ltmp0, $4  }
0x12: {  	s19 =	simm.s32 $0xC100;
	s1 =	sadd.s32 s6, s1;
	s0 =	sadd.s32 s8, s24  }
0x13: {  	[dreg:$0x7] =	wrdreg s25;
	s8 =	sadd.s32 s26, s8;
	s24 =	simm.s32 $0x6000  }
0x14: {  	s25 =	simm.s32 $0xC200;
	s26 =	simm.s32 $0x8000;
	[dreg:$0x6] =	wrdreg s0  }
0x15: {  	s4 =	sadd.s32 $0x15400, s1;
	s0 =	sadd.s32 $0x14800, s1;
	s1 =	simm.s32 $0x0  }
.LBB2_7:
0x16: {  	_ =	swait.ge [sflag:s31], $0x6000  }
0x17: {  	[sflag:s31] =	ssyncset.done $0x0  }
0x18: {  	[sflag:s31] =	ssyncadd.s32 $0xFFFFA000  }
0x19: {  	_ =	swait.ge [sflag:s23], $0x6000  }
0x1a: {  	s1 =	sadd.s32 $0x1, s1;
	s5 =	rddreg [dreg:$0x7]  }
0x1b: {  	p0 =	sne.s32 s1, s5  }
.Ltmp1:
0x1c: {  	_ = 	snop;
	(pc) =	sbr.rel @!p0 .LBB2_8-.Ltmp1, $3  }
0x1d: {  	_ =	sdelay $0x1  }
0x1e: {  	[sflag:s23] =	ssyncset.done $0x0  }
0x1f: {  	[sflag:s23] =	ssyncadd.s32 $0xFFFFA000  }
.LBB2_1:
0x20: {  	s5 =	rddreg [dreg:$0x4]  }
0x21: {  	s6 =	rddreg [dreg:$0x5]  }
0x22: {  	[spmem:s11], [sflag:s6] =	dma.local [hbm:s5], $0x440  }
0x23: {  	_ =	swait.ge [sflag:s12], $0x440  }
0x24: {  	[sflag:s12] =	ssyncset.done $0x0  }
.Ltmp2:
0x25: {  	[sflag:s12] =	ssyncadd.s32 $0xFFFFFBC0;
	(pc) =	sbr.rel .LBB2_2-.Ltmp2, $4  }
0x26: {  	[bflag:$0x0] =	sbarrier.arrive $0xFFFF  }
0x27: {  	s10 =	rddreg [dreg:$0x6]  }
0x28: {  	[tilespmem:s13], [sflag:$0x1] =	stream.linear.gather [hbm4b:s10+s3], $0x180, $0x38;
	[tilespmem:$0xE500] =	vst v63  }
0x29: {  	s9 =	smov.u32 s4;
	s5 =	simm.s32 $0x0;
	s10 =	smov.u32 s0  }
.LBB2_3:
0x2a: {  	_ =	swait.ge [sflag:s22], $0x180  }
0x2b: {  	[sflag:s22] =	ssyncset.done $0x0  }
0x2c: {  	[sflag:s22] =	ssyncadd.s32 $0xFFFFFE80  }
.LBB2_5:
0x2d: {  	_ =	swait.ge [sflag:s23], $0x6000  }
0x2e: {  	[sflag:s23] =	ssyncset.done $0x0  }
0x2f: {  	[sflag:s23] =	ssyncadd.s32 $0xFFFFA000  }
.LBB2_6:
0x30: {  	[tilespmem:s24], [sflag:$0x4] =	stream.indirect.gather [spmem:s2], $0x40, s14, s16, $0xb8;
	[tilespmem:$0xE500] =	vst v63  }
0x31: {  	_ = 	snop  }
0x32: {  	[tilespmem:s26], [sflag:$0x4] =	stream.indirect.gather [spmem:s2], $0x40, s25, s16, $0xb8;
	[tilespmem:$0xE500] =	vst v63  }
0x33: {  	_ = 	snop  }
0x34: {  	[tilespmem:s29], [sflag:$0x4] =	stream.indirect.gather [spmem:s2], $0x40, s28, s16, $0xb8;
	[tilespmem:$0xE500] =	vst v63  }
0x35: {  	_ =	swait.ge [sflag:s30], $0x2000  }
0x36: {  	[sflag:s30] =	ssyncset.done $0x0  }
0x37: {  	[sflag:s30] =	ssyncadd.s32 $0xFFFFE000  }
0x38: {  	_ =	swait.ge [sflag:s30], $0x2000  }
0x39: {  	s5 =	sadd.s32 $0x60, s5;
	[sflag:s30] =	ssyncset.done $0x0  }
0x3a: {  	p0 =	sne.s32 s5, $0x2A0;
	[sflag:s30] =	ssyncadd.s32 $0xFFFFE000  }
.Ltmp3:
0x3b: {  	_ =	swait.ge [sflag:s30], $0x2000;
	(pc) =	sbr.rel @!p0 .LBB2_7-.Ltmp3, $4  }
0x3c: {  	[sflag:s30] =	ssyncset.done $0x0  }
0x3d: {  	[sflag:s30] =	ssyncadd.s32 $0xFFFFE000  }
0x3e: {  	[hbm4b:s9+s3] =	stream.linear.scatter [tilespmem:s24], [sflag:$0x6], $0x6000, $0x38;
	[tilespmem:$0xE500] =	vst v63  }
0x3f: {  	s10 =	sadd.s32 $0x1800, s10;
	s9 =	sadd.s32 $0x1800, s9  }
.LBB2_2:
0x40: {  	s6 =	sadd.s32 s5, s8  }
0x41: {  	s7 =	sadd.s32 $0x30, s6  }
0x42: {  	[tilespmem:s14], [sflag:$0x2] =	stream.linear.gather [hbm4b:s7+s3], $0x180, $0x38;
	[tilespmem:$0xE500] =	vst v63  }
0x43: {  	_ =	swait.ge [sflag:s15], $0x180  }
0x44: {  	p0 =	seq.s32 s5, $0x0;
	[sflag:s15] =	ssyncset.done $0x0  }
0x45: {  	s7 =	simm.s32 @!p0 $0x5;
	[sflag:s15] =	ssyncadd.s32 $0xFFFFFE80  }
0x46: {  	_ =	swait.ge @!p0 [sflag:s7], $0x6000  }
0x47: {  	[sflag:s7] =	ssyncset.done @!p0 $0x0  }
0x48: {  	[sflag:s7] =	ssyncadd.s32 @!p0 $0xFFFFA000  }
0x49: {  	[tilespmem:s3], [sflag:$0x3] =	stream.indirect.gather [spmem:s2], $0x40, s13, s16, $0xb8;
	[tilespmem:$0xE500] =	vst v63  }
0x4a: {  	_ = 	snop  }
0x4b: {  	[tilespmem:s18], [sflag:$0x3] =	stream.indirect.gather [spmem:s2], $0x40, s17, s16, $0xb8;
	[tilespmem:$0xE500] =	vst v63  }
0x4c: {  	_ = 	snop  }
0x4d: {  	[tilespmem:s20], [sflag:$0x3] =	stream.indirect.gather [spmem:s2], $0x40, s19, s16, $0xb8;
	[tilespmem:$0xE500] =	vst v63  }
0x4e: {  	_ =	swait.ge [sflag:s21], $0x2000  }
0x4f: {  	[sflag:s21] =	ssyncset.done $0x0  }
0x50: {  	[sflag:s21] =	ssyncadd.s32 $0xFFFFE000  }
0x51: {  	_ =	swait.ge [sflag:s21], $0x2000  }
0x52: {  	p1 =	sne.s32 s5, $0x240;
	[sflag:s21] =	ssyncset.done $0x0  }
.Ltmp4:
0x53: {  	[sflag:s21] =	ssyncadd.s32 $0xFFFFE000;
	(pc) =	sbr.rel @!p1 .LBB2_3-.Ltmp4, $4  }
0x54: {  	_ =	swait.ge [sflag:s21], $0x2000  }
0x55: {  	[sflag:s21] =	ssyncset.done $0x0  }
0x56: {  	[sflag:s21] =	ssyncadd.s32 $0xFFFFE000  }
0x57: {  	[hbm4b:s10+s3] =	stream.linear.scatter [tilespmem:s3], [sflag:$0x5], $0x6000, $0x38;
	[tilespmem:$0xE500] =	vst v63  }
0x58: {  	s6 =	sadd.s32 $0x60, s6  }
0x59: {  	[tilespmem:s13], [sflag:$0x1] =	stream.linear.gather [hbm4b:s6+s3], $0x180, $0x38;
	[tilespmem:$0xE500] =	vst v63  }
.Ltmp5:
0x5a: {  	_ = 	snop;
	(pc) =	sbr.rel @!p0 .LBB2_5-.Ltmp5, $4  }
.Ltmp6:
0x5b: {  	_ = 	snop;
	(pc) =	sbr.rel @p0 .LBB2_6-.Ltmp6, $4  }
0x5c: {  	_ =	swait.ge [sflag:s22], $0x180  }
0x5d: {  	[sflag:s22] =	ssyncset.done $0x0  }
0x5e: {  	[sflag:s22] =	ssyncadd.s32 $0xFFFFFE80  }
0x5f: {  	_ = 	snop  }
.LBB2_8:
0x60: {  	_ =	sfence.sel $0x180000  }
0x61: {  	[bflag:$0x0] =	sbarrier.arrive $0xFFFF  }
0x62: {  	_ =	strace $0x9000004A  }
0x63: {  	s0 =	stileid.u32;
	[bflag:$0x2] =	sbarrier.arrive $0xFFFF  }
0x64: {  	p0 =	sne.s32 s0, $0x0;
	s0 =	rddreg [dreg:$0x3]  }
0x65: {  	s0 =	sadd.s32 @!p0 $0x100000, s0  }
0x66: {  	[sflag:s0] =	ssyncadd.tile.s32 @!p0 $0x1;
	_ =	shalt  }
.Lfunc_end2:
_tile_overlayer_lowered:
.L_overlay_start_2:
0x67: {  	(tag) =	ssettag $0x2  }
0x68: {  	s0 =	rddreg [dreg:$0x0];
	s2 =	stileid.u32  }
0x69: {  	s1 =	rddreg [dreg:$0x1];
	p0 =	sne.s32 s2, $0x0  }
0x6a: {  	s3 =	rddreg [dreg:$0x2];
	[bflag:$0x3] =	sbarrier.arrive $0xFFFF;
	s2 =	simm.s32 @!p0 $0x1C07  }
0x6b: {  	[timem:s3], [sflag:s2] =	dma.local @!p0 [hbm:s0], s1  }
0x6c: {  	s0 =	simm.s32 @!p0 $0x7  }
0x6d: {  	_ =	swait.ge @!p0 [sflag:s0], s1  }
0x6e: {  	s1 =	ssub.s32 @!p0 $0x0, s1;
	[sflag:s0] =	ssyncset.done @!p0 $0x0  }
0x6f: {  	[sflag:s0] =	ssyncadd.s32 @!p0 s1  }
0x70: {  	[bflag:$0x3] =	sbarrier.arrive $0xFFFF  }
0x71: {  	_ =	shalt  }

// kernel: kernel.7.cloned.1.call-start
scs
__scs_entry_jumppad:
0x0: {  	(pc) =	sbr.rel $0x88, $3  }
0x1: {  	(tag) =	ssettag $0x0;
	lr =	simm.s32 $0x1  }
0x2: {  	[smem:$0x3F97] =	sst lr;
	_ =	strace $0xD0000000  }
0x3: {  	_ = 	snop  }
0x4: {  	_ = 	snop  }
0x5: {  	_ = 	snop  }
0x6: {  	_ = 	snop  }
0x7: {  	_ = 	snop  }
__scs_overlays_trampoline_lowered:
0x8: {  	[smem:$0x3FA6] =	sst s0  }
0x9: {  	[smem:$0x3FA7] =	sst s1  }
0xa: {  	[smem:$0x3FA8] =	sst s2  }
0xb: {  	[smem:$0x3FA9] =	sst s3  }
0xc: {  	[smem:$0x3FAA] =	sst s4  }
0xd: {  	[smem:$0x3FAB] =	sst s5  }
0xe: {  	[smem:$0x3FAC] =	sst s6  }
0xf: {  	[smem:$0x3FAD] =	sst s7  }
0x10: {  	[smem:$0x3FAE] =	sst s8  }
0x11: {  	[smem:$0x3FAF] =	sst s9;
	s0 =	simm.s32 @!p0 $0x0  }
0x12: {  	s1 =	sld [smem:$0x3F95];
	s0 =	simm.s32 @p0 $0x1  }
0x13: {  	[smem:$0x3FB0] =	sst s0;
	s0 =	simm.s32 @!p1 $0x0  }
0x14: {  	s2 =	sld [smem:$0x3F94];
	s0 =	simm.s32 @p1 $0x1  }
0x15: {  	[smem:$0x3FB1] =	sst s0;
	s0 =	simm.s32 @!p2 $0x0  }
0x16: {  	s3 =	sld [smem:$0x3FDB];
	s0 =	simm.s32 @p2 $0x1  }
0x17: {  	s4 =	simm.s32 $0x1BF5;
	[smem:$0x3FB3] =	sst s0  }
0x18: {  	s0 =	sld [smem:$0x3F96];
	_ =	swait.ge [sflag:s4], $0x0  }
0x19: {  	s7 =	sld [smem:$0x3F97]  }
0x1a: {  	s8 =	sadd.s32 $0xFFFFE003, lr  }
0x1b: {  	s9 =	sadd.s32 $0xFFFFFEF7, lr;
	s5 =	simm.s32 $0xFFFFFFFF;
	p2 =	slt.u32 s8, $0xFFFFF086  }
0x1c: {  	p1 =	slt.u32 s9, $0xF7A;
	s5 =	simm.s32 @!p2 $0x0  }
0x1d: {  	s5 =	simm.s32 @p1 $0x1;
	p0 =	seq.s32 s7, s2  }
0x1e: {  	s7 =	smul.u32 @!p0 $0xF7A, s2;
	p2 =	seq.s32 @!p0 s5, $0x0  }
0x1f: {  	s9 =	smul.u32 $0xF7A, s1;
	s8 =	simm.s32 @!p0 $0x1BF5;
	p2 =	por !p2, p0  }
0x20: {  	[sflag:s8] =	ssyncset.s32 @!p0 $0xFFFFF086;
	s6 =	sadd.s32 @!p0 s3, s7;
	s7 =	simm.s32 @!p0 $0x108  }
0x21: {  	s3 =	sadd.s32 s3, s9;
	s6 =	sadd.s32 @!p0 $0x88, s6;
	s7 =	simm.s32 @p2 $0x1082  }
0x22: {  	[simem:s7], [sflag:s8] =	dma.local @!p0 [hbm:s6], $0xF7A  }
0x23: {  	s9 =	sor.u32 $0xD0000000, s2;
	s6 =	simm.s32 $0x108;
	_ =	swait.ge @!p0 [sflag:s8], $0x0  }
0x24: {  	s3 =	sadd.s32 $0x88, s3;
	s6 =	simm.s32 @!p1 $0x1082;
	[sflag:s4] =	ssyncset.s32 $0xFFFFF086  }
0x25: {  	[simem:s6], [sflag:s4] =	dma.local [hbm:s3], $0xF7A  }
0x26: {  	[smem:$0x3F97] =	sst s1;
	(tag) =	ssettag s2;
	_ =	strace s9  }
0x27: {  	s1 =	sld [smem:$0x3FA7]  }
0x28: {  	s2 =	sld [smem:$0x3FA8]  }
0x29: {  	s4 =	sld [smem:$0x3FAA]  }
0x2a: {  	p0 =	seq.s32 s5, $0x0;
	s5 =	sld [smem:$0x3FAB]  }
0x2b: {  	s6 =	sld [smem:$0x3FAC]  }
0x2c: {  	s7 =	sld [smem:$0x3FAD]  }
0x2d: {  	s3 =	simm.s32 $0x108;
	s8 =	sld [smem:$0x3FAE]  }
0x2e: {  	s3 =	simm.s32 @!p0 $0x1082;
	s9 =	sld [smem:$0x3FAF]  }
0x2f: {  	lr =	sadd.s32 s0, s3;
	s0 =	sld [smem:$0x3FA6]  }
0x30: {  	s3 =	sld [smem:$0x3FA9]  }
0x31: {  	[smem:$0x3FB2] =	sst s10  }
0x32: {  	s10 =	sld [smem:$0x3FB0];
	_ =	sdelay $0x3  }
0x33: {  	p0 =	seq.s32 s10, $0x1;
	s10 =	sld [smem:$0x3FB2];
	_ =	sdelay $0x3  }
0x34: {  	[smem:$0x3FB2] =	sst s10  }
0x35: {  	s10 =	sld [smem:$0x3FB1];
	_ =	sdelay $0x3  }
0x36: {  	p1 =	seq.s32 s10, $0x1;
	s10 =	sld [smem:$0x3FB2];
	_ =	sdelay $0x3  }
0x37: {  	[smem:$0x3FB2] =	sst s10  }
0x38: {  	s10 =	sld [smem:$0x3FB3]  }
0x39: {  	_ = 	snop;
	(pc) =	sbr.ind lr, $3  }
0x3a: {  	_ = 	snop  }
0x3b: {  	_ = 	snop  }
0x3c: {  	p2 =	seq.s32 s10, $0x1;
	s10 =	sld [smem:$0x3FB2]  }
0x3d: {  	_ =	shalt  }
0x3e: {  	_ =	shalt  }
0x3f: {  	_ =	shalt  }
0x40: {  	_ =	shalt  }
0x41: {  	_ =	shalt  }
0x42: {  	_ =	shalt  }
0x43: {  	_ =	shalt  }
0x44: {  	_ =	shalt  }
0x45: {  	_ =	shalt  }
0x46: {  	_ =	shalt  }
0x47: {  	_ =	shalt  }
0x48: {  	_ =	shalt  }
0x49: {  	_ =	shalt  }
0x4a: {  	_ =	shalt  }
0x4b: {  	_ =	shalt  }
0x4c: {  	_ =	shalt  }
0x4d: {  	_ =	shalt  }
0x4e: {  	_ =	shalt  }
0x4f: {  	_ =	shalt  }
0x50: {  	_ =	shalt  }
0x51: {  	_ =	shalt  }
0x52: {  	_ =	shalt  }
0x53: {  	_ =	shalt  }
0x54: {  	_ =	shalt  }
0x55: {  	_ =	shalt  }
0x56: {  	_ =	shalt  }
0x57: {  	_ =	shalt  }
0x58: {  	_ =	shalt  }
0x59: {  	_ =	shalt  }
0x5a: {  	_ =	shalt  }
0x5b: {  	_ =	shalt  }
0x5c: {  	_ =	shalt  }
0x5d: {  	_ =	shalt  }
0x5e: {  	_ =	shalt  }
0x5f: {  	_ =	shalt  }
0x60: {  	_ =	shalt  }
0x61: {  	_ =	shalt  }
0x62: {  	_ =	shalt  }
0x63: {  	_ =	shalt  }
0x64: {  	_ =	shalt  }
0x65: {  	_ =	shalt  }
0x66: {  	_ =	shalt  }
0x67: {  	_ =	shalt  }
0x68: {  	_ =	shalt  }
0x69: {  	_ =	shalt  }
0x6a: {  	_ =	shalt  }
0x6b: {  	_ =	shalt  }
0x6c: {  	_ =	shalt  }
0x6d: {  	_ =	shalt  }
0x6e: {  	_ =	shalt  }
0x6f: {  	_ =	shalt  }
0x70: {  	_ =	shalt  }
0x71: {  	_ =	shalt  }
0x72: {  	_ =	shalt  }
0x73: {  	_ =	shalt  }
0x74: {  	_ =	shalt  }
0x75: {  	_ =	shalt  }
0x76: {  	_ =	shalt  }
0x77: {  	_ =	shalt  }
0x78: {  	_ =	shalt  }
0x79: {  	_ =	shalt  }
0x7a: {  	_ =	shalt  }
0x7b: {  	_ =	shalt  }
0x7c: {  	_ =	shalt  }
0x7d: {  	_ =	shalt  }
0x7e: {  	_ =	shalt  }
0x7f: {  	_ =	shalt  }
0x80: {  	_ =	shalt  }
0x81: {  	_ =	shalt  }
0x82: {  	_ =	shalt  }
0x83: {  	_ =	shalt  }
0x84: {  	_ =	shalt  }
0x85: {  	_ =	shalt  }
0x86: {  	_ =	shalt  }
0x87: {  	_ =	shalt  }
.Lfunc_end0:
.L_simem_size_0:
called_computation_lowered:
.L_overlay_start_0:
0x88: {  	s2 =	sld [smem:$0x3FD9]  }
0x89: {  	s3 =	sld [smem:$0x3FFE];
	_ =	sdelay $0x1  }
0x8a: {  	s1 =	srdreg.scid  }
0x8b: {  	s0 =	sand.u32 $0x1, s1  }
0x8c: {  	s17 =	sshll.u32 s0, $0xA;
	s2 =	sadd.s32 s3, s2  }
0x8d: {  	s2 =	sadd.s32 s2, s17  }
0x8e: {  	[smem:$0x3FBE] =	sst s2  }
0x8f: {  	_ = 	snop  }
0x90: {  	s2 =	sld [smem:$0x3FD0];
	(tm) =	ssettm $0x1  }
0x91: {  	s18 =	sld [smem:$0x3FFB];
	_ =	sdelay $0x3  }
0x92: {  	_ =	strace s18  }
0x93: {  	s3 =	sld [smem:$0x3FFC];
	_ =	sdelay $0x3  }
0x94: {  	_ =	strace s3  }
0x95: {  	s3 =	sld [smem:$0x3FFD];
	_ =	sdelay $0x3  }
0x96: {  	_ =	strace s3  }
0x97: {  	_ =	strace $0x8FFFFFFF  }
0x98: {  	s19 =	sld [smem:$0x3FDB];
	_ =	sdelay $0x1  }
0x99: {  	s4 =	simm.s32 $_scs_section_size  }
0x9a: {  	s5 =	simm.s32 $_size__tile_overlayer_lowered;
	s6 =	simm.s32 $_tile_overlayer_lowered  }
0x9b: {  	s22 =	simm.s32 $0x1BFF;
	s21 =	sshll.u32 s6, $0x1;
	s3 =	sadd.s32 s4, s19  }
0x9c: {  	s7 =	simm.s32 $0x0;
	s20 =	sshll.u32 s5, $0x1;
	s5 =	sadd.s32 s21, s3  }
0x9d: {  	[timem:s7], [sflag:s22] =	dma.local [hbm:s5], s20  }
0x9e: {  	_ =	swait.ge [sflag:s22], s20  }
0x9f: {  	s4 =	ssub.s32 $0x0, s20;
	[sflag:s22] =	ssyncset.done $0x0  }
0xa0: {  	[sflag:s22] =	ssyncadd.s32 s4;
	_ =	sdelay $0x1  }
0xa1: {  	s23 =	simm.s32 $0x1B8B  }
0xa2: {  	_ =	swait.ge [sflag:s23], $0x1  }
0xa3: {  	[sflag:s23] =	ssyncset.done $0x0  }
0xa4: {  	s25 =	simm.s32 $0x1B8E;
	s24 =	sld [smem:$0x3FFE];
	[sflag:s23] =	ssyncadd.s32 $0xFFFFFFFF  }
0xa5: {  	s26 =	simm.s32 $execute0_lowered;
	[smem:$0x3FD2] =	sst s25  }
0xa6: {  	s5 =	sshll.u32 s26, $0x1;
	_ =	strace $0x80000046;
	[dreg:$0x1] =	wrdreg $0xFFFFFFFF  }
0xa7: {  	s28 =	simm.s32 $_size_execute0_lowered;
	s3 =	sadd.s32 s3, s5;
	[dreg:$0x0] =	wrdreg $0x0  }
0xa8: {  	s5 =	sshll.u32 s28, $0x1;
	[dreg:$0x2] =	wrdreg s3  }
0xa9: {  	[dreg:$0x3] =	wrdreg s5  }
0xaa: {  	[dreg:$0x4] =	wrdreg $0xC0  }
0xab: {  	_ =	task [dreg:s7], $0x5FFFF  }
0xac: {  	[dreg:$0x1] =	wrdreg $0xFFFFFFFF  }
0xad: {  	[dreg:$0x0] =	wrdreg $0x60  }
0xae: {  	[dreg:$0x2] =	wrdreg s2  }
0xaf: {  	[dreg:$0x3] =	wrdreg s24  }
0xb0: {  	[dreg:$0x4] =	wrdreg $0xC5000  }
0xb1: {  	[dreg:$0x5] =	wrdreg $0x9  }
0xb2: {  	_ =	task.clear_ibuf [dreg:s7], $0x6FFFF;
	_ =	strace $0x90000046  }
0xb3: {  	s29 =	simm.s32 $0x9;
	_ =	strace $0x80000048  }
0xb4: {  	_ =	swait.ge [sflag:s29], $0x1  }
0xb5: {  	[sflag:s29] =	ssyncadd.s32 $0xFFFFFFFF  }
0xb6: {  	_ =	strace $0x90000048  }
0xb7: {  	_ =	sfence  }
0xb8: {  	s30 =	sld [smem:$0x0];
	_ =	sdelay $0x2  }
0xb9: {  	s31 =	sshll.u32 s1, $0xD;
	s1 =	sshrl.u32 s1, $0x2  }
0xba: {  	s3 =	sand.u32 $0x4000, s31;
	s1 =	sadd.s32 s1, s30  }
0xbb: {  	s0 =	sor.u32 s3, s0;
	s1 =	sshll.u32 s1, $0x11  }
0xbc: {  	s0 =	sor.u32 s1, s0  }
0xbd: {  	s0 =	sadd.s32 $0x8F2B, s0  }
0xbe: {  	[sflag:s0] =	ssyncadd.remote.s32 $0x1  }
0xbf: {  	_ =	sfence.sel $0xFFFF  }
0xc0: {  	[dreg:$0x0] =	wrdreg $0xFFFFFFFF;
	(pc) =	sbr.abs _section_cstart, $3  }
0xc1: {  	[dreg:$0x1] =	wrdreg $0xFFFFFFFF  }
0xc2: {  	_ =	task.clear_ibuf [dreg:s7], $0x2FFFF;
	_ =	strace $0x9FFFFFFF  }
0xc3: {  	(tm) =	ssettm $0x7FFFFFFF  }
tec
execute0_lowered:
.L_overlay_start_1:
0x0: {  	(tag) =	ssettag $0x1  }
0x1: {  	s0 =	rddreg [dreg:$0x0]  }
0x2: {  	s3 =	rddreg [dreg:$0x1]  }
0x3: {  	s1 =	rddreg [dreg:$0x2];
	s4 =	srdreg.scid;
	s2 =	simm.s32 $0x0  }
0x4: {  	s5 =	stileid.u32;
	s30 =	simm.s32 $0xC300;
	s31 =	simm.s32 $0x5  }
0x5: {  	s4 =	sand.u32 $0x1, s4;
	[smem:$0x7FF] =	sst s2;
	s8 =	smul.u32 $0x8800, s5  }
0x6: {  	s7 =	sshll.u32 s5, $0x1;
	s9 =	sadd.s32 $0x1800, s3;
	s29 =	smul.u32 $0x2A00, s5  }
0x7: {  	p0 =	sne.s32 s5, $0x0;
	s5 =	simm.s32 $0xC180;
	s6 =	smul.u32 $0x4400, s4  }
0x8: {  	s7 =	sor.u32 s4, s7;
	s10 =	ssub.s32 $0x2, s4;
	s8 =	sshrl.u32 s8, $0x2  }
0x9: {  	s4 =	smul.u32 $0x1500, s4;
	s6 =	sadd.s32 s6, s3;
	s3 =	sadd.s32 s8, s1  }
0xa: {  	_ =	strace $0x80000047;
	s11 =	smul.u32 $0x1500, s7;
	s8 =	sadd.s32 $0x200, s3  }
0xb: {  	s20 =	sshrl.u32 s10, $0x1;
	s21 =	sadd.s32 $0x400, s3;
	[dreg:$0x4] =	wrdreg s8  }
0xc: {  	s7 =	smul.u32 $0xA800, s7;
	s22 =	sadd.s32 $0x600, s3;
	[dreg:$0x5] =	wrdreg s21  }
0xd: {  	s10 =	ssub.s32 s10, s20;
	s23 =	sadd.s32 $0x800, s3;
	[dreg:$0x6] =	wrdreg s22  }
0xe: {  	s4 =	sadd.s32 s4, s29;
	s24 =	sadd.s32 $0xA00, s3;
	[dreg:$0x7] =	wrdreg s23  }
0xf: {  	s12 =	sshrl.u32 s11, $0x7;
	s25 =	sadd.s32 $0xC00, s3;
	[dreg:$0x8] =	wrdreg s24  }
0x10: {  	s26 =	sadd.s32 $0xE00, s3;
	s28 =	sadd.s32 $0x1000, s3;
	[dreg:$0x9] =	wrdreg s25  }
0x11: {  	s13 =	sadd.s32 $0x1200, s3;
	s14 =	sadd.s32 $0x1400, s3;
	[dreg:$0xa] =	wrdreg s26  }
0x12: {  	s15 =	sadd.s32 $0x1600, s3;
	s11 =	sshrl.u32 s11, $0x3;
	[dreg:$0xb] =	wrdreg s28  }
0x13: {  	s19 =	sshrl.u32 s4, $0x3;
	s20 =	sadd.s32 $0x1800, s3;
	[dreg:$0xc] =	wrdreg s13  }
0x14: {  	s7 =	sadd.s32 s0, s7;
	s4 =	sshll.u32 s4, $0x3;
	[dreg:$0xd] =	wrdreg s14  }
0x15: {  	s29 =	sadd.s32 $0x2000, s3;
	[dreg:$0xe] =	wrdreg s15;
	s12 =	sadd.s32 $0x27, s12  }
0x16: {  	s17 =	sadd.s32 s9, s11;
	s8 =	sadd.s32 s19, s9;
	[dreg:$0x11] =	wrdreg s20  }
0x17: {  	[dreg:$0x12] =	wrdreg s7;
	s23 =	sadd.s32 $0x1A00, s3;
	s24 =	sadd.s32 $0x6C00, s6  }
0x18: {  	s25 =	smax.u32 s10, $0x1;
	s26 =	sadd.s32 $0x1C00, s3;
	[dreg:$0x19] =	wrdreg s29  }
0x19: {  	s28 =	sadd.s32 $0x1E00, s3;
	s6 =	simm.s32 $0x1;
	[dreg:$0xf] =	wrdreg s17  }
0x1a: {  	s7 =	simm.s32 $0x80;
	s10 =	simm.s32 $0xC100;
	[dreg:$0x14] =	wrdreg s23  }
0x1b: {  	s11 =	simm.s32 $0x4000;
	s13 =	simm.s32 $0x2;
	[dreg:$0x15] =	wrdreg s24  }
0x1c: {  	s14 =	simm.s32 $0xC200;
	s15 =	simm.s32 $0x8000;
	[dreg:$0x16] =	wrdreg s25  }
0x1d: {  	s19 =	simm.s32 $0x0;
	s16 =	sshll.u32 s12, $0x4;
	[dreg:$0x17] =	wrdreg s26  }
0x1e: {  	s21 =	sshll.u32 s12, $0xA;
	s23 =	sadd.s32 $0x60, s8;
	[dreg:$0x18] =	wrdreg s28  }
0x1f: {  	s8 =	simm.s32 $0xC080;
	s12 =	simm.s32 $0x3;
	s17 =	simm.s32 $0xA000  }
0x20: {  	s18 =	sadd.s32 s9, s16;
	s22 =	sadd.s32 s0, s21;
	s0 =	sadd.s32 s4, s0  }
0x21: {  	s4 =	simm.s32 $0x6000;
	s9 =	simm.s32 $0x2000;
	[dreg:$0x10] =	wrdreg s18  }
0x22: {  	s16 =	simm.s32 $0xC280;
	[dreg:$0x13] =	wrdreg s22;
	s24 =	sadd.s32 $0x1800, s0  }
0x23: {  	v0 =	vimm.f32 $0.0e+00;
	s25 =	sadd.s32 $0xC00, s0;
	s0 =	simm.s32 $0xC000;
	s18 =	simm.s32 $0x4  }
.LBB2_1:
0x24: {  	[tilespmem:$0xC300] =	vst v0  }
0x25: {  	[tilespmem:$0xC310] =	vst v0  }
0x26: {  	[tilespmem:$0xC320] =	vst v0  }
0x27: {  	[tilespmem:$0xC330] =	vst v0  }
0x28: {  	[tilespmem:$0xC340] =	vst v0  }
0x29: {  	[tilespmem:$0xC350] =	vst v0  }
0x2a: {  	[tilespmem:$0xC360] =	vst v0  }
0x2b: {  	[tilespmem:$0xC370] =	vst v0  }
0x2c: {  	[tilespmem:$0xC380] =	vst v0  }
0x2d: {  	[tilespmem:$0xC390] =	vst v0  }
0x2e: {  	[tilespmem:$0xC3A0] =	vst v0  }
0x2f: {  	[tilespmem:$0xC3B0] =	vst v0  }
0x30: {  	[tilespmem:$0xC3C0] =	vst v0  }
0x31: {  	[tilespmem:$0xC3D0] =	vst v0  }
0x32: {  	[tilespmem:$0xC3E0] =	vst v0  }
0x33: {  	[tilespmem:$0xC3F0] =	vst v0  }
0x34: {  	[tilespmem:$0xC400] =	vst v0  }
0x35: {  	[tilespmem:$0xC410] =	vst v0  }
0x36: {  	[tilespmem:$0xC420] =	vst v0  }
0x37: {  	[tilespmem:$0xC430] =	vst v0  }
0x38: {  	[tilespmem:$0xC440] =	vst v0  }
0x39: {  	[tilespmem:$0xC450] =	vst v0  }
0x3a: {  	[tilespmem:$0xC460] =	vst v0  }
0x3b: {  	[tilespmem:$0xC470] =	vst v0  }
0x3c: {  	[tilespmem:$0xC480] =	vst v0  }
0x3d: {  	[tilespmem:$0xC490] =	vst v0  }
0x3e: {  	[tilespmem:$0xC4A0] =	vst v0  }
0x3f: {  	[tilespmem:$0xC4B0] =	vst v0  }
0x40: {  	[tilespmem:$0xC4C0] =	vst v0  }
0x41: {  	[tilespmem:$0xC4D0] =	vst v0  }
0x42: {  	[tilespmem:$0xC4E0] =	vst v0  }
0x43: {  	[tilespmem:$0xC4F0] =	vst v0  }
0x44: {  	[spmem:s3] =	stream.linear.scatter [tilespmem:s30], [sflag:$0x5], $0x200, $0x38;
	[tilespmem:$0xE700] =	vst v63  }
0x45: {  	_ =	swait.ge [sflag:s31], $0x200  }
0x46: {  	[sflag:s31] =	ssyncset.done $0x0  }
0x47: {  	s20 =	rddreg [dreg:$0x4];
	[sflag:s31] =	ssyncadd.s32 $0xFFFFFE00  }
0x48: {  	[spmem:s20] =	stream.linear.scatter [tilespmem:s30], [sflag:$0x5], $0x200, $0x38;
	[tilespmem:$0xE700] =	vst v63  }
0x49: {  	_ =	swait.ge [sflag:s31], $0x200  }
0x4a: {  	[sflag:s31] =	ssyncset.done $0x0  }
0x4b: {  	s21 =	rddreg [dreg:$0x5];
	[sflag:s31] =	ssyncadd.s32 $0xFFFFFE00  }
0x4c: {  	[spmem:s21] =	stream.linear.scatter [tilespmem:s30], [sflag:$0x5], $0x200, $0x38;
	[tilespmem:$0xE700] =	vst v63  }
0x4d: {  	_ =	swait.ge [sflag:s31], $0x200  }
0x4e: {  	[sflag:s31] =	ssyncset.done $0x0  }
0x4f: {  	s22 =	rddreg [dreg:$0x6];
	[sflag:s31] =	ssyncadd.s32 $0xFFFFFE00  }
0x50: {  	[spmem:s22] =	stream.linear.scatter [tilespmem:s30], [sflag:$0x5], $0x200, $0x38;
	[tilespmem:$0xE700] =	vst v63  }
0x51: {  	_ =	swait.ge [sflag:s31], $0x200  }
0x52: {  	[sflag:s31] =	ssyncset.done $0x0  }
0x53: {  	s26 =	rddreg [dreg:$0x7];
	[sflag:s31] =	ssyncadd.s32 $0xFFFFFE00  }
0x54: {  	[spmem:s26] =	stream.linear.scatter [tilespmem:s30], [sflag:$0x5], $0x200, $0x38;
	[tilespmem:$0xE700] =	vst v63  }
0x55: {  	_ =	swait.ge [sflag:s31], $0x200  }
0x56: {  	[sflag:s31] =	ssyncset.done $0x0  }
0x57: {  	s28 =	rddreg [dreg:$0x8];
	[sflag:s31] =	ssyncadd.s32 $0xFFFFFE00  }
0x58: {  	[spmem:s28] =	stream.linear.scatter [tilespmem:s30], [sflag:$0x5], $0x200, $0x38;
	[tilespmem:$0xE700] =	vst v63  }
0x59: {  	_ =	swait.ge [sflag:s31], $0x200  }
0x5a: {  	[sflag:s31] =	ssyncset.done $0x0  }
0x5b: {  	s29 =	rddreg [dreg:$0x9];
	[sflag:s31] =	ssyncadd.s32 $0xFFFFFE00  }
0x5c: {  	[spmem:s29] =	stream.linear.scatter [tilespmem:s30], [sflag:$0x5], $0x200, $0x38;
	[tilespmem:$0xE700] =	vst v63  }
0x5d: {  	_ =	swait.ge [sflag:s31], $0x200  }
0x5e: {  	[sflag:s31] =	ssyncset.done $0x0  }
0x5f: {  	s21 =	rddreg [dreg:$0xa];
	[sflag:s31] =	ssyncadd.s32 $0xFFFFFE00  }
0x60: {  	[spmem:s21] =	stream.linear.scatter [tilespmem:s30], [sflag:$0x5], $0x200, $0x38;
	[tilespmem:$0xE700] =	vst v63  }
0x61: {  	_ =	swait.ge [sflag:s31], $0x200  }
0x62: {  	[sflag:s31] =	ssyncset.done $0x0  }
0x63: {  	s22 =	rddreg [dreg:$0xb];
	[sflag:s31] =	ssyncadd.s32 $0xFFFFFE00  }
0x64: {  	[spmem:s22] =	stream.linear.scatter [tilespmem:s30], [sflag:$0x5], $0x200, $0x38;
	[tilespmem:$0xE700] =	vst v63  }
0x65: {  	_ =	swait.ge [sflag:s31], $0x200  }
0x66: {  	[sflag:s31] =	ssyncset.done $0x0  }
0x67: {  	s26 =	rddreg [dreg:$0xc];
	[sflag:s31] =	ssyncadd.s32 $0xFFFFFE00  }
0x68: {  	[spmem:s26] =	stream.linear.scatter [tilespmem:s30], [sflag:$0x5], $0x200, $0x38;
	[tilespmem:$0xE700] =	vst v63  }
0x69: {  	_ =	swait.ge [sflag:s31], $0x200  }
0x6a: {  	[sflag:s31] =	ssyncset.done $0x0  }
0x6b: {  	s28 =	rddreg [dreg:$0xd];
	[sflag:s31] =	ssyncadd.s32 $0xFFFFFE00  }
0x6c: {  	[spmem:s28] =	stream.linear.scatter [tilespmem:s30], [sflag:$0x5], $0x200, $0x38;
	[tilespmem:$0xE700] =	vst v63  }
0x6d: {  	_ =	swait.ge [sflag:s31], $0x200  }
0x6e: {  	[sflag:s31] =	ssyncset.done $0x0  }
0x6f: {  	s29 =	rddreg [dreg:$0xe];
	[sflag:s31] =	ssyncadd.s32 $0xFFFFFE00  }
0x70: {  	[spmem:s29] =	stream.linear.scatter [tilespmem:s30], [sflag:$0x5], $0x200, $0x38;
	[tilespmem:$0xE700] =	vst v63  }
0x71: {  	_ =	swait.ge [sflag:s31], $0x200  }
0x72: {  	[sflag:s31] =	ssyncset.done $0x0  }
0x73: {  	s21 =	rddreg [dreg:$0x11];
	[sflag:s31] =	ssyncadd.s32 $0xFFFFFE00  }
0x74: {  	[spmem:s21] =	stream.linear.scatter [tilespmem:s30], [sflag:$0x5], $0x200, $0x38;
	[tilespmem:$0xE700] =	vst v63  }
0x75: {  	_ =	swait.ge [sflag:s31], $0x200  }
0x76: {  	[sflag:s31] =	ssyncset.done $0x0  }
0x77: {  	s22 =	rddreg [dreg:$0x14];
	[sflag:s31] =	ssyncadd.s32 $0xFFFFFE00  }
0x78: {  	[spmem:s22] =	stream.linear.scatter [tilespmem:s30], [sflag:$0x5], $0x200, $0x38;
	[tilespmem:$0xE700] =	vst v63  }
0x79: {  	_ =	swait.ge [sflag:s31], $0x200  }
0x7a: {  	[sflag:s31] =	ssyncset.done $0x0  }
0x7b: {  	s26 =	rddreg [dreg:$0x17];
	[sflag:s31] =	ssyncadd.s32 $0xFFFFFE00  }
0x7c: {  	[spmem:s26] =	stream.linear.scatter [tilespmem:s30], [sflag:$0x5], $0x200, $0x38;
	[tilespmem:$0xE700] =	vst v63  }
0x7d: {  	_ =	swait.ge [sflag:s31], $0x200  }
0x7e: {  	[sflag:s31] =	ssyncset.done $0x0  }
0x7f: {  	s28 =	rddreg [dreg:$0x18];
	[sflag:s31] =	ssyncadd.s32 $0xFFFFFE00  }
0x80: {  	[spmem:s28] =	stream.linear.scatter [tilespmem:s30], [sflag:$0x5], $0x200, $0x38;
	[tilespmem:$0xE700] =	vst v63  }
0x81: {  	_ =	swait.ge [sflag:s31], $0x200  }
0x82: {  	[sflag:s31] =	ssyncset.done $0x0  }
0x83: {  	s29 =	rddreg [dreg:$0x19];
	[sflag:s31] =	ssyncadd.s32 $0xFFFFFE00  }
0x84: {  	[spmem:s29] =	stream.linear.scatter [tilespmem:s30], [sflag:$0x5], $0x200, $0x38;
	[tilespmem:$0xE700] =	vst v63  }
0x85: {  	_ =	swait.ge [sflag:s31], $0x200  }
0x86: {  	[sflag:s31] =	ssyncset.done $0x0  }
0x87: {  	[sflag:s31] =	ssyncadd.s32 $0xFFFFFE00  }
0x88: {  	[bflag:$0x0] =	sbarrier.arrive $0xFFFF  }
0x89: {  	s21 =	rddreg [dreg:$0x12]  }
0x8a: {  	[tilespmem:s2], [sflag:$0x1] =	stream.linear.gather [hbm4b:s21+s2], $0x6000, $0x38;
	[tilespmem:$0xE700] =	vst v63  }
0x8b: {  	s22 =	rddreg [dreg:$0xf]  }
0x8c: {  	[tilespmem:s0], [sflag:$0x1] =	stream.linear.gather [hbm4b:s22+s2], $0x180, $0x38;
	[tilespmem:$0xE700] =	vst v63  }
0x8d: {  	s26 =	sadd.s32 $0x0, s25  }
0x8e: {  	[tilespmem:s4], [sflag:$0x2] =	stream.linear.gather [hbm4b:s26+s2], $0x6000, $0x38;
	[tilespmem:$0xE700] =	vst v63  }
0x8f: {  	s28 =	sadd.s32 $0xFFFFFFD0, s23  }
0x90: {  	[tilespmem:s5], [sflag:$0x2] =	stream.linear.gather [hbm4b:s28+s2], $0x180, $0x38;
	[tilespmem:$0xE700] =	vst v63  }
0x91: {  	_ =	swait.ge [sflag:s6], $0x6000  }
0x92: {  	[sflag:s6] =	ssyncset.done $0x0  }
0x93: {  	[sflag:s6] =	ssyncadd.s32 $0xFFFFA000  }
0x94: {  	_ =	swait.ge [sflag:s6], $0x180  }
0x95: {  	[sflag:s6] =	ssyncset.done $0x0  }
0x96: {  	[sflag:s6] =	ssyncadd.s32 $0xFFFFFE80  }
0x97: {  	[spmem:s1] =	stream.indirect.scatter.add.f32 [tilespmem:s2], [sflag:$0x3], $0x40, s0, s7, $0xb8;
	[tilespmem:$0xE700] =	vst v63  }
0x98: {  	_ = 	snop  }
0x99: {  	[spmem:s1] =	stream.indirect.scatter.add.f32 [tilespmem:s9], [sflag:$0x3], $0x40, s8, s7, $0xb8;
	[tilespmem:$0xE700] =	vst v63  }
0x9a: {  	_ = 	snop  }
0x9b: {  	[spmem:s1] =	stream.indirect.scatter.add.f32 [tilespmem:s11], [sflag:$0x3], $0x40, s10, s7, $0xb8;
	[tilespmem:$0xE700] =	vst v63  }
0x9c: {  	_ =	swait.ge [sflag:s12], $0x2000  }
0x9d: {  	[sflag:s12] =	ssyncset.done $0x0  }
0x9e: {  	[sflag:s12] =	ssyncadd.s32 $0xFFFFE000  }
0x9f: {  	_ =	swait.ge [sflag:s12], $0x2000  }
0xa0: {  	[sflag:s12] =	ssyncset.done $0x0  }
0xa1: {  	[sflag:s12] =	ssyncadd.s32 $0xFFFFE000  }
0xa2: {  	_ =	swait.ge [sflag:s12], $0x2000  }
0xa3: {  	[sflag:s12] =	ssyncset.done $0x0  }
0xa4: {  	s29 =	sadd.s32 $0x0, s24;
	[sflag:s12] =	ssyncadd.s32 $0xFFFFE000  }
0xa5: {  	[tilespmem:s2], [sflag:$0x1] =	stream.linear.gather [hbm4b:s29+s2], $0x6000, $0x38;
	[tilespmem:$0xE700] =	vst v63  }
0xa6: {  	_ = 	snop  }
0xa7: {  	[tilespmem:s0], [sflag:$0x1] =	stream.linear.gather [hbm4b:s23+s2], $0x180, $0x38;
	[tilespmem:$0xE700] =	vst v63  }
0xa8: {  	_ =	swait.ge [sflag:s13], $0x6000  }
0xa9: {  	[sflag:s13] =	ssyncset.done $0x0  }
0xaa: {  	[sflag:s13] =	ssyncadd.s32 $0xFFFFA000  }
0xab: {  	_ =	swait.ge [sflag:s13], $0x180  }
0xac: {  	[sflag:s13] =	ssyncset.done $0x0  }
0xad: {  	[sflag:s13] =	ssyncadd.s32 $0xFFFFFE80  }
0xae: {  	[spmem:s1] =	stream.indirect.scatter.add.f32 [tilespmem:s4], [sflag:$0x4], $0x40, s5, s7, $0xb8;
	[tilespmem:$0xE700] =	vst v63  }
0xaf: {  	_ = 	snop  }
0xb0: {  	[spmem:s1] =	stream.indirect.scatter.add.f32 [tilespmem:s15], [sflag:$0x4], $0x40, s14, s7, $0xb8;
	[tilespmem:$0xE700] =	vst v63  }
0xb1: {  	_ = 	snop  }
0xb2: {  	[spmem:s1] =	stream.indirect.scatter.add.f32 [tilespmem:s17], [sflag:$0x4], $0x40, s16, s7, $0xb8;
	[tilespmem:$0xE700] =	vst v63  }
0xb3: {  	_ =	swait.ge [sflag:s18], $0x2000  }
0xb4: {  	[sflag:s18] =	ssyncset.done $0x0  }
0xb5: {  	[sflag:s18] =	ssyncadd.s32 $0xFFFFE000  }
0xb6: {  	_ =	swait.ge [sflag:s18], $0x2000  }
0xb7: {  	[sflag:s18] =	ssyncset.done $0x0  }
0xb8: {  	[sflag:s18] =	ssyncadd.s32 $0xFFFFE000  }
0xb9: {  	s20 =	simm.s32 $0x1800;
	_ =	swait.ge [sflag:s18], $0x2000  }
0xba: {  	s21 =	sadd.s32 $0x60, s23;
	s22 =	simm.s32 $0x3000;
	[sflag:s18] =	ssyncset.done $0x0  }
.LBB2_2:
0xbb: {  	s28 =	sadd.s32 s20, s25  }
0xbc: {  	[sflag:s18] =	ssyncadd.s32 $0xFFFFE000;
	s29 =	smov.u32 s22;
	s26 =	sadd.s32 $0x1800, s22  }
0xbd: {  	[tilespmem:s4], [sflag:$0x2] =	stream.linear.gather [hbm4b:s28+s2], $0x6000, $0x38;
	[tilespmem:$0xE700] =	vst v63  }
0xbe: {  	p1 =	sne.s32 s22, $0x7800;
	s22 =	sadd.s32 $0xFFFFFFD0, s21  }
0xbf: {  	[tilespmem:s5], [sflag:$0x2] =	stream.linear.gather [hbm4b:s22+s2], $0x180, $0x38;
	[tilespmem:$0xE700] =	vst v63  }
0xc0: {  	_ =	swait.ge [sflag:s6], $0x6000  }
0xc1: {  	[sflag:s6] =	ssyncset.done $0x0  }
0xc2: {  	[sflag:s6] =	ssyncadd.s32 $0xFFFFA000  }
0xc3: {  	_ =	swait.ge [sflag:s6], $0x180  }
0xc4: {  	[sflag:s6] =	ssyncset.done $0x0  }
0xc5: {  	[sflag:s6] =	ssyncadd.s32 $0xFFFFFE80  }
0xc6: {  	[spmem:s1] =	stream.indirect.scatter.add.f32 [tilespmem:s2], [sflag:$0x3], $0x40, s0, s7, $0xb8;
	[tilespmem:$0xE700] =	vst v63  }
0xc7: {  	_ = 	snop  }
0xc8: {  	[spmem:s1] =	stream.indirect.scatter.add.f32 [tilespmem:s9], [sflag:$0x3], $0x40, s8, s7, $0xb8;
	[tilespmem:$0xE700] =	vst v63  }
0xc9: {  	_ = 	snop  }
0xca: {  	[spmem:s1] =	stream.indirect.scatter.add.f32 [tilespmem:s11], [sflag:$0x3], $0x40, s10, s7, $0xb8;
	[tilespmem:$0xE700] =	vst v63  }
0xcb: {  	_ =	swait.ge [sflag:s12], $0x2000  }
0xcc: {  	[sflag:s12] =	ssyncset.done $0x0  }
0xcd: {  	[sflag:s12] =	ssyncadd.s32 $0xFFFFE000  }
0xce: {  	_ =	swait.ge [sflag:s12], $0x2000  }
0xcf: {  	[sflag:s12] =	ssyncset.done $0x0  }
0xd0: {  	[sflag:s12] =	ssyncadd.s32 $0xFFFFE000  }
0xd1: {  	_ =	swait.ge [sflag:s12], $0x2000  }
0xd2: {  	[sflag:s12] =	ssyncset.done $0x0  }
0xd3: {  	s22 =	sadd.s32 s20, s24;
	s20 =	smov.u32 s29;
	[sflag:s12] =	ssyncadd.s32 $0xFFFFE000  }
0xd4: {  	[tilespmem:s2], [sflag:$0x1] =	stream.linear.gather [hbm4b:s22+s2], $0x6000, $0x38;
	[tilespmem:$0xE700] =	vst v63  }
0xd5: {  	_ = 	snop  }
0xd6: {  	[tilespmem:s0], [sflag:$0x1] =	stream.linear.gather [hbm4b:s21+s2], $0x180, $0x38;
	[tilespmem:$0xE700] =	vst v63  }
0xd7: {  	_ =	swait.ge [sflag:s13], $0x6000  }
0xd8: {  	[sflag:s13] =	ssyncset.done $0x0  }
0xd9: {  	[sflag:s13] =	ssyncadd.s32 $0xFFFFA000  }
0xda: {  	_ =	swait.ge [sflag:s13], $0x180  }
0xdb: {  	[sflag:s13] =	ssyncset.done $0x0  }
0xdc: {  	[sflag:s13] =	ssyncadd.s32 $0xFFFFFE80  }
0xdd: {  	[spmem:s1] =	stream.indirect.scatter.add.f32 [tilespmem:s4], [sflag:$0x4], $0x40, s5, s7, $0xb8;
	[tilespmem:$0xE700] =	vst v63  }
0xde: {  	_ = 	snop  }
0xdf: {  	[spmem:s1] =	stream.indirect.scatter.add.f32 [tilespmem:s15], [sflag:$0x4], $0x40, s14, s7, $0xb8;
	[tilespmem:$0xE700] =	vst v63  }
0xe0: {  	_ = 	snop  }
0xe1: {  	[spmem:s1] =	stream.indirect.scatter.add.f32 [tilespmem:s17], [sflag:$0x4], $0x40, s16, s7, $0xb8;
	[tilespmem:$0xE700] =	vst v63  }
0xe2: {  	_ =	swait.ge [sflag:s18], $0x2000  }
0xe3: {  	[sflag:s18] =	ssyncset.done $0x0  }
0xe4: {  	[sflag:s18] =	ssyncadd.s32 $0xFFFFE000  }
.Ltmp0:
0xe5: {  	_ =	swait.ge [sflag:s18], $0x2000;
	(pc) =	sbr.rel @p1 .LBB2_2-.Ltmp0, $4  }
0xe6: {  	[sflag:s18] =	ssyncset.done $0x0  }
0xe7: {  	[sflag:s18] =	ssyncadd.s32 $0xFFFFE000  }
0xe8: {  	_ =	swait.ge [sflag:s18], $0x2000  }
0xe9: {  	s22 =	smov.u32 s26;
	s21 =	sadd.s32 $0x60, s21;
	[sflag:s18] =	ssyncset.done $0x0  }
0xea: {  	s22 =	sadd.s32 s20, s25;
	[sflag:s18] =	ssyncadd.s32 $0xFFFFE000  }
0xeb: {  	[tilespmem:s4], [sflag:$0x2] =	stream.linear.gather [hbm4b:s22+s2], $0x6000, $0x38;
	[tilespmem:$0xE700] =	vst v63  }
0xec: {  	s29 =	sadd.s32 $0xFFFFFFD0, s21  }
0xed: {  	[tilespmem:s5], [sflag:$0x2] =	stream.linear.gather [hbm4b:s29+s2], $0x180, $0x38;
	[tilespmem:$0xE700] =	vst v63  }
0xee: {  	_ =	swait.ge [sflag:s6], $0x6000  }
0xef: {  	[sflag:s6] =	ssyncset.done $0x0  }
0xf0: {  	[sflag:s6] =	ssyncadd.s32 $0xFFFFA000  }
0xf1: {  	_ =	swait.ge [sflag:s6], $0x180  }
0xf2: {  	[sflag:s6] =	ssyncset.done $0x0  }
0xf3: {  	[sflag:s6] =	ssyncadd.s32 $0xFFFFFE80  }
0xf4: {  	[spmem:s1] =	stream.indirect.scatter.add.f32 [tilespmem:s2], [sflag:$0x3], $0x40, s0, s7, $0xb8;
	[tilespmem:$0xE700] =	vst v63  }
0xf5: {  	_ = 	snop  }
0xf6: {  	[spmem:s1] =	stream.indirect.scatter.add.f32 [tilespmem:s9], [sflag:$0x3], $0x40, s8, s7, $0xb8;
	[tilespmem:$0xE700] =	vst v63  }
0xf7: {  	_ = 	snop  }
0xf8: {  	[spmem:s1] =	stream.indirect.scatter.add.f32 [tilespmem:s11], [sflag:$0x3], $0x40, s10, s7, $0xb8;
	[tilespmem:$0xE700] =	vst v63  }
0xf9: {  	_ =	swait.ge [sflag:s12], $0x2000  }
0xfa: {  	[sflag:s12] =	ssyncset.done $0x0  }
0xfb: {  	[sflag:s12] =	ssyncadd.s32 $0xFFFFE000  }
0xfc: {  	_ =	swait.ge [sflag:s12], $0x2000  }
0xfd: {  	[sflag:s12] =	ssyncset.done $0x0  }
0xfe: {  	[sflag:s12] =	ssyncadd.s32 $0xFFFFE000  }
0xff: {  	_ =	swait.ge [sflag:s12], $0x2000  }
0x100: {  	[sflag:s12] =	ssyncset.done $0x0  }
0x101: {  	s22 =	sadd.s32 s20, s24;
	[sflag:s12] =	ssyncadd.s32 $0xFFFFE000  }
0x102: {  	[tilespmem:s2], [sflag:$0x1] =	stream.linear.gather [hbm4b:s22+s2], $0x6000, $0x38;
	[tilespmem:$0xE700] =	vst v63  }
0x103: {  	_ = 	snop  }
0x104: {  	[tilespmem:s0], [sflag:$0x1] =	stream.linear.gather [hbm4b:s21+s2], $0x180, $0x38;
	[tilespmem:$0xE700] =	vst v63  }
0x105: {  	_ =	swait.ge [sflag:s13], $0x6000  }
0x106: {  	[sflag:s13] =	ssyncset.done $0x0  }
0x107: {  	[sflag:s13] =	ssyncadd.s32 $0xFFFFA000  }
0x108: {  	_ =	swait.ge [sflag:s13], $0x180  }
0x109: {  	[sflag:s13] =	ssyncset.done $0x0  }
0x10a: {  	[sflag:s13] =	ssyncadd.s32 $0xFFFFFE80  }
0x10b: {  	[spmem:s1] =	stream.indirect.scatter.add.f32 [tilespmem:s4], [sflag:$0x4], $0x40, s5, s7, $0xb8;
	[tilespmem:$0xE700] =	vst v63  }
0x10c: {  	_ = 	snop  }
0x10d: {  	[spmem:s1] =	stream.indirect.scatter.add.f32 [tilespmem:s15], [sflag:$0x4], $0x40, s14, s7, $0xb8;
	[tilespmem:$0xE700] =	vst v63  }
0x10e: {  	_ = 	snop  }
0x10f: {  	[spmem:s1] =	stream.indirect.scatter.add.f32 [tilespmem:s17], [sflag:$0x4], $0x40, s16, s7, $0xb8;
	[tilespmem:$0xE700] =	vst v63  }
0x110: {  	_ =	swait.ge [sflag:s18], $0x2000  }
0x111: {  	[sflag:s18] =	ssyncset.done $0x0  }
0x112: {  	[sflag:s18] =	ssyncadd.s32 $0xFFFFE000  }
0x113: {  	_ =	swait.ge [sflag:s18], $0x2000  }
0x114: {  	[sflag:s18] =	ssyncset.done $0x0  }
0x115: {  	[sflag:s18] =	ssyncadd.s32 $0xFFFFE000  }
0x116: {  	_ =	swait.ge [sflag:s18], $0x2000  }
0x117: {  	[sflag:s18] =	ssyncset.done $0x0  }
0x118: {  	s26 =	rddreg [dreg:$0x13];
	[sflag:s18] =	ssyncadd.s32 $0xFFFFE000  }
0x119: {  	[tilespmem:s4], [sflag:$0x2] =	stream.linear.gather [hbm4b:s26+s2], $0x6000, $0x38;
	[tilespmem:$0xE700] =	vst v63  }
0x11a: {  	s28 =	rddreg [dreg:$0x10]  }
0x11b: {  	[tilespmem:s5], [sflag:$0x2] =	stream.linear.gather [hbm4b:s28+s2], $0x180, $0x38;
	[tilespmem:$0xE700] =	vst v63  }
0x11c: {  	_ =	swait.ge [sflag:s6], $0x6000  }
0x11d: {  	[sflag:s6] =	ssyncset.done $0x0  }
0x11e: {  	[sflag:s6] =	ssyncadd.s32 $0xFFFFA000  }
0x11f: {  	_ =	swait.ge [sflag:s6], $0x180  }
0x120: {  	[sflag:s6] =	ssyncset.done $0x0  }
0x121: {  	[sflag:s6] =	ssyncadd.s32 $0xFFFFFE80  }
0x122: {  	[spmem:s1] =	stream.indirect.scatter.add.f32 [tilespmem:s2], [sflag:$0x3], $0x40, s0, s7, $0xb8;
	[tilespmem:$0xE700] =	vst v63  }
0x123: {  	_ = 	snop  }
0x124: {  	[spmem:s1] =	stream.indirect.scatter.add.f32 [tilespmem:s9], [sflag:$0x3], $0x40, s8, s7, $0xb8;
	[tilespmem:$0xE700] =	vst v63  }
0x125: {  	_ = 	snop  }
0x126: {  	[spmem:s1] =	stream.indirect.scatter.add.f32 [tilespmem:s11], [sflag:$0x3], $0x40, s10, s7, $0xb8;
	[tilespmem:$0xE700] =	vst v63  }
0x127: {  	_ =	swait.ge [sflag:s12], $0x2000  }
0x128: {  	[sflag:s12] =	ssyncset.done $0x0  }
0x129: {  	[sflag:s12] =	ssyncadd.s32 $0xFFFFE000  }
0x12a: {  	_ =	swait.ge [sflag:s12], $0x2000  }
0x12b: {  	[sflag:s12] =	ssyncset.done $0x0  }
0x12c: {  	[sflag:s12] =	ssyncadd.s32 $0xFFFFE000  }
0x12d: {  	_ =	swait.ge [sflag:s12], $0x2000  }
0x12e: {  	[sflag:s12] =	ssyncset.done $0x0  }
0x12f: {  	[sflag:s12] =	ssyncadd.s32 $0xFFFFE000  }
0x130: {  	_ =	swait.ge [sflag:s13], $0x6000  }
0x131: {  	[sflag:s13] =	ssyncset.done $0x0  }
0x132: {  	[sflag:s13] =	ssyncadd.s32 $0xFFFFA000  }
0x133: {  	_ =	swait.ge [sflag:s13], $0x180  }
0x134: {  	[sflag:s13] =	ssyncset.done $0x0  }
0x135: {  	[sflag:s13] =	ssyncadd.s32 $0xFFFFFE80  }
0x136: {  	[spmem:s1] =	stream.indirect.scatter.add.f32 [tilespmem:s4], [sflag:$0x4], $0x40, s5, s7, $0xb8;
	[tilespmem:$0xE700] =	vst v63  }
0x137: {  	_ = 	snop  }
0x138: {  	[spmem:s1] =	stream.indirect.scatter.add.f32 [tilespmem:s15], [sflag:$0x4], $0x40, s14, s7, $0xb8;
	[tilespmem:$0xE700] =	vst v63  }
0x139: {  	_ = 	snop  }
0x13a: {  	[spmem:s1] =	stream.indirect.scatter.add.f32 [tilespmem:s17], [sflag:$0x4], $0x40, s16, s7, $0xb8;
	[tilespmem:$0xE700] =	vst v63  }
0x13b: {  	_ =	swait.ge [sflag:s18], $0x2000  }
0x13c: {  	[sflag:s18] =	ssyncset.done $0x0  }
0x13d: {  	[sflag:s18] =	ssyncadd.s32 $0xFFFFE000  }
0x13e: {  	_ =	swait.ge [sflag:s18], $0x2000  }
0x13f: {  	[sflag:s18] =	ssyncset.done $0x0  }
0x140: {  	[sflag:s18] =	ssyncadd.s32 $0xFFFFE000  }
0x141: {  	_ =	swait.ge [sflag:s18], $0x2000  }
0x142: {  	[sflag:s18] =	ssyncset.done $0x0  }
0x143: {  	[sflag:s18] =	ssyncadd.s32 $0xFFFFE000  }
0x144: {  	[bflag:$0x0] =	sbarrier.arrive $0xFFFF  }
0x145: {  	s20 =	sshrl.u32 @!p0 s1, $0x3;
	s21 =	simm.s32 @!p0 $0x1C05;
	s22 =	rddreg [dreg:$0x15]  }
0x146: {  	[hbm:s22], [sflag:s21] =	dma.local @!p0 [spmem:s20], $0x4400  }
0x147: {  	s20 =	simm.s32 @!p0 $0x5  }
0x148: {  	_ =	swait.ge @!p0 [sflag:s20], $0x4400  }
0x149: {  	s19 =	sadd.s32 $0x1, s19;
	s29 =	rddreg [dreg:$0x16]  }
0x14a: {  	p1 =	sne.s32 s19, s29  }
.Ltmp1:
0x14b: {  	_ = 	snop;
	(pc) =	sbr.rel @p1 .LBB2_1-.Ltmp1, $3  }
0x14c: {  	_ =	sdelay $0x1  }
0x14d: {  	[sflag:s20] =	ssyncset.done @!p0 $0x0  }
0x14e: {  	[sflag:s20] =	ssyncadd.s32 @!p0 $0xFFFFBC00  }
0x14f: {  	_ =	sfence.sel $0x180000  }
0x150: {  	[bflag:$0x0] =	sbarrier.arrive $0xFFFF  }
0x151: {  	_ =	strace $0x90000047  }
0x152: {  	[bflag:$0x2] =	sbarrier.arrive $0xFFFF  }
0x153: {  	s0 =	rddreg [dreg:$0x3]  }
0x154: {  	s0 =	sadd.s32 @!p0 $0x100000, s0  }
0x155: {  	[sflag:s0] =	ssyncadd.tile.s32 @!p0 $0x1;
	_ =	shalt  }
.Lfunc_end2:
_tile_overlayer_lowered:
.L_overlay_start_2:
0x156: {  	(tag) =	ssettag $0x2  }
0x157: {  	s0 =	rddreg [dreg:$0x0];
	s2 =	stileid.u32  }
0x158: {  	s1 =	rddreg [dreg:$0x1];
	p0 =	sne.s32 s2, $0x0  }
0x159: {  	s3 =	rddreg [dreg:$0x2];
	[bflag:$0x3] =	sbarrier.arrive $0xFFFF;
	s2 =	simm.s32 @!p0 $0x1C05  }
0x15a: {  	[timem:s3], [sflag:s2] =	dma.local @!p0 [hbm:s0], s1  }
0x15b: {  	s0 =	simm.s32 @!p0 $0x5  }
0x15c: {  	_ =	swait.ge @!p0 [sflag:s0], s1  }
0x15d: {  	s1 =	ssub.s32 @!p0 $0x0, s1;
	[sflag:s0] =	ssyncset.done @!p0 $0x0  }
0x15e: {  	[sflag:s0] =	ssyncadd.s32 @!p0 s1  }
0x15f: {  	[bflag:$0x3] =	sbarrier.arrive $0xFFFF  }
0x160: {  	_ =	shalt  }

</sc_bundles>
